<compile_context>
chip_gen: v7x
topology: tpu7x:2x2x1
jax: 0.10.2.dev20260603
libtpu: 0.0.44.dev20260713+nightly
codegen_flags: <defaults>
</compile_context>

<pallas_src>
import functools
import math

import jax
import jax.numpy as jnp
import numpy as np
from jax import lax
from jax.experimental import pallas as pl
from jax.experimental.pallas import tpu as pltpu
from jax.experimental.pallas import tpu_sc as plsc

B, S, D, H, HD, E, K, FFN, EPS = 1, 2048, 768, 12, 64, 8, 2, 1024, 1e-06
HALF = D // 2
BS = 512
BQ = 1024
BK = 1024
NEG = -1e30

_PERM = np.empty((D,), np.int32)
for _part in range(2):
    for _h in range(H):
        for _j in range(HD // 2):
            _PERM[_part * HALF + _h * (HD // 2) + _j] = _h * HD + 2 * _j + _part


def _pre_attn_body(q_ref, w_ref, cos_ref, sin_ref, wq_ref, wk_ref, wv_ref,
                   qn_ref, xq_ref, xk_ref, xv_ref):
    qb = q_ref[...]
    ms = jnp.mean(qb * qb, axis=1, keepdims=True)
    qn = qb * jax.lax.rsqrt(ms + EPS) * w_ref[...]
    qn_ref[...] = qn
    cos = cos_ref[...]
    sin = sin_ref[...]

    def rot_store(w_ref, out_ref):
        x = jnp.dot(qn, w_ref[...], preferred_element_type=jnp.float32)
        re, im = x[:, :HALF], x[:, HALF:]
        a = (re * cos - im * sin).astype(jnp.bfloat16)
        b = (re * sin + im * cos).astype(jnp.bfloat16)
        hw = HD // 2
        for h in range(H):
            out_ref[h, :, :hw] = a[:, h * hw:(h + 1) * hw]
            out_ref[h, :, hw:] = b[:, h * hw:(h + 1) * hw]

    rot_store(wq_ref, xq_ref)
    rot_store(wk_ref, xk_ref)
    xv = jnp.dot(qn, wv_ref[...],
                 preferred_element_type=jnp.float32).astype(jnp.bfloat16)
    for h in range(H):
        xv_ref[h] = xv[:, h * HD:(h + 1) * HD]


def _pre_attn(q, attn_norm_w, cosf, sinf, wq_p, wk_p, wv):
    nblk = S // BS
    return pl.pallas_call(
        _pre_attn_body,
        grid=(nblk,),
        in_specs=[
            pl.BlockSpec((BS, D), lambda i: (i, 0)),
            pl.BlockSpec((1, D), lambda i: (0, 0)),
            pl.BlockSpec((BS, HALF), lambda i: (i, 0)),
            pl.BlockSpec((BS, HALF), lambda i: (i, 0)),
            pl.BlockSpec((D, D), lambda i: (0, 0)),
            pl.BlockSpec((D, D), lambda i: (0, 0)),
            pl.BlockSpec((D, D), lambda i: (0, 0)),
        ],
        out_specs=[
            pl.BlockSpec((BS, D), lambda i: (i, 0)),
            pl.BlockSpec((H, BS, HD), lambda i: (0, i, 0)),
            pl.BlockSpec((H, BS, HD), lambda i: (0, i, 0)),
            pl.BlockSpec((H, BS, HD), lambda i: (0, i, 0)),
        ],
        out_shape=[
            jax.ShapeDtypeStruct((S, D), jnp.float32),
            jax.ShapeDtypeStruct((H, S, HD), jnp.bfloat16),
            jax.ShapeDtypeStruct((H, S, HD), jnp.bfloat16),
            jax.ShapeDtypeStruct((H, S, HD), jnp.bfloat16),
        ],
    )(q, attn_norm_w.reshape(1, D), cosf, sinf, wq_p, wk_p, wv)


def _flash_body(q_ref, k_ref, v_ref, o_ref):
    i = pl.program_id(1)
    r = BQ // BK

    for hg in range(2):
        q = q_ref[hg]

        def tile(j, carry, doff):
            m, l, acc = carry
            k = k_ref[hg, pl.ds(j * BK, BK), :]
            v = v_ref[hg, pl.ds(j * BK, BK), :]
            s = jax.lax.dot_general(q, k, (((1,), (1,)), ((), ())),
                                    preferred_element_type=jnp.float32)
            if doff is not None:
                rows = jax.lax.broadcasted_iota(jnp.int32, (BQ, BK), 0)
                cols = doff + jax.lax.broadcasted_iota(jnp.int32, (BQ, BK), 1)
                s = jnp.where(rows >= cols, s, NEG)
            m_new = jnp.maximum(m, jnp.max(s, axis=1, keepdims=True))
            p = jnp.exp(s - m_new)
            alpha = jnp.exp(m - m_new)
            l_new = l * alpha + jnp.sum(p, axis=1, keepdims=True)
            acc_new = acc * alpha + jnp.dot(p.astype(jnp.bfloat16), v,
                                            preferred_element_type=jnp.float32)
            return m_new, l_new, acc_new

        m0 = jnp.full((BQ, 1), NEG, jnp.float32)
        l0 = jnp.zeros((BQ, 1), jnp.float32)
        a0 = jnp.zeros((BQ, HD), jnp.float32)
        carry = jax.lax.fori_loop(0, r * i, lambda j, c: tile(j, c, None),
                                  (m0, l0, a0))
        for t in range(r):
            carry = tile(r * i + t, carry, t * BK)
        m, l, acc = carry
        o_ref[:, hg * HD:(hg + 1) * HD] = acc / l


def _flash_attn(xq, xk, xv):
    nq = S // BQ
    return pl.pallas_call(
        _flash_body,
        grid=(H // 2, nq),
        in_specs=[
            pl.BlockSpec((2, BQ, HD), lambda g, i: (g, i, 0)),
            pl.BlockSpec((2, S, HD), lambda g, i: (g, 0, 0)),
            pl.BlockSpec((2, S, HD), lambda g, i: (g, 0, 0)),
        ],
        out_specs=pl.BlockSpec((BQ, 2 * HD), lambda g, i: (i, g)),
        out_shape=jax.ShapeDtypeStruct((S, D), jnp.float32),
    )(xq, xk, xv)


def _post_attn_body(attn_ref, qn_ref, wo_ref, wn_ref, wr_ref, br_ref,
                    h_ref, x_ref, g_ref, gg_ref):
    attn = attn_ref[...]
    h = qn_ref[...] + jnp.dot(attn, wo_ref[...], preferred_element_type=jnp.float32)
    h_ref[...] = h
    ms = jnp.mean(h * h, axis=1, keepdims=True)
    x = h * jax.lax.rsqrt(ms + EPS) * wn_ref[...]
    x_ref[...] = x
    lg = jnp.dot(x, wr_ref[...], preferred_element_type=jnp.float32) + br_ref[...]
    idx = jax.lax.broadcasted_iota(jnp.int32, (BS, 128), 1)
    m1 = jnp.max(lg, axis=1, keepdims=True)
    i1 = jnp.min(jnp.where(lg == m1, idx, 128), axis=1, keepdims=True)
    lg2 = jnp.where(idx == i1, NEG, lg)
    m2 = jnp.max(lg2, axis=1, keepdims=True)
    i2 = jnp.min(jnp.where(lg2 == m2, idx, 128), axis=1, keepdims=True)
    e2 = jnp.exp(m2 - m1)
    g1 = 1.0 / (1.0 + e2)
    g2 = 1.0 - g1
    g_ref[...] = jnp.where(idx == 0, i1.astype(jnp.float32),
                           jnp.where(idx == 1, i2.astype(jnp.float32), 0.0))
    gg_ref[...] = jnp.where(idx == 0, g1, jnp.where(idx == 1, g2, 0.0))


def _post_attn(attn, qn, wo, ffn_norm_w, wr_pad, br_pad):
    nblk = S // BS
    return pl.pallas_call(
        _post_attn_body,
        grid=(nblk,),
        in_specs=[
            pl.BlockSpec((BS, D), lambda i: (i, 0)),
            pl.BlockSpec((BS, D), lambda i: (i, 0)),
            pl.BlockSpec((D, D), lambda i: (0, 0)),
            pl.BlockSpec((1, D), lambda i: (0, 0)),
            pl.BlockSpec((D, 128), lambda i: (0, 0)),
            pl.BlockSpec((1, 128), lambda i: (0, 0)),
        ],
        out_specs=[
            pl.BlockSpec((BS, D), lambda i: (i, 0)),
            pl.BlockSpec((BS, D), lambda i: (i, 0)),
            pl.BlockSpec((BS, 128), lambda i: (i, 0)),
            pl.BlockSpec((BS, 128), lambda i: (i, 0)),
        ],
        out_shape=[
            jax.ShapeDtypeStruct((S, D), jnp.float32),
            jax.ShapeDtypeStruct((S, D), jnp.float32),
            jax.ShapeDtypeStruct((S, 128), jnp.float32),
            jax.ShapeDtypeStruct((S, 128), jnp.float32),
        ],
    )(attn, qn, wo, ffn_norm_w.reshape(1, D), wr_pad, br_pad)


TB = 256
NB = S * K // TB + E
NBUF = NB * TB


def _sc_gather(table, idx, m):
    info = plsc.get_sparse_core_info()
    nc, ns = info.num_cores, info.num_subcores
    b_per_w = m // (nc * ns)
    ch = 64 if b_per_w % 64 == 0 else 40
    nch = b_per_w // ch
    mesh = plsc.VectorSubcoreMesh(core_axis_name="c", subcore_axis_name="s")

    @functools.partial(
        pl.kernel, mesh=mesh,
        out_type=jax.ShapeDtypeStruct((m, D), jnp.float32),
        scratch_types=(
            [pltpu.VMEM((ch,), jnp.int32) for _ in range(nch)]
            + [pltpu.VMEM((ch, D), jnp.float32) for _ in range(2)]
            + [pltpu.SemaphoreType.DMA for _ in range(2)]
        ),
    )
    def k(table_hbm, idx_hbm, out_hbm, *scr):
        idxs, buf, sem = scr[:nch], scr[nch:nch + 2], scr[nch + 2:nch + 4]
        wid = lax.axis_index("s") * nc + lax.axis_index("c")
        base = wid * b_per_w
        for c in range(nch):
            pltpu.sync_copy(idx_hbm.at[pl.ds(base + c * ch, ch)], idxs[c])
        g = [None] * nch
        g[0] = pltpu.async_copy(table_hbm.at[idxs[0]], buf[0], sem[0])
        if nch > 1:
            g[1] = pltpu.async_copy(table_hbm.at[idxs[1]], buf[1], sem[1])
        for c in range(nch):
            g[c].wait()
            pltpu.sync_copy(buf[c % 2], out_hbm.at[pl.ds(base + c * ch, ch)])
            if c + 2 < nch:
                g[c + 2] = pltpu.async_copy(table_hbm.at[idxs[c + 2]],
                                            buf[c % 2], sem[c % 2])

    return k(table, idx)


def _grouped_body(be_ref, xg_ref, w1_ref, w2_ref, w3_ref, o_ref):
    del be_ref
    x = xg_ref[...]
    a = jnp.dot(x, w1_ref[0], preferred_element_type=jnp.float32)
    b = jnp.dot(x, w3_ref[0], preferred_element_type=jnp.float32)
    o_ref[...] = jnp.dot(a * jax.nn.sigmoid(a) * b, w2_ref[0],
                         preferred_element_type=jnp.float32)


def _moe_grouped(xg, block_expert, w1, w2, w3, nb):
    grid_spec = pltpu.PrefetchScalarGridSpec(
        num_scalar_prefetch=1,
        grid=(nb,),
        in_specs=[
            pl.BlockSpec((TB, D), lambda b, be: (b, 0)),
            pl.BlockSpec((1, D, FFN), lambda b, be: (be[b], 0, 0)),
            pl.BlockSpec((1, FFN, D), lambda b, be: (be[b], 0, 0)),
            pl.BlockSpec((1, D, FFN), lambda b, be: (be[b], 0, 0)),
        ],
        out_specs=pl.BlockSpec((TB, D), lambda b, be: (b, 0)),
    )
    return pl.pallas_call(
        _grouped_body,
        grid_spec=grid_spec,
        out_shape=jax.ShapeDtypeStruct((NBUF, D), jnp.float32),
    )(block_expert, xg, w1, w2, w3)


def _combine_body(h_ref, y1_ref, y2_ref, gg_ref, o_ref):
    lane = jax.lax.broadcasted_iota(jnp.int32, (BS, 128), 1)
    gg = gg_ref[...]
    g1 = jnp.sum(jnp.where(lane == 0, gg, 0.0), axis=1, keepdims=True)
    g2 = jnp.sum(jnp.where(lane == 1, gg, 0.0), axis=1, keepdims=True)
    o_ref[...] = h_ref[...] + g1 * y1_ref[...] + g2 * y2_ref[...]


def _combine(h, yg, gg):
    nblk = S // BS
    return pl.pallas_call(
        _combine_body,
        grid=(nblk,),
        in_specs=[
            pl.BlockSpec((BS, D), lambda i: (i, 0)),
            pl.BlockSpec((BS, D), lambda i: (i, 0)),
            pl.BlockSpec((BS, D), lambda i: (i + S // BS, 0)),
            pl.BlockSpec((BS, 128), lambda i: (i, 0)),
        ],
        out_specs=pl.BlockSpec((BS, D), lambda i: (i, 0)),
        out_shape=jax.ShapeDtypeStruct((S, D), jnp.float32),
    )(h, yg, yg, gg)


def kernel(q, k, v, freqs_cis, is_causal, attn_norm_w, ffn_norm_w,
           Wq, Wk, Wv, Wo, Wr, br, Wn, bn, w1, w2, w3):
    del k, v, is_causal, Wn, bn
    q2 = q.reshape(S, D)
    perm = jnp.asarray(_PERM)
    wq_p = Wq[:, perm] * (1.0 / math.sqrt(HD))
    wk_p = Wk[:, perm]
    cos = freqs_cis[:, :, 0]
    sin = freqs_cis[:, :, 1]
    cosf = jnp.tile(cos, (1, H))
    sinf = jnp.tile(sin, (1, H))

    qn, xqh, xkh, xvh = _pre_attn(q2, attn_norm_w, cosf, sinf, wq_p, wk_p, Wv)

    attn_flat = _flash_attn(xqh, xkh, xvh)

    wr_pad = jnp.zeros((D, 128), jnp.float32).at[:, :E].set(Wr)
    br_pad = jnp.full((1, 128), -1e9, jnp.float32).at[0, :E].set(br)
    h, x, idxf, gg = _post_attn(attn_flat, qn, Wo, ffn_norm_w, wr_pad, br_pad)

    ea = jnp.concatenate([idxf[:, 0], idxf[:, 1]]).astype(jnp.int32)
    onehot = (ea[:, None] == jnp.arange(E)[None, :]).astype(jnp.int32)
    crank = jnp.cumsum(onehot, axis=0) - onehot
    rank = jnp.sum(crank * onehot, axis=1)
    counts = jnp.sum(onehot, axis=0)
    nblk_e = (counts + TB - 1) // TB
    cumblk = jnp.cumsum(nblk_e)
    row_start = (cumblk - nblk_e) * TB
    dest = row_start[ea] + rank
    tok = jnp.tile(jnp.arange(S, dtype=jnp.int32), 2)
    src = (jnp.arange(NBUF, dtype=jnp.int32) % S).at[dest].set(tok)
    block_expert = jnp.minimum(
        jnp.sum((jnp.arange(NB)[:, None] >= cumblk[None, :]).astype(jnp.int32),
                axis=1), E - 1).astype(jnp.int32)

    xg = _sc_gather(x, src, NBUF)
    ys = _moe_grouped(xg, block_expert, w1, w2, w3,
                      cumblk[-1])
    yg = _sc_gather(ys, dest.astype(jnp.int32), S * K)
    out = _combine(h, yg, gg)
    return out.reshape(B, S, D)

# --- scband reference (transcript-rebuilt; emitter-appended) ---
"""Pipeline reference for scband-lla-ma-block-sparse-mo-e-46523085750484 (READ-ONLY COPY).

The authoritative reference and input builder live on the scoring server;
editing this copy changes nothing except your own understanding.
"""

import jax, jax.numpy as jnp
import numpy as np
import math

B, S, D, H, HD, E, K, FFN, EPS = 1, 2048, 768, 12, 64, 8, 2, 1024, 1e-06

def rmsnorm(x, w, eps=EPS):
    return x * jax.lax.rsqrt(jnp.mean(x * x, axis=-1, keepdims=True) + eps) * w

def apply_rotary(x, freqs_cis):
    xr = x.reshape(x.shape[0], x.shape[1], x.shape[2], HD // 2, 2)
    cos = freqs_cis[None, :, None, :, 0]
    sin = freqs_cis[None, :, None, :, 1]
    xre, xim = xr[..., 0], xr[..., 1]
    out = jnp.stack([xre * cos - xim * sin, xre * sin + xim * cos], axis=-1)
    return out.reshape(x.shape)

def ffn_llama(x, w1, w2, w3):
    return (jax.nn.silu(x @ w1) * (x @ w3)) @ w2

def setup_inputs(seed: int = 0):
    key = jax.random.key(seed)
    ks = jax.random.split(key, 24)
    sc = 0.02
    freqs = 1.0 / (10000.0 ** (jnp.arange(0, HD, 2, dtype=jnp.float32) / HD))
    ang = jnp.outer(jnp.arange(S, dtype=jnp.float32), freqs)
    inp = {
        'q': jax.random.normal(ks[0], (B, S, D), jnp.float32),
        'k': jax.random.normal(ks[1], (B, S, D), jnp.float32),
        'v': jax.random.normal(ks[2], (B, S, D), jnp.float32),
        'freqs_cis': jnp.stack([jnp.cos(ang), jnp.sin(ang)], axis=-1).astype(jnp.float32),
        'is_causal': True,
        'attn_norm_w': jnp.ones((D,), jnp.float32),
        'ffn_norm_w': jnp.ones((D,), jnp.float32),
        'Wq': sc * jax.random.normal(ks[3], (D, D), jnp.float32),
        'Wk': sc * jax.random.normal(ks[4], (D, D), jnp.float32),
        'Wv': sc * jax.random.normal(ks[5], (D, D), jnp.float32),
        'Wo': sc * jax.random.normal(ks[6], (D, D), jnp.float32),
        'Wr': sc * jax.random.normal(ks[7], (D, E), jnp.float32),
        'br': jnp.zeros((E,), jnp.float32),
        'Wn': sc * jax.random.normal(ks[8], (D, E), jnp.float32),
        'bn': jnp.zeros((E,), jnp.float32),
        'w1': sc * jax.random.normal(ks[9], (E, D, FFN), jnp.float32),
        'w2': sc * jax.random.normal(ks[10], (E, FFN, D), jnp.float32),
        'w3': sc * jax.random.normal(ks[11], (E, D, FFN), jnp.float32),
    }
    return inp

def reference(q, k, v, freqs_cis, is_causal, attn_norm_w, ffn_norm_w, Wq, Wk, Wv, Wo, Wr, br, Wn, bn, w1, w2, w3):
    # LLaMa block: pre-norm, self-attn path clones normalized q for k/v
    qn = rmsnorm(q, attn_norm_w)
    xq = (qn @ Wq).reshape(B, S, H, HD)
    xk = (qn @ Wk).reshape(B, S, H, HD)
    xv = (qn @ Wv).reshape(B, S, H, HD)
    xq = apply_rotary(xq, freqs_cis)
    xk = apply_rotary(xk, freqs_cis)
    xq = jnp.transpose(xq, (0, 2, 1, 3))
    xk = jnp.transpose(xk, (0, 2, 1, 3))
    xv = jnp.transpose(xv, (0, 2, 1, 3))
    scores = (xq @ jnp.swapaxes(xk, -1, -2)) / math.sqrt(HD)
    cmask = jnp.triu(jnp.full((S, S), -1e9, dtype=jnp.float32), k=1)
    scores = scores + jnp.where(is_causal, cmask, jnp.zeros_like(cmask))
    probs = jax.nn.softmax(scores, axis=-1)
    attn = jnp.transpose(probs @ xv, (0, 2, 1, 3)).reshape(B, S, D) @ Wo
    h = qn + attn
    # SparseMoE (eval mode: no router noise, no dropout)
    x = rmsnorm(h, ffn_norm_w)
    logits = x @ Wr + br
    _noise_logits = x @ Wn + bn  # computed but unused in eval mode
    top_vals, idx = jax.lax.top_k(logits, K)
    emask = jnp.any(idx[..., None] == jnp.arange(E), axis=-2)
    gating = jax.nn.softmax(jnp.where(emask, logits, -jnp.inf), axis=-1)
    out = jnp.zeros_like(x)
    for i in range(E):
        out = out + gating[..., i:i + 1] * ffn_llama(x, w1[i], w2[i], w3[i])
    return h + out

if __name__ == "__main__":
    import jax
    _d = setup_inputs()
    print(jax.jit(kernel)(*tuple(_d.values())))

</pallas_src>

<mosaic_0001>
#map = affine_map<(d0, d1) -> (0, 0)>
#map1 = affine_map<(d0, d1) -> (0)>
module attributes {stable_mosaic.version = 14 : i64} {
  func.func @k(%arg0: i32, %arg1: i32, %arg2: memref<6144x768xf32, #tpu.memory_space<hbm>>, %arg3: memref<4096xi32, #tpu.memory_space<hbm>>, %arg4: memref<4096x768xf32, #tpu.memory_space<hbm>>, %arg5: memref<64xi32, #tpu.memory_space<vmem>>, %arg6: memref<64xi32, #tpu.memory_space<vmem>>, %arg7: memref<64x768xf32, #tpu.memory_space<vmem>>, %arg8: memref<64x768xf32, #tpu.memory_space<vmem>>, %arg9: memref<!tpu.dma_semaphore, #tpu.memory_space<semaphore_mem>>, %arg10: memref<!tpu.dma_semaphore, #tpu.memory_space<semaphore_mem>>) attributes {dimension_semantics = [#tpu.dimension_semantics<core_parallel>, #tpu.dimension_semantics<subcore_parallel>], iteration_bounds = array<i64: 2, 16>, scalar_prefetch = 0 : i64, scratch_operands = 6 : i64, tpu.core_type = #tpu.core_type<sc_vector_subcore>, window_params = [{transform_indices = #map}, {transform_indices = #map1}, {transform_indices = #map}]} {
    %mul3A = arith.constant 2 : i32
    %mul3A_0 = arith.muli %arg1, %mul3A : i32
    %add3A = arith.addi %mul3A_0, %arg0 : i32
    %mul3A_1 = arith.constant 128 : i32
    %mul3A_2 = arith.muli %add3A, %mul3A_1 : i32
    %add3A_3 = arith.constant 0 : i32
    %add3A_4 = arith.addi %mul3A_2, %add3A_3 : i32
    "tpu.region"() ({
      %run_scoped3A = tpu.sem_alloc : memref<!tpu.dma_semaphore, #tpu.memory_space<semaphore_mem>>
      %dma_start3A_21 = tpu.memref_slice %arg3[%add3A_4] : memref<4096xi32, #tpu.memory_space<hbm>> -> memref<64xi32, #tpu.memory_space<hbm>>
      %dma_start3A_22 = tpu.memref_slice %arg3[%add3A_4] : memref<4096xi32, #tpu.memory_space<hbm>> -> memref<64xi32, #tpu.memory_space<hbm>>
      tpu.enqueue_dma source(%dma_start3A_22 : memref<64xi32, #tpu.memory_space<hbm>>) target(%arg5 : memref<64xi32, #tpu.memory_space<vmem>>) target_semaphore(%run_scoped3A : memref<!tpu.dma_semaphore, #tpu.memory_space<semaphore_mem>>)
      %dma_wait3A_23 = tpu.memref_slice %arg3[%add3A_4] : memref<4096xi32, #tpu.memory_space<hbm>> -> memref<64xi32, #tpu.memory_space<hbm>>
      %dma_wait3A_24 = tpu.memref_slice %arg3[%add3A_4] : memref<4096xi32, #tpu.memory_space<hbm>> -> memref<64xi32, #tpu.memory_space<hbm>>
      tpu.wait_dma2 semaphore(%run_scoped3A : memref<!tpu.dma_semaphore, #tpu.memory_space<semaphore_mem>>) src(%dma_wait3A_24 : memref<64xi32, #tpu.memory_space<hbm>>) dst(%arg5 : memref<64xi32, #tpu.memory_space<vmem>>)
      tpu.yield
    }) : () -> ()
    %add3A_5 = arith.constant 64 : i32
    %add3A_6 = arith.addi %mul3A_2, %add3A_5 : i32
    "tpu.region"() ({
      %run_scoped3A = tpu.sem_alloc : memref<!tpu.dma_semaphore, #tpu.memory_space<semaphore_mem>>
      %dma_start3A_21 = tpu.memref_slice %arg3[%add3A_6] : memref<4096xi32, #tpu.memory_space<hbm>> -> memref<64xi32, #tpu.memory_space<hbm>>
      %dma_start3A_22 = tpu.memref_slice %arg3[%add3A_6] : memref<4096xi32, #tpu.memory_space<hbm>> -> memref<64xi32, #tpu.memory_space<hbm>>
      tpu.enqueue_dma source(%dma_start3A_22 : memref<64xi32, #tpu.memory_space<hbm>>) target(%arg6 : memref<64xi32, #tpu.memory_space<vmem>>) target_semaphore(%run_scoped3A : memref<!tpu.dma_semaphore, #tpu.memory_space<semaphore_mem>>)
      %dma_wait3A_23 = tpu.memref_slice %arg3[%add3A_6] : memref<4096xi32, #tpu.memory_space<hbm>> -> memref<64xi32, #tpu.memory_space<hbm>>
      %dma_wait3A_24 = tpu.memref_slice %arg3[%add3A_6] : memref<4096xi32, #tpu.memory_space<hbm>> -> memref<64xi32, #tpu.memory_space<hbm>>
      tpu.wait_dma2 semaphore(%run_scoped3A : memref<!tpu.dma_semaphore, #tpu.memory_space<semaphore_mem>>) src(%dma_wait3A_24 : memref<64xi32, #tpu.memory_space<hbm>>) dst(%arg6 : memref<64xi32, #tpu.memory_space<vmem>>)
      tpu.yield
    }) : () -> ()
    %dma_start3A = arith.constant 0 : i32
    %dma_start3A_7 = arith.constant 0 : i32
    %dma_start3A_8 = tpu.memref_slice %arg2[%dma_start3A, %dma_start3A_7] : memref<6144x768xf32, #tpu.memory_space<hbm>> -> memref<6144x768xf32, #tpu.memory_space<hbm>>
    tpu.enqueue_indirect_dma source(%dma_start3A_8 : memref<6144x768xf32, #tpu.memory_space<hbm>>) target(%arg7 : memref<64x768xf32, #tpu.memory_space<vmem>>) offsets(%arg5 : memref<64xi32, #tpu.memory_space<vmem>>) semaphore(%arg9 : memref<!tpu.dma_semaphore, #tpu.memory_space<semaphore_mem>>)
    %dma_start3A_9 = arith.constant 0 : i32
    %dma_start3A_10 = arith.constant 0 : i32
    %dma_start3A_11 = tpu.memref_slice %arg2[%dma_start3A_9, %dma_start3A_10] : memref<6144x768xf32, #tpu.memory_space<hbm>> -> memref<6144x768xf32, #tpu.memory_space<hbm>>
    tpu.enqueue_indirect_dma source(%dma_start3A_11 : memref<6144x768xf32, #tpu.memory_space<hbm>>) target(%arg8 : memref<64x768xf32, #tpu.memory_space<vmem>>) offsets(%arg6 : memref<64xi32, #tpu.memory_space<vmem>>) semaphore(%arg10 : memref<!tpu.dma_semaphore, #tpu.memory_space<semaphore_mem>>)
    %dma_wait3A = arith.constant 0 : i32
    %dma_wait3A_12 = arith.constant 0 : i32
    %dma_wait3A_13 = tpu.memref_slice %arg2[%dma_wait3A, %dma_wait3A_12] : memref<6144x768xf32, #tpu.memory_space<hbm>> -> memref<6144x768xf32, #tpu.memory_space<hbm>>
    tpu.wait_indirect_dma semaphore(%arg9 : memref<!tpu.dma_semaphore, #tpu.memory_space<semaphore_mem>>) src(%dma_wait3A_13 : memref<6144x768xf32, #tpu.memory_space<hbm>>) dst(%arg7 : memref<64x768xf32, #tpu.memory_space<vmem>>)
    %add3A_14 = arith.constant 0 : i32
    %add3A_15 = arith.addi %mul3A_2, %add3A_14 : i32
    "tpu.region"() ({
      %run_scoped3A = tpu.sem_alloc : memref<!tpu.dma_semaphore, #tpu.memory_space<semaphore_mem>>
      %dma_start3A_21 = arith.constant 0 : i32
      %dma_start3A_22 = tpu.memref_slice %arg4[%add3A_15, %dma_start3A_21] : memref<4096x768xf32, #tpu.memory_space<hbm>> -> memref<64x768xf32, #tpu.memory_space<hbm>>
      %dma_start3A_23 = arith.constant 0 : i32
      %dma_start3A_24 = tpu.memref_slice %arg4[%add3A_15, %dma_start3A_23] : memref<4096x768xf32, #tpu.memory_space<hbm>> -> memref<64x768xf32, #tpu.memory_space<hbm>>
      tpu.enqueue_dma source(%arg7 : memref<64x768xf32, #tpu.memory_space<vmem>>) target(%dma_start3A_24 : memref<64x768xf32, #tpu.memory_space<hbm>>) target_semaphore(%run_scoped3A : memref<!tpu.dma_semaphore, #tpu.memory_space<semaphore_mem>>)
      %dma_wait3A_25 = arith.constant 0 : i32
      %dma_wait3A_26 = tpu.memref_slice %arg4[%add3A_15, %dma_wait3A_25] : memref<4096x768xf32, #tpu.memory_space<hbm>> -> memref<64x768xf32, #tpu.memory_space<hbm>>
      %dma_wait3A_27 = arith.constant 0 : i32
      %dma_wait3A_28 = tpu.memref_slice %arg4[%add3A_15, %dma_wait3A_27] : memref<4096x768xf32, #tpu.memory_space<hbm>> -> memref<64x768xf32, #tpu.memory_space<hbm>>
      tpu.wait_dma2 semaphore(%run_scoped3A : memref<!tpu.dma_semaphore, #tpu.memory_space<semaphore_mem>>) src(%arg7 : memref<64x768xf32, #tpu.memory_space<vmem>>) dst(%dma_wait3A_28 : memref<64x768xf32, #tpu.memory_space<hbm>>)
      tpu.yield
    }) : () -> ()
    %dma_wait3A_16 = arith.constant 0 : i32
    %dma_wait3A_17 = arith.constant 0 : i32
    %dma_wait3A_18 = tpu.memref_slice %arg2[%dma_wait3A_16, %dma_wait3A_17] : memref<6144x768xf32, #tpu.memory_space<hbm>> -> memref<6144x768xf32, #tpu.memory_space<hbm>>
    tpu.wait_indirect_dma semaphore(%arg10 : memref<!tpu.dma_semaphore, #tpu.memory_space<semaphore_mem>>) src(%dma_wait3A_18 : memref<6144x768xf32, #tpu.memory_space<hbm>>) dst(%arg8 : memref<64x768xf32, #tpu.memory_space<vmem>>)
    %add3A_19 = arith.constant 64 : i32
    %add3A_20 = arith.addi %mul3A_2, %add3A_19 : i32
    "tpu.region"() ({
      %run_scoped3A = tpu.sem_alloc : memref<!tpu.dma_semaphore, #tpu.memory_space<semaphore_mem>>
      %dma_start3A_21 = arith.constant 0 : i32
      %dma_start3A_22 = tpu.memref_slice %arg4[%add3A_20, %dma_start3A_21] : memref<4096x768xf32, #tpu.memory_space<hbm>> -> memref<64x768xf32, #tpu.memory_space<hbm>>
      %dma_start3A_23 = arith.constant 0 : i32
      %dma_start3A_24 = tpu.memref_slice %arg4[%add3A_20, %dma_start3A_23] : memref<4096x768xf32, #tpu.memory_space<hbm>> -> memref<64x768xf32, #tpu.memory_space<hbm>>
      tpu.enqueue_dma source(%arg8 : memref<64x768xf32, #tpu.memory_space<vmem>>) target(%dma_start3A_24 : memref<64x768xf32, #tpu.memory_space<hbm>>) target_semaphore(%run_scoped3A : memref<!tpu.dma_semaphore, #tpu.memory_space<semaphore_mem>>)
      %dma_wait3A_25 = arith.constant 0 : i32
      %dma_wait3A_26 = tpu.memref_slice %arg4[%add3A_20, %dma_wait3A_25] : memref<4096x768xf32, #tpu.memory_space<hbm>> -> memref<64x768xf32, #tpu.memory_space<hbm>>
      %dma_wait3A_27 = arith.constant 0 : i32
      %dma_wait3A_28 = tpu.memref_slice %arg4[%add3A_20, %dma_wait3A_27] : memref<4096x768xf32, #tpu.memory_space<hbm>> -> memref<64x768xf32, #tpu.memory_space<hbm>>
      tpu.wait_dma2 semaphore(%run_scoped3A : memref<!tpu.dma_semaphore, #tpu.memory_space<semaphore_mem>>) src(%arg8 : memref<64x768xf32, #tpu.memory_space<vmem>>) dst(%dma_wait3A_28 : memref<64x768xf32, #tpu.memory_space<hbm>>)
      tpu.yield
    }) : () -> ()
    return
  }
}

#map = affine_map<(d0, d1) -> (0, 0)>
#map1 = affine_map<(d0, d1) -> (0)>
module attributes {stable_mosaic.version = 14 : i64} {
  func.func @k(%arg0: i32, %arg1: i32, %arg2: memref<2048x768xf32, #tpu.memory_space<hbm>>, %arg3: memref<6144xi32, #tpu.memory_space<hbm>>, %arg4: memref<6144x768xf32, #tpu.memory_space<hbm>>, %arg5: memref<64xi32, #tpu.memory_space<vmem>>, %arg6: memref<64xi32, #tpu.memory_space<vmem>>, %arg7: memref<64xi32, #tpu.memory_space<vmem>>, %arg8: memref<64x768xf32, #tpu.memory_space<vmem>>, %arg9: memref<64x768xf32, #tpu.memory_space<vmem>>, %arg10: memref<!tpu.dma_semaphore, #tpu.memory_space<semaphore_mem>>, %arg11: memref<!tpu.dma_semaphore, #tpu.memory_space<semaphore_mem>>) attributes {dimension_semantics = [#tpu.dimension_semantics<core_parallel>, #tpu.dimension_semantics<subcore_parallel>], iteration_bounds = array<i64: 2, 16>, scalar_prefetch = 0 : i64, scratch_operands = 7 : i64, tpu.core_type = #tpu.core_type<sc_vector_subcore>, window_params = [{transform_indices = #map}, {transform_indices = #map1}, {transform_indices = #map}]} {
    %mul3A = arith.constant 2 : i32
    %mul3A_0 = arith.muli %arg1, %mul3A : i32
    %add3A = arith.addi %mul3A_0, %arg0 : i32
    %mul3A_1 = arith.constant 192 : i32
    %mul3A_2 = arith.muli %add3A, %mul3A_1 : i32
    %add3A_3 = arith.constant 0 : i32
    %add3A_4 = arith.addi %mul3A_2, %add3A_3 : i32
    "tpu.region"() ({
      %run_scoped3A = tpu.sem_alloc : memref<!tpu.dma_semaphore, #tpu.memory_space<semaphore_mem>>
      %dma_start3A_31 = tpu.memref_slice %arg3[%add3A_4] : memref<6144xi32, #tpu.memory_space<hbm>> -> memref<64xi32, #tpu.memory_space<hbm>>
      %dma_start3A_32 = tpu.memref_slice %arg3[%add3A_4] : memref<6144xi32, #tpu.memory_space<hbm>> -> memref<64xi32, #tpu.memory_space<hbm>>
      tpu.enqueue_dma source(%dma_start3A_32 : memref<64xi32, #tpu.memory_space<hbm>>) target(%arg5 : memref<64xi32, #tpu.memory_space<vmem>>) target_semaphore(%run_scoped3A : memref<!tpu.dma_semaphore, #tpu.memory_space<semaphore_mem>>)
      %dma_wait3A_33 = tpu.memref_slice %arg3[%add3A_4] : memref<6144xi32, #tpu.memory_space<hbm>> -> memref<64xi32, #tpu.memory_space<hbm>>
      %dma_wait3A_34 = tpu.memref_slice %arg3[%add3A_4] : memref<6144xi32, #tpu.memory_space<hbm>> -> memref<64xi32, #tpu.memory_space<hbm>>
      tpu.wait_dma2 semaphore(%run_scoped3A : memref<!tpu.dma_semaphore, #tpu.memory_space<semaphore_mem>>) src(%dma_wait3A_34 : memref<64xi32, #tpu.memory_space<hbm>>) dst(%arg5 : memref<64xi32, #tpu.memory_space<vmem>>)
      tpu.yield
    }) : () -> ()
    %add3A_5 = arith.constant 64 : i32
    %add3A_6 = arith.addi %mul3A_2, %add3A_5 : i32
    "tpu.region"() ({
      %run_scoped3A = tpu.sem_alloc : memref<!tpu.dma_semaphore, #tpu.memory_space<semaphore_mem>>
      %dma_start3A_31 = tpu.memref_slice %arg3[%add3A_6] : memref<6144xi32, #tpu.memory_space<hbm>> -> memref<64xi32, #tpu.memory_space<hbm>>
      %dma_start3A_32 = tpu.memref_slice %arg3[%add3A_6] : memref<6144xi32, #tpu.memory_space<hbm>> -> memref<64xi32, #tpu.memory_space<hbm>>
      tpu.enqueue_dma source(%dma_start3A_32 : memref<64xi32, #tpu.memory_space<hbm>>) target(%arg6 : memref<64xi32, #tpu.memory_space<vmem>>) target_semaphore(%run_scoped3A : memref<!tpu.dma_semaphore, #tpu.memory_space<semaphore_mem>>)
      %dma_wait3A_33 = tpu.memref_slice %arg3[%add3A_6] : memref<6144xi32, #tpu.memory_space<hbm>> -> memref<64xi32, #tpu.memory_space<hbm>>
      %dma_wait3A_34 = tpu.memref_slice %arg3[%add3A_6] : memref<6144xi32, #tpu.memory_space<hbm>> -> memref<64xi32, #tpu.memory_space<hbm>>
      tpu.wait_dma2 semaphore(%run_scoped3A : memref<!tpu.dma_semaphore, #tpu.memory_space<semaphore_mem>>) src(%dma_wait3A_34 : memref<64xi32, #tpu.memory_space<hbm>>) dst(%arg6 : memref<64xi32, #tpu.memory_space<vmem>>)
      tpu.yield
    }) : () -> ()
    %add3A_7 = arith.constant 128 : i32
    %add3A_8 = arith.addi %mul3A_2, %add3A_7 : i32
    "tpu.region"() ({
      %run_scoped3A = tpu.sem_alloc : memref<!tpu.dma_semaphore, #tpu.memory_space<semaphore_mem>>
      %dma_start3A_31 = tpu.memref_slice %arg3[%add3A_8] : memref<6144xi32, #tpu.memory_space<hbm>> -> memref<64xi32, #tpu.memory_space<hbm>>
      %dma_start3A_32 = tpu.memref_slice %arg3[%add3A_8] : memref<6144xi32, #tpu.memory_space<hbm>> -> memref<64xi32, #tpu.memory_space<hbm>>
      tpu.enqueue_dma source(%dma_start3A_32 : memref<64xi32, #tpu.memory_space<hbm>>) target(%arg7 : memref<64xi32, #tpu.memory_space<vmem>>) target_semaphore(%run_scoped3A : memref<!tpu.dma_semaphore, #tpu.memory_space<semaphore_mem>>)
      %dma_wait3A_33 = tpu.memref_slice %arg3[%add3A_8] : memref<6144xi32, #tpu.memory_space<hbm>> -> memref<64xi32, #tpu.memory_space<hbm>>
      %dma_wait3A_34 = tpu.memref_slice %arg3[%add3A_8] : memref<6144xi32, #tpu.memory_space<hbm>> -> memref<64xi32, #tpu.memory_space<hbm>>
      tpu.wait_dma2 semaphore(%run_scoped3A : memref<!tpu.dma_semaphore, #tpu.memory_space<semaphore_mem>>) src(%dma_wait3A_34 : memref<64xi32, #tpu.memory_space<hbm>>) dst(%arg7 : memref<64xi32, #tpu.memory_space<vmem>>)
      tpu.yield
    }) : () -> ()
    %dma_start3A = arith.constant 0 : i32
    %dma_start3A_9 = arith.constant 0 : i32
    %dma_start3A_10 = tpu.memref_slice %arg2[%dma_start3A, %dma_start3A_9] : memref<2048x768xf32, #tpu.memory_space<hbm>> -> memref<2048x768xf32, #tpu.memory_space<hbm>>
    tpu.enqueue_indirect_dma source(%dma_start3A_10 : memref<2048x768xf32, #tpu.memory_space<hbm>>) target(%arg8 : memref<64x768xf32, #tpu.memory_space<vmem>>) offsets(%arg5 : memref<64xi32, #tpu.memory_space<vmem>>) semaphore(%arg10 : memref<!tpu.dma_semaphore, #tpu.memory_space<semaphore_mem>>)
    %dma_start3A_11 = arith.constant 0 : i32
    %dma_start3A_12 = arith.constant 0 : i32
    %dma_start3A_13 = tpu.memref_slice %arg2[%dma_start3A_11, %dma_start3A_12] : memref<2048x768xf32, #tpu.memory_space<hbm>> -> memref<2048x768xf32, #tpu.memory_space<hbm>>
    tpu.enqueue_indirect_dma source(%dma_start3A_13 : memref<2048x768xf32, #tpu.memory_space<hbm>>) target(%arg9 : memref<64x768xf32, #tpu.memory_space<vmem>>) offsets(%arg6 : memref<64xi32, #tpu.memory_space<vmem>>) semaphore(%arg11 : memref<!tpu.dma_semaphore, #tpu.memory_space<semaphore_mem>>)
    %dma_wait3A = arith.constant 0 : i32
    %dma_wait3A_14 = arith.constant 0 : i32
    %dma_wait3A_15 = tpu.memref_slice %arg2[%dma_wait3A, %dma_wait3A_14] : memref<2048x768xf32, #tpu.memory_space<hbm>> -> memref<2048x768xf32, #tpu.memory_space<hbm>>
    tpu.wait_indirect_dma semaphore(%arg10 : memref<!tpu.dma_semaphore, #tpu.memory_space<semaphore_mem>>) src(%dma_wait3A_15 : memref<2048x768xf32, #tpu.memory_space<hbm>>) dst(%arg8 : memref<64x768xf32, #tpu.memory_space<vmem>>)
    %add3A_16 = arith.constant 0 : i32
    %add3A_17 = arith.addi %mul3A_2, %add3A_16 : i32
    "tpu.region"() ({
      %run_scoped3A = tpu.sem_alloc : memref<!tpu.dma_semaphore, #tpu.memory_space<semaphore_mem>>
      %dma_start3A_31 = arith.constant 0 : i32
      %dma_start3A_32 = tpu.memref_slice %arg4[%add3A_17, %dma_start3A_31] : memref<6144x768xf32, #tpu.memory_space<hbm>> -> memref<64x768xf32, #tpu.memory_space<hbm>>
      %dma_start3A_33 = arith.constant 0 : i32
      %dma_start3A_34 = tpu.memref_slice %arg4[%add3A_17, %dma_start3A_33] : memref<6144x768xf32, #tpu.memory_space<hbm>> -> memref<64x768xf32, #tpu.memory_space<hbm>>
      tpu.enqueue_dma source(%arg8 : memref<64x768xf32, #tpu.memory_space<vmem>>) target(%dma_start3A_34 : memref<64x768xf32, #tpu.memory_space<hbm>>) target_semaphore(%run_scoped3A : memref<!tpu.dma_semaphore, #tpu.memory_space<semaphore_mem>>)
      %dma_wait3A_35 = arith.constant 0 : i32
      %dma_wait3A_36 = tpu.memref_slice %arg4[%add3A_17, %dma_wait3A_35] : memref<6144x768xf32, #tpu.memory_space<hbm>> -> memref<64x768xf32, #tpu.memory_space<hbm>>
      %dma_wait3A_37 = arith.constant 0 : i32
      %dma_wait3A_38 = tpu.memref_slice %arg4[%add3A_17, %dma_wait3A_37] : memref<6144x768xf32, #tpu.memory_space<hbm>> -> memref<64x768xf32, #tpu.memory_space<hbm>>
      tpu.wait_dma2 semaphore(%run_scoped3A : memref<!tpu.dma_semaphore, #tpu.memory_space<semaphore_mem>>) src(%arg8 : memref<64x768xf32, #tpu.memory_space<vmem>>) dst(%dma_wait3A_38 : memref<64x768xf32, #tpu.memory_space<hbm>>)
      tpu.yield
    }) : () -> ()
    %dma_start3A_18 = arith.constant 0 : i32
    %dma_start3A_19 = arith.constant 0 : i32
    %dma_start3A_20 = tpu.memref_slice %arg2[%dma_start3A_18, %dma_start3A_19] : memref<2048x768xf32, #tpu.memory_space<hbm>> -> memref<2048x768xf32, #tpu.memory_space<hbm>>
    tpu.enqueue_indirect_dma source(%dma_start3A_20 : memref<2048x768xf32, #tpu.memory_space<hbm>>) target(%arg8 : memref<64x768xf32, #tpu.memory_space<vmem>>) offsets(%arg7 : memref<64xi32, #tpu.memory_space<vmem>>) semaphore(%arg10 : memref<!tpu.dma_semaphore, #tpu.memory_space<semaphore_mem>>)
    %dma_wait3A_21 = arith.constant 0 : i32
    %dma_wait3A_22 = arith.constant 0 : i32
    %dma_wait3A_23 = tpu.memref_slice %arg2[%dma_wait3A_21, %dma_wait3A_22] : memref<2048x768xf32, #tpu.memory_space<hbm>> -> memref<2048x768xf32, #tpu.memory_space<hbm>>
    tpu.wait_indirect_dma semaphore(%arg11 : memref<!tpu.dma_semaphore, #tpu.memory_space<semaphore_mem>>) src(%dma_wait3A_23 : memref<2048x768xf32, #tpu.memory_space<hbm>>) dst(%arg9 : memref<64x768xf32, #tpu.memory_space<vmem>>)
    %add3A_24 = arith.constant 64 : i32
    %add3A_25 = arith.addi %mul3A_2, %add3A_24 : i32
    "tpu.region"() ({
      %run_scoped3A = tpu.sem_alloc : memref<!tpu.dma_semaphore, #tpu.memory_space<semaphore_mem>>
      %dma_start3A_31 = arith.constant 0 : i32
      %dma_start3A_32 = tpu.memref_slice %arg4[%add3A_25, %dma_start3A_31] : memref<6144x768xf32, #tpu.memory_space<hbm>> -> memref<64x768xf32, #tpu.memory_space<hbm>>
      %dma_start3A_33 = arith.constant 0 : i32
      %dma_start3A_34 = tpu.memref_slice %arg4[%add3A_25, %dma_start3A_33] : memref<6144x768xf32, #tpu.memory_space<hbm>> -> memref<64x768xf32, #tpu.memory_space<hbm>>
      tpu.enqueue_dma source(%arg9 : memref<64x768xf32, #tpu.memory_space<vmem>>) target(%dma_start3A_34 : memref<64x768xf32, #tpu.memory_space<hbm>>) target_semaphore(%run_scoped3A : memref<!tpu.dma_semaphore, #tpu.memory_space<semaphore_mem>>)
      %dma_wait3A_35 = arith.constant 0 : i32
      %dma_wait3A_36 = tpu.memref_slice %arg4[%add3A_25, %dma_wait3A_35] : memref<6144x768xf32, #tpu.memory_space<hbm>> -> memref<64x768xf32, #tpu.memory_space<hbm>>
      %dma_wait3A_37 = arith.constant 0 : i32
      %dma_wait3A_38 = tpu.memref_slice %arg4[%add3A_25, %dma_wait3A_37] : memref<6144x768xf32, #tpu.memory_space<hbm>> -> memref<64x768xf32, #tpu.memory_space<hbm>>
      tpu.wait_dma2 semaphore(%run_scoped3A : memref<!tpu.dma_semaphore, #tpu.memory_space<semaphore_mem>>) src(%arg9 : memref<64x768xf32, #tpu.memory_space<vmem>>) dst(%dma_wait3A_38 : memref<64x768xf32, #tpu.memory_space<hbm>>)
      tpu.yield
    }) : () -> ()
    %dma_wait3A_26 = arith.constant 0 : i32
    %dma_wait3A_27 = arith.constant 0 : i32
    %dma_wait3A_28 = tpu.memref_slice %arg2[%dma_wait3A_26, %dma_wait3A_27] : memref<2048x768xf32, #tpu.memory_space<hbm>> -> memref<2048x768xf32, #tpu.memory_space<hbm>>
    tpu.wait_indirect_dma semaphore(%arg10 : memref<!tpu.dma_semaphore, #tpu.memory_space<semaphore_mem>>) src(%dma_wait3A_28 : memref<2048x768xf32, #tpu.memory_space<hbm>>) dst(%arg8 : memref<64x768xf32, #tpu.memory_space<vmem>>)
    %add3A_29 = arith.constant 128 : i32
    %add3A_30 = arith.addi %mul3A_2, %add3A_29 : i32
    "tpu.region"() ({
      %run_scoped3A = tpu.sem_alloc : memref<!tpu.dma_semaphore, #tpu.memory_space<semaphore_mem>>
      %dma_start3A_31 = arith.constant 0 : i32
      %dma_start3A_32 = tpu.memref_slice %arg4[%add3A_30, %dma_start3A_31] : memref<6144x768xf32, #tpu.memory_space<hbm>> -> memref<64x768xf32, #tpu.memory_space<hbm>>
      %dma_start3A_33 = arith.constant 0 : i32
      %dma_start3A_34 = tpu.memref_slice %arg4[%add3A_30, %dma_start3A_33] : memref<6144x768xf32, #tpu.memory_space<hbm>> -> memref<64x768xf32, #tpu.memory_space<hbm>>
      tpu.enqueue_dma source(%arg8 : memref<64x768xf32, #tpu.memory_space<vmem>>) target(%dma_start3A_34 : memref<64x768xf32, #tpu.memory_space<hbm>>) target_semaphore(%run_scoped3A : memref<!tpu.dma_semaphore, #tpu.memory_space<semaphore_mem>>)
      %dma_wait3A_35 = arith.constant 0 : i32
      %dma_wait3A_36 = tpu.memref_slice %arg4[%add3A_30, %dma_wait3A_35] : memref<6144x768xf32, #tpu.memory_space<hbm>> -> memref<64x768xf32, #tpu.memory_space<hbm>>
      %dma_wait3A_37 = arith.constant 0 : i32
      %dma_wait3A_38 = tpu.memref_slice %arg4[%add3A_30, %dma_wait3A_37] : memref<6144x768xf32, #tpu.memory_space<hbm>> -> memref<64x768xf32, #tpu.memory_space<hbm>>
      tpu.wait_dma2 semaphore(%run_scoped3A : memref<!tpu.dma_semaphore, #tpu.memory_space<semaphore_mem>>) src(%arg8 : memref<64x768xf32, #tpu.memory_space<vmem>>) dst(%dma_wait3A_38 : memref<64x768xf32, #tpu.memory_space<hbm>>)
      tpu.yield
    }) : () -> ()
    return
  }
}

module attributes {stable_mosaic.version = 14 : i64} {
  func.func @_pre_attn_body(%arg0: i32, %arg1: memref<512x768xf32, #tpu.memory_space<vmem>>, %arg2: memref<1x768xf32, #tpu.memory_space<vmem>>, %arg3: memref<512x384xf32, #tpu.memory_space<vmem>>, %arg4: memref<512x384xf32, #tpu.memory_space<vmem>>, %arg5: memref<768x768xf32, #tpu.memory_space<vmem>>, %arg6: memref<768x768xf32, #tpu.memory_space<vmem>>, %arg7: memref<768x768xf32, #tpu.memory_space<vmem>>, %arg8: memref<512x768xf32, #tpu.memory_space<vmem>>, %arg9: memref<12x512x64xbf16, #tpu.memory_space<vmem>>, %arg10: memref<12x512x64xbf16, #tpu.memory_space<vmem>>, %arg11: memref<12x512x64xbf16, #tpu.memory_space<vmem>>) attributes {dimension_semantics = [#tpu.dimension_semantics<arbitrary>], iteration_bounds = array<i64: 4>, scalar_prefetch = 0 : i64, scratch_operands = 0 : i64, tpu.core_type = #tpu.core_type<tc>, window_params = [{transform_indices = @transform_0, window_bounds = array<i64: 512, 768>}, {pipeline_mode = #tpu.pipeline_mode<synchronous>, transform_indices = @transform_1, window_bounds = array<i64: 1, 768>}, {transform_indices = @transform_2, window_bounds = array<i64: 512, 384>}, {transform_indices = @transform_3, window_bounds = array<i64: 512, 384>}, {pipeline_mode = #tpu.pipeline_mode<synchronous>, transform_indices = @transform_4, window_bounds = array<i64: 768, 768>}, {pipeline_mode = #tpu.pipeline_mode<synchronous>, transform_indices = @transform_5, window_bounds = array<i64: 768, 768>}, {pipeline_mode = #tpu.pipeline_mode<synchronous>, transform_indices = @transform_6, window_bounds = array<i64: 768, 768>}, {transform_indices = @transform_7, window_bounds = array<i64: 512, 768>}, {transform_indices = @transform_8, window_bounds = array<i64: 12, 512, 64>}, {transform_indices = @transform_9, window_bounds = array<i64: 12, 512, 64>}, {transform_indices = @transform_10, window_bounds = array<i64: 12, 512, 64>}]} {
    %get3A = arith.constant 0 : index
    %get3A_0 = arith.constant 0 : index
    %get3A_1 = vector.load %arg1[%get3A, %get3A_0] : memref<512x768xf32, #tpu.memory_space<vmem>>, vector<512x768xf32>
    %mul3A = arith.mulf %get3A_1, %get3A_1 : vector<512x768xf32>
    %reduce_sum3A = arith.constant dense<0.000000e+00> : vector<512xf32>
    %reduce_sum3A_2 = vector.multi_reduction <add>, %mul3A, %reduce_sum3A [1] : vector<512x768xf32> to vector<512xf32>
    %broadcast_in_dim3A = vector.shape_cast %reduce_sum3A_2 : vector<512xf32> to vector<512x1xf32>
    %div3A = arith.constant 7.680000e+02 : f32
    %div3A_3 = vector.broadcast %div3A : f32 to vector<512x1xf32>
    %div3A_4 = arith.divf %broadcast_in_dim3A, %div3A_3 : vector<512x1xf32>
    %add3A = arith.constant 9.99999997E-7 : f32
    %add3A_5 = vector.broadcast %add3A : f32 to vector<512x1xf32>
    %add3A_6 = arith.addf %div3A_4, %add3A_5 : vector<512x1xf32>
    %rsqrt3A = math.rsqrt %add3A_6 : vector<512x1xf32>
    %mul3A_7 = vector.broadcast %rsqrt3A : vector<512x1xf32> to vector<512x768xf32>
    %mul3A_8 = arith.mulf %get3A_1, %mul3A_7 : vector<512x768xf32>
    %get3A_9 = arith.constant 0 : index
    %get3A_10 = arith.constant 0 : index
    %get3A_11 = vector.load %arg2[%get3A_9, %get3A_10] : memref<1x768xf32, #tpu.memory_space<vmem>>, vector<1x768xf32>
    %mul3A_12 = vector.broadcast %get3A_11 : vector<1x768xf32> to vector<512x768xf32>
    %mul3A_13 = arith.mulf %mul3A_8, %mul3A_12 : vector<512x768xf32>
    %swap3A = arith.constant 0 : index
    %swap3A_14 = arith.constant 0 : index
    %swap3A_15 = vector.load %arg8[%swap3A, %swap3A_14] : memref<512x768xf32, #tpu.memory_space<vmem>>, vector<512x768xf32>
    tpu.vector_store %arg8[%swap3A, %swap3A_14], %mul3A_13 {strides = array<i32>} : memref<512x768xf32, #tpu.memory_space<vmem>>, vector<512x768xf32>,
    %get3A_16 = arith.constant 0 : index
    %get3A_17 = arith.constant 0 : index
    %get3A_18 = vector.load %arg3[%get3A_16, %get3A_17] : memref<512x384xf32, #tpu.memory_space<vmem>>, vector<512x384xf32>
    %get3A_19 = arith.constant 0 : index
    %get3A_20 = arith.constant 0 : index
    %get3A_21 = vector.load %arg4[%get3A_19, %get3A_20] : memref<512x384xf32, #tpu.memory_space<vmem>>, vector<512x384xf32>
    %get3A_22 = arith.constant 0 : index
    %get3A_23 = arith.constant 0 : index
    %get3A_24 = vector.load %arg5[%get3A_22, %get3A_23] : memref<768x768xf32, #tpu.memory_space<vmem>>, vector<768x768xf32>
    %dot_general3A = arith.constant dense<0.000000e+00> : vector<512x768xf32>
    %dot_general3A_25 = tpu.matmul %mul3A_13, %get3A_24, %dot_general3A {dimension_numbers = #tpu.dot_dimension_numbers<[1], [0], [0], [1], [0, 0, 1, 1], [], []>, transpose_lhs_hint = false} : vector<512x768xf32>, vector<768x768xf32>, vector<512x768xf32> -> vector<512x768xf32>
    %slice3A = vector.extract_strided_slice %dot_general3A_25 {offsets = [0, 0], sizes = [512, 384], strides = [1, 1]} : vector<512x768xf32> to vector<512x384xf32>
    %slice3A_26 = vector.extract_strided_slice %dot_general3A_25 {offsets = [0, 384], sizes = [512, 384], strides = [1, 1]} : vector<512x768xf32> to vector<512x384xf32>
    %mul3A_27 = arith.mulf %slice3A, %get3A_18 : vector<512x384xf32>
    %mul3A_28 = arith.mulf %slice3A_26, %get3A_21 : vector<512x384xf32>
    %sub3A = arith.subf %mul3A_27, %mul3A_28 : vector<512x384xf32>
    %convert_element_type3A = arith.truncf %sub3A : vector<512x384xf32> to vector<512x384xbf16>
    %mul3A_29 = arith.mulf %slice3A, %get3A_21 : vector<512x384xf32>
    %mul3A_30 = arith.mulf %slice3A_26, %get3A_18 : vector<512x384xf32>
    %add3A_31 = arith.addf %mul3A_29, %mul3A_30 : vector<512x384xf32>
    %convert_element_type3A_32 = arith.truncf %add3A_31 : vector<512x384xf32> to vector<512x384xbf16>
    %slice3A_33 = vector.extract_strided_slice %convert_element_type3A {offsets = [0, 0], sizes = [512, 32], strides = [1, 1]} : vector<512x384xbf16> to vector<512x32xbf16>
    %swap3A_34 = arith.constant 0 : index
    %swap3A_35 = arith.constant 0 : index
    %swap3A_36 = arith.constant 0 : index
    %swap3A_37 = vector.load %arg9[%swap3A_34, %swap3A_35, %swap3A_36] : memref<12x512x64xbf16, #tpu.memory_space<vmem>>, vector<1x512x32xbf16>
    %swap3A_38 = vector.shape_cast %swap3A_37 : vector<1x512x32xbf16> to vector<512x32xbf16>
    %swap3A_39 = vector.shape_cast %slice3A_33 : vector<512x32xbf16> to vector<1x512x32xbf16>
    tpu.vector_store %arg9[%swap3A_34, %swap3A_35, %swap3A_36], %swap3A_39 {strides = array<i32>} : memref<12x512x64xbf16, #tpu.memory_space<vmem>>, vector<1x512x32xbf16>,
    %slice3A_40 = vector.extract_strided_slice %convert_element_type3A_32 {offsets = [0, 0], sizes = [512, 32], strides = [1, 1]} : vector<512x384xbf16> to vector<512x32xbf16>
    %swap3A_41 = arith.constant 0 : index
    %swap3A_42 = arith.constant 0 : index
    %swap3A_43 = arith.constant 32 : index
    %swap3A_44 = vector.load %arg9[%swap3A_41, %swap3A_42, %swap3A_43] : memref<12x512x64xbf16, #tpu.memory_space<vmem>>, vector<1x512x32xbf16>
    %swap3A_45 = vector.shape_cast %swap3A_44 : vector<1x512x32xbf16> to vector<512x32xbf16>
    %swap3A_46 = vector.shape_cast %slice3A_40 : vector<512x32xbf16> to vector<1x512x32xbf16>
    tpu.vector_store %arg9[%swap3A_41, %swap3A_42, %swap3A_43], %swap3A_46 {strides = array<i32>} : memref<12x512x64xbf16, #tpu.memory_space<vmem>>, vector<1x512x32xbf16>,
    %slice3A_47 = vector.extract_strided_slice %convert_element_type3A {offsets = [0, 32], sizes = [512, 32], strides = [1, 1]} : vector<512x384xbf16> to vector<512x32xbf16>
    %swap3A_48 = arith.constant 1 : index
    %swap3A_49 = arith.constant 0 : index
    %swap3A_50 = arith.constant 0 : index
    %swap3A_51 = vector.load %arg9[%swap3A_48, %swap3A_49, %swap3A_50] : memref<12x512x64xbf16, #tpu.memory_space<vmem>>, vector<1x512x32xbf16>
    %swap3A_52 = vector.shape_cast %swap3A_51 : vector<1x512x32xbf16> to vector<512x32xbf16>
    %swap3A_53 = vector.shape_cast %slice3A_47 : vector<512x32xbf16> to vector<1x512x32xbf16>
    tpu.vector_store %arg9[%swap3A_48, %swap3A_49, %swap3A_50], %swap3A_53 {strides = array<i32>} : memref<12x512x64xbf16, #tpu.memory_space<vmem>>, vector<1x512x32xbf16>,
    %slice3A_54 = vector.extract_strided_slice %convert_element_type3A_32 {offsets = [0, 32], sizes = [512, 32], strides = [1, 1]} : vector<512x384xbf16> to vector<512x32xbf16>
    %swap3A_55 = arith.constant 1 : index
    %swap3A_56 = arith.constant 0 : index
    %swap3A_57 = arith.constant 32 : index
    %swap3A_58 = vector.load %arg9[%swap3A_55, %swap3A_56, %swap3A_57] : memref<12x512x64xbf16, #tpu.memory_space<vmem>>, vector<1x512x32xbf16>
    %swap3A_59 = vector.shape_cast %swap3A_58 : vector<1x512x32xbf16> to vector<512x32xbf16>
    %swap3A_60 = vector.shape_cast %slice3A_54 : vector<512x32xbf16> to vector<1x512x32xbf16>
    tpu.vector_store %arg9[%swap3A_55, %swap3A_56, %swap3A_57], %swap3A_60 {strides = array<i32>} : memref<12x512x64xbf16, #tpu.memory_space<vmem>>, vector<1x512x32xbf16>,
    %slice3A_61 = vector.extract_strided_slice %convert_element_type3A {offsets = [0, 64], sizes = [512, 32], strides = [1, 1]} : vector<512x384xbf16> to vector<512x32xbf16>
    %swap3A_62 = arith.constant 2 : index
    %swap3A_63 = arith.constant 0 : index
    %swap3A_64 = arith.constant 0 : index
    %swap3A_65 = vector.load %arg9[%swap3A_62, %swap3A_63, %swap3A_64] : memref<12x512x64xbf16, #tpu.memory_space<vmem>>, vector<1x512x32xbf16>
    %swap3A_66 = vector.shape_cast %swap3A_65 : vector<1x512x32xbf16> to vector<512x32xbf16>
    %swap3A_67 = vector.shape_cast %slice3A_61 : vector<512x32xbf16> to vector<1x512x32xbf16>
    tpu.vector_store %arg9[%swap3A_62, %swap3A_63, %swap3A_64], %swap3A_67 {strides = array<i32>} : memref<12x512x64xbf16, #tpu.memory_space<vmem>>, vector<1x512x32xbf16>,
    %slice3A_68 = vector.extract_strided_slice %convert_element_type3A_32 {offsets = [0, 64], sizes = [512, 32], strides = [1, 1]} : vector<512x384xbf16> to vector<512x32xbf16>
    %swap3A_69 = arith.constant 2 : index
    %swap3A_70 = arith.constant 0 : index
    %swap3A_71 = arith.constant 32 : index
    %swap3A_72 = vector.load %arg9[%swap3A_69, %swap3A_70, %swap3A_71] : memref<12x512x64xbf16, #tpu.memory_space<vmem>>, vector<1x512x32xbf16>
    %swap3A_73 = vector.shape_cast %swap3A_72 : vector<1x512x32xbf16> to vector<512x32xbf16>
    %swap3A_74 = vector.shape_cast %slice3A_68 : vector<512x32xbf16> to vector<1x512x32xbf16>
    tpu.vector_store %arg9[%swap3A_69, %swap3A_70, %swap3A_71], %swap3A_74 {strides = array<i32>} : memref<12x512x64xbf16, #tpu.memory_space<vmem>>, vector<1x512x32xbf16>,
    %slice3A_75 = vector.extract_strided_slice %convert_element_type3A {offsets = [0, 96], sizes = [512, 32], strides = [1, 1]} : vector<512x384xbf16> to vector<512x32xbf16>
    %swap3A_76 = arith.constant 3 : index
    %swap3A_77 = arith.constant 0 : index
    %swap3A_78 = arith.constant 0 : index
    %swap3A_79 = vector.load %arg9[%swap3A_76, %swap3A_77, %swap3A_78] : memref<12x512x64xbf16, #tpu.memory_space<vmem>>, vector<1x512x32xbf16>
    %swap3A_80 = vector.shape_cast %swap3A_79 : vector<1x512x32xbf16> to vector<512x32xbf16>
    %swap3A_81 = vector.shape_cast %slice3A_75 : vector<512x32xbf16> to vector<1x512x32xbf16>
    tpu.vector_store %arg9[%swap3A_76, %swap3A_77, %swap3A_78], %swap3A_81 {strides = array<i32>} : memref<12x512x64xbf16, #tpu.memory_space<vmem>>, vector<1x512x32xbf16>,
    %slice3A_82 = vector.extract_strided_slice %convert_element_type3A_32 {offsets = [0, 96], sizes = [512, 32], strides = [1, 1]} : vector<512x384xbf16> to vector<512x32xbf16>
    %swap3A_83 = arith.constant 3 : index
    %swap3A_84 = arith.constant 0 : index
    %swap3A_85 = arith.constant 32 : index
    %swap3A_86 = vector.load %arg9[%swap3A_83, %swap3A_84, %swap3A_85] : memref<12x512x64xbf16, #tpu.memory_space<vmem>>, vector<1x512x32xbf16>
    %swap3A_87 = vector.shape_cast %swap3A_86 : vector<1x512x32xbf16> to vector<512x32xbf16>
    %swap3A_88 = vector.shape_cast %slice3A_82 : vector<512x32xbf16> to vector<1x512x32xbf16>
    tpu.vector_store %arg9[%swap3A_83, %swap3A_84, %swap3A_85], %swap3A_88 {strides = array<i32>} : memref<12x512x64xbf16, #tpu.memory_space<vmem>>, vector<1x512x32xbf16>,
    %slice3A_89 = vector.extract_strided_slice %convert_element_type3A {offsets = [0, 128], sizes = [512, 32], strides = [1, 1]} : vector<512x384xbf16> to vector<512x32xbf16>
    %swap3A_90 = arith.constant 4 : index
    %swap3A_91 = arith.constant 0 : index
    %swap3A_92 = arith.constant 0 : index
    %swap3A_93 = vector.load %arg9[%swap3A_90, %swap3A_91, %swap3A_92] : memref<12x512x64xbf16, #tpu.memory_space<vmem>>, vector<1x512x32xbf16>
    %swap3A_94 = vector.shape_cast %swap3A_93 : vector<1x512x32xbf16> to vector<512x32xbf16>
    %swap3A_95 = vector.shape_cast %slice3A_89 : vector<512x32xbf16> to vector<1x512x32xbf16>
    tpu.vector_store %arg9[%swap3A_90, %swap3A_91, %swap3A_92], %swap3A_95 {strides = array<i32>} : memref<12x512x64xbf16, #tpu.memory_space<vmem>>, vector<1x512x32xbf16>,
    %slice3A_96 = vector.extract_strided_slice %convert_element_type3A_32 {offsets = [0, 128], sizes = [512, 32], strides = [1, 1]} : vector<512x384xbf16> to vector<512x32xbf16>
    %swap3A_97 = arith.constant 4 : index
    %swap3A_98 = arith.constant 0 : index
    %swap3A_99 = arith.constant 32 : index
    %swap3A_100 = vector.load %arg9[%swap3A_97, %swap3A_98, %swap3A_99] : memref<12x512x64xbf16, #tpu.memory_space<vmem>>, vector<1x512x32xbf16>
    %swap3A_101 = vector.shape_cast %swap3A_100 : vector<1x512x32xbf16> to vector<512x32xbf16>
    %swap3A_102 = vector.shape_cast %slice3A_96 : vector<512x32xbf16> to vector<1x512x32xbf16>
    tpu.vector_store %arg9[%swap3A_97, %swap3A_98, %swap3A_99], %swap3A_102 {strides = array<i32>} : memref<12x512x64xbf16, #tpu.memory_space<vmem>>, vector<1x512x32xbf16>,
    %slice3A_103 = vector.extract_strided_slice %convert_element_type3A {offsets = [0, 160], sizes = [512, 32], strides = [1, 1]} : vector<512x384xbf16> to vector<512x32xbf16>
    %swap3A_104 = arith.constant 5 : index
    %swap3A_105 = arith.constant 0 : index
    %swap3A_106 = arith.constant 0 : index
    %swap3A_107 = vector.load %arg9[%swap3A_104, %swap3A_105, %swap3A_106] : memref<12x512x64xbf16, #tpu.memory_space<vmem>>, vector<1x512x32xbf16>
    %swap3A_108 = vector.shape_cast %swap3A_107 : vector<1x512x32xbf16> to vector<512x32xbf16>
    %swap3A_109 = vector.shape_cast %slice3A_103 : vector<512x32xbf16> to vector<1x512x32xbf16>
    tpu.vector_store %arg9[%swap3A_104, %swap3A_105, %swap3A_106], %swap3A_109 {strides = array<i32>} : memref<12x512x64xbf16, #tpu.memory_space<vmem>>, vector<1x512x32xbf16>,
    %slice3A_110 = vector.extract_strided_slice %convert_element_type3A_32 {offsets = [0, 160], sizes = [512, 32], strides = [1, 1]} : vector<512x384xbf16> to vector<512x32xbf16>
    %swap3A_111 = arith.constant 5 : index
    %swap3A_112 = arith.constant 0 : index
    %swap3A_113 = arith.constant 32 : index
    %swap3A_114 = vector.load %arg9[%swap3A_111, %swap3A_112, %swap3A_113] : memref<12x512x64xbf16, #tpu.memory_space<vmem>>, vector<1x512x32xbf16>
    %swap3A_115 = vector.shape_cast %swap3A_114 : vector<1x512x32xbf16> to vector<512x32xbf16>
    %swap3A_116 = vector.shape_cast %slice3A_110 : vector<512x32xbf16> to vector<1x512x32xbf16>
    tpu.vector_store %arg9[%swap3A_111, %swap3A_112, %swap3A_113], %swap3A_116 {strides = array<i32>} : memref<12x512x64xbf16, #tpu.memory_space<vmem>>, vector<1x512x32xbf16>,
    %slice3A_117 = vector.extract_strided_slice %convert_element_type3A {offsets = [0, 192], sizes = [512, 32], strides = [1, 1]} : vector<512x384xbf16> to vector<512x32xbf16>
    %swap3A_118 = arith.constant 6 : index
    %swap3A_119 = arith.constant 0 : index
    %swap3A_120 = arith.constant 0 : index
    %swap3A_121 = vector.load %arg9[%swap3A_118, %swap3A_119, %swap3A_120] : memref<12x512x64xbf16, #tpu.memory_space<vmem>>, vector<1x512x32xbf16>
    %swap3A_122 = vector.shape_cast %swap3A_121 : vector<1x512x32xbf16> to vector<512x32xbf16>
    %swap3A_123 = vector.shape_cast %slice3A_117 : vector<512x32xbf16> to vector<1x512x32xbf16>
    tpu.vector_store %arg9[%swap3A_118, %swap3A_119, %swap3A_120], %swap3A_123 {strides = array<i32>} : memref<12x512x64xbf16, #tpu.memory_space<vmem>>, vector<1x512x32xbf16>,
    %slice3A_124 = vector.extract_strided_slice %convert_element_type3A_32 {offsets = [0, 192], sizes = [512, 32], strides = [1, 1]} : vector<512x384xbf16> to vector<512x32xbf16>
    %swap3A_125 = arith.constant 6 : index
    %swap3A_126 = arith.constant 0 : index
    %swap3A_127 = arith.constant 32 : index
    %swap3A_128 = vector.load %arg9[%swap3A_125, %swap3A_126, %swap3A_127] : memref<12x512x64xbf16, #tpu.memory_space<vmem>>, vector<1x512x32xbf16>
    %swap3A_129 = vector.shape_cast %swap3A_128 : vector<1x512x32xbf16> to vector<512x32xbf16>
    %swap3A_130 = vector.shape_cast %slice3A_124 : vector<512x32xbf16> to vector<1x512x32xbf16>
    tpu.vector_store %arg9[%swap3A_125, %swap3A_126, %swap3A_127], %swap3A_130 {strides = array<i32>} : memref<12x512x64xbf16, #tpu.memory_space<vmem>>, vector<1x512x32xbf16>,
    %slice3A_131 = vector.extract_strided_slice %convert_element_type3A {offsets = [0, 224], sizes = [512, 32], strides = [1, 1]} : vector<512x384xbf16> to vector<512x32xbf16>
    %swap3A_132 = arith.constant 7 : index
    %swap3A_133 = arith.constant 0 : index
    %swap3A_134 = arith.constant 0 : index
    %swap3A_135 = vector.load %arg9[%swap3A_132, %swap3A_133, %swap3A_134] : memref<12x512x64xbf16, #tpu.memory_space<vmem>>, vector<1x512x32xbf16>
    %swap3A_136 = vector.shape_cast %swap3A_135 : vector<1x512x32xbf16> to vector<512x32xbf16>
    %swap3A_137 = vector.shape_cast %slice3A_131 : vector<512x32xbf16> to vector<1x512x32xbf16>
    tpu.vector_store %arg9[%swap3A_132, %swap3A_133, %swap3A_134], %swap3A_137 {strides = array<i32>} : memref<12x512x64xbf16, #tpu.memory_space<vmem>>, vector<1x512x32xbf16>,
    %slice3A_138 = vector.extract_strided_slice %convert_element_type3A_32 {offsets = [0, 224], sizes = [512, 32], strides = [1, 1]} : vector<512x384xbf16> to vector<512x32xbf16>
    %swap3A_139 = arith.constant 7 : index
    %swap3A_140 = arith.constant 0 : index
    %swap3A_141 = arith.constant 32 : index
    %swap3A_142 = vector.load %arg9[%swap3A_139, %swap3A_140, %swap3A_141] : memref<12x512x64xbf16, #tpu.memory_space<vmem>>, vector<1x512x32xbf16>
    %swap3A_143 = vector.shape_cast %swap3A_142 : vector<1x512x32xbf16> to vector<512x32xbf16>
    %swap3A_144 = vector.shape_cast %slice3A_138 : vector<512x32xbf16> to vector<1x512x32xbf16>
    tpu.vector_store %arg9[%swap3A_139, %swap3A_140, %swap3A_141], %swap3A_144 {strides = array<i32>} : memref<12x512x64xbf16, #tpu.memory_space<vmem>>, vector<1x512x32xbf16>,
    %slice3A_145 = vector.extract_strided_slice %convert_element_type3A {offsets = [0, 256], sizes = [512, 32], strides = [1, 1]} : vector<512x384xbf16> to vector<512x32xbf16>
    %swap3A_146 = arith.constant 8 : index
    %swap3A_147 = arith.constant 0 : index
    %swap3A_148 = arith.constant 0 : index
    %swap3A_149 = vector.load %arg9[%swap3A_146, %swap3A_147, %swap3A_148] : memref<12x512x64xbf16, #tpu.memory_space<vmem>>, vector<1x512x32xbf16>
    %swap3A_150 = vector.shape_cast %swap3A_149 : vector<1x512x32xbf16> to vector<512x32xbf16>
    %swap3A_151 = vector.shape_cast %slice3A_145 : vector<512x32xbf16> to vector<1x512x32xbf16>
    tpu.vector_store %arg9[%swap3A_146, %swap3A_147, %swap3A_148], %swap3A_151 {strides = array<i32>} : memref<12x512x64xbf16, #tpu.memory_space<vmem>>, vector<1x512x32xbf16>,
    %slice3A_152 = vector.extract_strided_slice %convert_element_type3A_32 {offsets = [0, 256], sizes = [512, 32], strides = [1, 1]} : vector<512x384xbf16> to vector<512x32xbf16>
    %swap3A_153 = arith.constant 8 : index
    %swap3A_154 = arith.constant 0 : index
    %swap3A_155 = arith.constant 32 : index
    %swap3A_156 = vector.load %arg9[%swap3A_153, %swap3A_154, %swap3A_155] : memref<12x512x64xbf16, #tpu.memory_space<vmem>>, vector<1x512x32xbf16>
    %swap3A_157 = vector.shape_cast %swap3A_156 : vector<1x512x32xbf16> to vector<512x32xbf16>
    %swap3A_158 = vector.shape_cast %slice3A_152 : vector<512x32xbf16> to vector<1x512x32xbf16>
    tpu.vector_store %arg9[%swap3A_153, %swap3A_154, %swap3A_155], %swap3A_158 {strides = array<i32>} : memref<12x512x64xbf16, #tpu.memory_space<vmem>>, vector<1x512x32xbf16>,
    %slice3A_159 = vector.extract_strided_slice %convert_element_type3A {offsets = [0, 288], sizes = [512, 32], strides = [1, 1]} : vector<512x384xbf16> to vector<512x32xbf16>
    %swap3A_160 = arith.constant 9 : index
    %swap3A_161 = arith.constant 0 : index
    %swap3A_162 = arith.constant 0 : index
    %swap3A_163 = vector.load %arg9[%swap3A_160, %swap3A_161, %swap3A_162] : memref<12x512x64xbf16, #tpu.memory_space<vmem>>, vector<1x512x32xbf16>
    %swap3A_164 = vector.shape_cast %swap3A_163 : vector<1x512x32xbf16> to vector<512x32xbf16>
    %swap3A_165 = vector.shape_cast %slice3A_159 : vector<512x32xbf16> to vector<1x512x32xbf16>
    tpu.vector_store %arg9[%swap3A_160, %swap3A_161, %swap3A_162], %swap3A_165 {strides = array<i32>} : memref<12x512x64xbf16, #tpu.memory_space<vmem>>, vector<1x512x32xbf16>,
    %slice3A_166 = vector.extract_strided_slice %convert_element_type3A_32 {offsets = [0, 288], sizes = [512, 32], strides = [1, 1]} : vector<512x384xbf16> to vector<512x32xbf16>
    %swap3A_167 = arith.constant 9 : index
    %swap3A_168 = arith.constant 0 : index
    %swap3A_169 = arith.constant 32 : index
    %swap3A_170 = vector.load %arg9[%swap3A_167, %swap3A_168, %swap3A_169] : memref<12x512x64xbf16, #tpu.memory_space<vmem>>, vector<1x512x32xbf16>
    %swap3A_171 = vector.shape_cast %swap3A_170 : vector<1x512x32xbf16> to vector<512x32xbf16>
    %swap3A_172 = vector.shape_cast %slice3A_166 : vector<512x32xbf16> to vector<1x512x32xbf16>
    tpu.vector_store %arg9[%swap3A_167, %swap3A_168, %swap3A_169], %swap3A_172 {strides = array<i32>} : memref<12x512x64xbf16, #tpu.memory_space<vmem>>, vector<1x512x32xbf16>,
    %slice3A_173 = vector.extract_strided_slice %convert_element_type3A {offsets = [0, 320], sizes = [512, 32], strides = [1, 1]} : vector<512x384xbf16> to vector<512x32xbf16>
    %swap3A_174 = arith.constant 10 : index
    %swap3A_175 = arith.constant 0 : index
    %swap3A_176 = arith.constant 0 : index
    %swap3A_177 = vector.load %arg9[%swap3A_174, %swap3A_175, %swap3A_176] : memref<12x512x64xbf16, #tpu.memory_space<vmem>>, vector<1x512x32xbf16>
    %swap3A_178 = vector.shape_cast %swap3A_177 : vector<1x512x32xbf16> to vector<512x32xbf16>
    %swap3A_179 = vector.shape_cast %slice3A_173 : vector<512x32xbf16> to vector<1x512x32xbf16>
    tpu.vector_store %arg9[%swap3A_174, %swap3A_175, %swap3A_176], %swap3A_179 {strides = array<i32>} : memref<12x512x64xbf16, #tpu.memory_space<vmem>>, vector<1x512x32xbf16>,
    %slice3A_180 = vector.extract_strided_slice %convert_element_type3A_32 {offsets = [0, 320], sizes = [512, 32], strides = [1, 1]} : vector<512x384xbf16> to vector<512x32xbf16>
    %swap3A_181 = arith.constant 10 : index
    %swap3A_182 = arith.constant 0 : index
    %swap3A_183 = arith.constant 32 : index
    %swap3A_184 = vector.load %arg9[%swap3A_181, %swap3A_182, %swap3A_183] : memref<12x512x64xbf16, #tpu.memory_space<vmem>>, vector<1x512x32xbf16>
    %swap3A_185 = vector.shape_cast %swap3A_184 : vector<1x512x32xbf16> to vector<512x32xbf16>
    %swap3A_186 = vector.shape_cast %slice3A_180 : vector<512x32xbf16> to vector<1x512x32xbf16>
    tpu.vector_store %arg9[%swap3A_181, %swap3A_182, %swap3A_183], %swap3A_186 {strides = array<i32>} : memref<12x512x64xbf16, #tpu.memory_space<vmem>>, vector<1x512x32xbf16>,
    %slice3A_187 = vector.extract_strided_slice %convert_element_type3A {offsets = [0, 352], sizes = [512, 32], strides = [1, 1]} : vector<512x384xbf16> to vector<512x32xbf16>
    %swap3A_188 = arith.constant 11 : index
    %swap3A_189 = arith.constant 0 : index
    %swap3A_190 = arith.constant 0 : index
    %swap3A_191 = vector.load %arg9[%swap3A_188, %swap3A_189, %swap3A_190] : memref<12x512x64xbf16, #tpu.memory_space<vmem>>, vector<1x512x32xbf16>
    %swap3A_192 = vector.shape_cast %swap3A_191 : vector<1x512x32xbf16> to vector<512x32xbf16>
    %swap3A_193 = vector.shape_cast %slice3A_187 : vector<512x32xbf16> to vector<1x512x32xbf16>
    tpu.vector_store %arg9[%swap3A_188, %swap3A_189, %swap3A_190], %swap3A_193 {strides = array<i32>} : memref<12x512x64xbf16, #tpu.memory_space<vmem>>, vector<1x512x32xbf16>,
    %slice3A_194 = vector.extract_strided_slice %convert_element_type3A_32 {offsets = [0, 352], sizes = [512, 32], strides = [1, 1]} : vector<512x384xbf16> to vector<512x32xbf16>
    %swap3A_195 = arith.constant 11 : index
    %swap3A_196 = arith.constant 0 : index
    %swap3A_197 = arith.constant 32 : index
    %swap3A_198 = vector.load %arg9[%swap3A_195, %swap3A_196, %swap3A_197] : memref<12x512x64xbf16, #tpu.memory_space<vmem>>, vector<1x512x32xbf16>
    %swap3A_199 = vector.shape_cast %swap3A_198 : vector<1x512x32xbf16> to vector<512x32xbf16>
    %swap3A_200 = vector.shape_cast %slice3A_194 : vector<512x32xbf16> to vector<1x512x32xbf16>
    tpu.vector_store %arg9[%swap3A_195, %swap3A_196, %swap3A_197], %swap3A_200 {strides = array<i32>} : memref<12x512x64xbf16, #tpu.memory_space<vmem>>, vector<1x512x32xbf16>,
    %get3A_201 = arith.constant 0 : index
    %get3A_202 = arith.constant 0 : index
    %get3A_203 = vector.load %arg6[%get3A_201, %get3A_202] : memref<768x768xf32, #tpu.memory_space<vmem>>, vector<768x768xf32>
    %dot_general3A_204 = arith.constant dense<0.000000e+00> : vector<512x768xf32>
    %dot_general3A_205 = tpu.matmul %mul3A_13, %get3A_203, %dot_general3A_204 {dimension_numbers = #tpu.dot_dimension_numbers<[1], [0], [0], [1], [0, 0, 1, 1], [], []>, transpose_lhs_hint = false} : vector<512x768xf32>, vector<768x768xf32>, vector<512x768xf32> -> vector<512x768xf32>
    %slice3A_206 = vector.extract_strided_slice %dot_general3A_205 {offsets = [0, 0], sizes = [512, 384], strides = [1, 1]} : vector<512x768xf32> to vector<512x384xf32>
    %slice3A_207 = vector.extract_strided_slice %dot_general3A_205 {offsets = [0, 384], sizes = [512, 384], strides = [1, 1]} : vector<512x768xf32> to vector<512x384xf32>
    %mul3A_208 = arith.mulf %slice3A_206, %get3A_18 : vector<512x384xf32>
    %mul3A_209 = arith.mulf %slice3A_207, %get3A_21 : vector<512x384xf32>
    %sub3A_210 = arith.subf %mul3A_208, %mul3A_209 : vector<512x384xf32>
    %convert_element_type3A_211 = arith.truncf %sub3A_210 : vector<512x384xf32> to vector<512x384xbf16>
    %mul3A_212 = arith.mulf %slice3A_206, %get3A_21 : vector<512x384xf32>
    %mul3A_213 = arith.mulf %slice3A_207, %get3A_18 : vector<512x384xf32>
    %add3A_214 = arith.addf %mul3A_212, %mul3A_213 : vector<512x384xf32>
    %convert_element_type3A_215 = arith.truncf %add3A_214 : vector<512x384xf32> to vector<512x384xbf16>
    %slice3A_216 = vector.extract_strided_slice %convert_element_type3A_211 {offsets = [0, 0], sizes = [512, 32], strides = [1, 1]} : vector<512x384xbf16> to vector<512x32xbf16>
    %swap3A_217 = arith.constant 0 : index
    %swap3A_218 = arith.constant 0 : index
    %swap3A_219 = arith.constant 0 : index
    %swap3A_220 = vector.load %arg10[%swap3A_217, %swap3A_218, %swap3A_219] : memref<12x512x64xbf16, #tpu.memory_space<vmem>>, vector<1x512x32xbf16>
    %swap3A_221 = vector.shape_cast %swap3A_220 : vector<1x512x32xbf16> to vector<512x32xbf16>
    %swap3A_222 = vector.shape_cast %slice3A_216 : vector<512x32xbf16> to vector<1x512x32xbf16>
    tpu.vector_store %arg10[%swap3A_217, %swap3A_218, %swap3A_219], %swap3A_222 {strides = array<i32>} : memref<12x512x64xbf16, #tpu.memory_space<vmem>>, vector<1x512x32xbf16>,
    %slice3A_223 = vector.extract_strided_slice %convert_element_type3A_215 {offsets = [0, 0], sizes = [512, 32], strides = [1, 1]} : vector<512x384xbf16> to vector<512x32xbf16>
    %swap3A_224 = arith.constant 0 : index
    %swap3A_225 = arith.constant 0 : index
    %swap3A_226 = arith.constant 32 : index
    %swap3A_227 = vector.load %arg10[%swap3A_224, %swap3A_225, %swap3A_226] : memref<12x512x64xbf16, #tpu.memory_space<vmem>>, vector<1x512x32xbf16>
    %swap3A_228 = vector.shape_cast %swap3A_227 : vector<1x512x32xbf16> to vector<512x32xbf16>
    %swap3A_229 = vector.shape_cast %slice3A_223 : vector<512x32xbf16> to vector<1x512x32xbf16>
    tpu.vector_store %arg10[%swap3A_224, %swap3A_225, %swap3A_226], %swap3A_229 {strides = array<i32>} : memref<12x512x64xbf16, #tpu.memory_space<vmem>>, vector<1x512x32xbf16>,
    %slice3A_230 = vector.extract_strided_slice %convert_element_type3A_211 {offsets = [0, 32], sizes = [512, 32], strides = [1, 1]} : vector<512x384xbf16> to vector<512x32xbf16>
    %swap3A_231 = arith.constant 1 : index
    %swap3A_232 = arith.constant 0 : index
    %swap3A_233 = arith.constant 0 : index
    %swap3A_234 = vector.load %arg10[%swap3A_231, %swap3A_232, %swap3A_233] : memref<12x512x64xbf16, #tpu.memory_space<vmem>>, vector<1x512x32xbf16>
    %swap3A_235 = vector.shape_cast %swap3A_234 : vector<1x512x32xbf16> to vector<512x32xbf16>
    %swap3A_236 = vector.shape_cast %slice3A_230 : vector<512x32xbf16> to vector<1x512x32xbf16>
    tpu.vector_store %arg10[%swap3A_231, %swap3A_232, %swap3A_233], %swap3A_236 {strides = array<i32>} : memref<12x512x64xbf16, #tpu.memory_space<vmem>>, vector<1x512x32xbf16>,
    %slice3A_237 = vector.extract_strided_slice %convert_element_type3A_215 {offsets = [0, 32], sizes = [512, 32], strides = [1, 1]} : vector<512x384xbf16> to vector<512x32xbf16>
    %swap3A_238 = arith.constant 1 : index
    %swap3A_239 = arith.constant 0 : index
    %swap3A_240 = arith.constant 32 : index
    %swap3A_241 = vector.load %arg10[%swap3A_238, %swap3A_239, %swap3A_240] : memref<12x512x64xbf16, #tpu.memory_space<vmem>>, vector<1x512x32xbf16>
    %swap3A_242 = vector.shape_cast %swap3A_241 : vector<1x512x32xbf16> to vector<512x32xbf16>
    %swap3A_243 = vector.shape_cast %slice3A_237 : vector<512x32xbf16> to vector<1x512x32xbf16>
    tpu.vector_store %arg10[%swap3A_238, %swap3A_239, %swap3A_240], %swap3A_243 {strides = array<i32>} : memref<12x512x64xbf16, #tpu.memory_space<vmem>>, vector<1x512x32xbf16>,
    %slice3A_244 = vector.extract_strided_slice %convert_element_type3A_211 {offsets = [0, 64], sizes = [512, 32], strides = [1, 1]} : vector<512x384xbf16> to vector<512x32xbf16>
    %swap3A_245 = arith.constant 2 : index
    %swap3A_246 = arith.constant 0 : index
    %swap3A_247 = arith.constant 0 : index
    %swap3A_248 = vector.load %arg10[%swap3A_245, %swap3A_246, %swap3A_247] : memref<12x512x64xbf16, #tpu.memory_space<vmem>>, vector<1x512x32xbf16>
    %swap3A_249 = vector.shape_cast %swap3A_248 : vector<1x512x32xbf16> to vector<512x32xbf16>
    %swap3A_250 = vector.shape_cast %slice3A_244 : vector<512x32xbf16> to vector<1x512x32xbf16>
    tpu.vector_store %arg10[%swap3A_245, %swap3A_246, %swap3A_247], %swap3A_250 {strides = array<i32>} : memref<12x512x64xbf16, #tpu.memory_space<vmem>>, vector<1x512x32xbf16>,
    %slice3A_251 = vector.extract_strided_slice %convert_element_type3A_215 {offsets = [0, 64], sizes = [512, 32], strides = [1, 1]} : vector<512x384xbf16> to vector<512x32xbf16>
    %swap3A_252 = arith.constant 2 : index
    %swap3A_253 = arith.constant 0 : index
    %swap3A_254 = arith.constant 32 : index
    %swap3A_255 = vector.load %arg10[%swap3A_252, %swap3A_253, %swap3A_254] : memref<12x512x64xbf16, #tpu.memory_space<vmem>>, vector<1x512x32xbf16>
    %swap3A_256 = vector.shape_cast %swap3A_255 : vector<1x512x32xbf16> to vector<512x32xbf16>
    %swap3A_257 = vector.shape_cast %slice3A_251 : vector<512x32xbf16> to vector<1x512x32xbf16>
    tpu.vector_store %arg10[%swap3A_252, %swap3A_253, %swap3A_254], %swap3A_257 {strides = array<i32>} : memref<12x512x64xbf16, #tpu.memory_space<vmem>>, vector<1x512x32xbf16>,
    %slice3A_258 = vector.extract_strided_slice %convert_element_type3A_211 {offsets = [0, 96], sizes = [512, 32], strides = [1, 1]} : vector<512x384xbf16> to vector<512x32xbf16>
    %swap3A_259 = arith.constant 3 : index
    %swap3A_260 = arith.constant 0 : index
    %swap3A_261 = arith.constant 0 : index
    %swap3A_262 = vector.load %arg10[%swap3A_259, %swap3A_260, %swap3A_261] : memref<12x512x64xbf16, #tpu.memory_space<vmem>>, vector<1x512x32xbf16>
    %swap3A_263 = vector.shape_cast %swap3A_262 : vector<1x512x32xbf16> to vector<512x32xbf16>
    %swap3A_264 = vector.shape_cast %slice3A_258 : vector<512x32xbf16> to vector<1x512x32xbf16>
    tpu.vector_store %arg10[%swap3A_259, %swap3A_260, %swap3A_261], %swap3A_264 {strides = array<i32>} : memref<12x512x64xbf16, #tpu.memory_space<vmem>>, vector<1x512x32xbf16>,
    %slice3A_265 = vector.extract_strided_slice %convert_element_type3A_215 {offsets = [0, 96], sizes = [512, 32], strides = [1, 1]} : vector<512x384xbf16> to vector<512x32xbf16>
    %swap3A_266 = arith.constant 3 : index
    %swap3A_267 = arith.constant 0 : index
    %swap3A_268 = arith.constant 32 : index
    %swap3A_269 = vector.load %arg10[%swap3A_266, %swap3A_267, %swap3A_268] : memref<12x512x64xbf16, #tpu.memory_space<vmem>>, vector<1x512x32xbf16>
    %swap3A_270 = vector.shape_cast %swap3A_269 : vector<1x512x32xbf16> to vector<512x32xbf16>
    %swap3A_271 = vector.shape_cast %slice3A_265 : vector<512x32xbf16> to vector<1x512x32xbf16>
    tpu.vector_store %arg10[%swap3A_266, %swap3A_267, %swap3A_268], %swap3A_271 {strides = array<i32>} : memref<12x512x64xbf16, #tpu.memory_space<vmem>>, vector<1x512x32xbf16>,
    %slice3A_272 = vector.extract_strided_slice %convert_element_type3A_211 {offsets = [0, 128], sizes = [512, 32], strides = [1, 1]} : vector<512x384xbf16> to vector<512x32xbf16>
    %swap3A_273 = arith.constant 4 : index
    %swap3A_274 = arith.constant 0 : index
    %swap3A_275 = arith.constant 0 : index
    %swap3A_276 = vector.load %arg10[%swap3A_273, %swap3A_274, %swap3A_275] : memref<12x512x64xbf16, #tpu.memory_space<vmem>>, vector<1x512x32xbf16>
    %swap3A_277 = vector.shape_cast %swap3A_276 : vector<1x512x32xbf16> to vector<512x32xbf16>
    %swap3A_278 = vector.shape_cast %slice3A_272 : vector<512x32xbf16> to vector<1x512x32xbf16>
    tpu.vector_store %arg10[%swap3A_273, %swap3A_274, %swap3A_275], %swap3A_278 {strides = array<i32>} : memref<12x512x64xbf16, #tpu.memory_space<vmem>>, vector<1x512x32xbf16>,
    %slice3A_279 = vector.extract_strided_slice %convert_element_type3A_215 {offsets = [0, 128], sizes = [512, 32], strides = [1, 1]} : vector<512x384xbf16> to vector<512x32xbf16>
    %swap3A_280 = arith.constant 4 : index
    %swap3A_281 = arith.constant 0 : index
    %swap3A_282 = arith.constant 32 : index
    %swap3A_283 = vector.load %arg10[%swap3A_280, %swap3A_281, %swap3A_282] : memref<12x512x64xbf16, #tpu.memory_space<vmem>>, vector<1x512x32xbf16>
    %swap3A_284 = vector.shape_cast %swap3A_283 : vector<1x512x32xbf16> to vector<512x32xbf16>
    %swap3A_285 = vector.shape_cast %slice3A_279 : vector<512x32xbf16> to vector<1x512x32xbf16>
    tpu.vector_store %arg10[%swap3A_280, %swap3A_281, %swap3A_282], %swap3A_285 {strides = array<i32>} : memref<12x512x64xbf16, #tpu.memory_space<vmem>>, vector<1x512x32xbf16>,
    %slice3A_286 = vector.extract_strided_slice %convert_element_type3A_211 {offsets = [0, 160], sizes = [512, 32], strides = [1, 1]} : vector<512x384xbf16> to vector<512x32xbf16>
    %swap3A_287 = arith.constant 5 : index
    %swap3A_288 = arith.constant 0 : index
    %swap3A_289 = arith.constant 0 : index
    %swap3A_290 = vector.load %arg10[%swap3A_287, %swap3A_288, %swap3A_289] : memref<12x512x64xbf16, #tpu.memory_space<vmem>>, vector<1x512x32xbf16>
    %swap3A_291 = vector.shape_cast %swap3A_290 : vector<1x512x32xbf16> to vector<512x32xbf16>
    %swap3A_292 = vector.shape_cast %slice3A_286 : vector<512x32xbf16> to vector<1x512x32xbf16>
    tpu.vector_store %arg10[%swap3A_287, %swap3A_288, %swap3A_289], %swap3A_292 {strides = array<i32>} : memref<12x512x64xbf16, #tpu.memory_space<vmem>>, vector<1x512x32xbf16>,
    %slice3A_293 = vector.extract_strided_slice %convert_element_type3A_215 {offsets = [0, 160], sizes = [512, 32], strides = [1, 1]} : vector<512x384xbf16> to vector<512x32xbf16>
    %swap3A_294 = arith.constant 5 : index
    %swap3A_295 = arith.constant 0 : index
    %swap3A_296 = arith.constant 32 : index
    %swap3A_297 = vector.load %arg10[%swap3A_294, %swap3A_295, %swap3A_296] : memref<12x512x64xbf16, #tpu.memory_space<vmem>>, vector<1x512x32xbf16>
    %swap3A_298 = vector.shape_cast %swap3A_297 : vector<1x512x32xbf16> to vector<512x32xbf16>
    %swap3A_299 = vector.shape_cast %slice3A_293 : vector<512x32xbf16> to vector<1x512x32xbf16>
    tpu.vector_store %arg10[%swap3A_294, %swap3A_295, %swap3A_296], %swap3A_299 {strides = array<i32>} : memref<12x512x64xbf16, #tpu.memory_space<vmem>>, vector<1x512x32xbf16>,
    %slice3A_300 = vector.extract_strided_slice %convert_element_type3A_211 {offsets = [0, 192], sizes = [512, 32], strides = [1, 1]} : vector<512x384xbf16> to vector<512x32xbf16>
    %swap3A_301 = arith.constant 6 : index
    %swap3A_302 = arith.constant 0 : index
    %swap3A_303 = arith.constant 0 : index
    %swap3A_304 = vector.load %arg10[%swap3A_301, %swap3A_302, %swap3A_303] : memref<12x512x64xbf16, #tpu.memory_space<vmem>>, vector<1x512x32xbf16>
    %swap3A_305 = vector.shape_cast %swap3A_304 : vector<1x512x32xbf16> to vector<512x32xbf16>
    %swap3A_306 = vector.shape_cast %slice3A_300 : vector<512x32xbf16> to vector<1x512x32xbf16>
    tpu.vector_store %arg10[%swap3A_301, %swap3A_302, %swap3A_303], %swap3A_306 {strides = array<i32>} : memref<12x512x64xbf16, #tpu.memory_space<vmem>>, vector<1x512x32xbf16>,
    %slice3A_307 = vector.extract_strided_slice %convert_element_type3A_215 {offsets = [0, 192], sizes = [512, 32], strides = [1, 1]} : vector<512x384xbf16> to vector<512x32xbf16>
    %swap3A_308 = arith.constant 6 : index
    %swap3A_309 = arith.constant 0 : index
    %swap3A_310 = arith.constant 32 : index
    %swap3A_311 = vector.load %arg10[%swap3A_308, %swap3A_309, %swap3A_310] : memref<12x512x64xbf16, #tpu.memory_space<vmem>>, vector<1x512x32xbf16>
    %swap3A_312 = vector.shape_cast %swap3A_311 : vector<1x512x32xbf16> to vector<512x32xbf16>
    %swap3A_313 = vector.shape_cast %slice3A_307 : vector<512x32xbf16> to vector<1x512x32xbf16>
    tpu.vector_store %arg10[%swap3A_308, %swap3A_309, %swap3A_310], %swap3A_313 {strides = array<i32>} : memref<12x512x64xbf16, #tpu.memory_space<vmem>>, vector<1x512x32xbf16>,
    %slice3A_314 = vector.extract_strided_slice %convert_element_type3A_211 {offsets = [0, 224], sizes = [512, 32], strides = [1, 1]} : vector<512x384xbf16> to vector<512x32xbf16>
    %swap3A_315 = arith.constant 7 : index
    %swap3A_316 = arith.constant 0 : index
    %swap3A_317 = arith.constant 0 : index
    %swap3A_318 = vector.load %arg10[%swap3A_315, %swap3A_316, %swap3A_317] : memref<12x512x64xbf16, #tpu.memory_space<vmem>>, vector<1x512x32xbf16>
    %swap3A_319 = vector.shape_cast %swap3A_318 : vector<1x512x32xbf16> to vector<512x32xbf16>
    %swap3A_320 = vector.shape_cast %slice3A_314 : vector<512x32xbf16> to vector<1x512x32xbf16>
    tpu.vector_store %arg10[%swap3A_315, %swap3A_316, %swap3A_317], %swap3A_320 {strides = array<i32>} : memref<12x512x64xbf16, #tpu.memory_space<vmem>>, vector<1x512x32xbf16>,
    %slice3A_321 = vector.extract_strided_slice %convert_element_type3A_215 {offsets = [0, 224], sizes = [512, 32], strides = [1, 1]} : vector<512x384xbf16> to vector<512x32xbf16>
    %swap3A_322 = arith.constant 7 : index
    %swap3A_323 = arith.constant 0 : index
    %swap3A_324 = arith.constant 32 : index
    %swap3A_325 = vector.load %arg10[%swap3A_322, %swap3A_323, %swap3A_324] : memref<12x512x64xbf16, #tpu.memory_space<vmem>>, vector<1x512x32xbf16>
    %swap3A_326 = vector.shape_cast %swap3A_325 : vector<1x512x32xbf16> to vector<512x32xbf16>
    %swap3A_327 = vector.shape_cast %slice3A_321 : vector<512x32xbf16> to vector<1x512x32xbf16>
    tpu.vector_store %arg10[%swap3A_322, %swap3A_323, %swap3A_324], %swap3A_327 {strides = array<i32>} : memref<12x512x64xbf16, #tpu.memory_space<vmem>>, vector<1x512x32xbf16>,
    %slice3A_328 = vector.extract_strided_slice %convert_element_type3A_211 {offsets = [0, 256], sizes = [512, 32], strides = [1, 1]} : vector<512x384xbf16> to vector<512x32xbf16>
    %swap3A_329 = arith.constant 8 : index
    %swap3A_330 = arith.constant 0 : index
    %swap3A_331 = arith.constant 0 : index
    %swap3A_332 = vector.load %arg10[%swap3A_329, %swap3A_330, %swap3A_331] : memref<12x512x64xbf16, #tpu.memory_space<vmem>>, vector<1x512x32xbf16>
    %swap3A_333 = vector.shape_cast %swap3A_332 : vector<1x512x32xbf16> to vector<512x32xbf16>
    %swap3A_334 = vector.shape_cast %slice3A_328 : vector<512x32xbf16> to vector<1x512x32xbf16>
    tpu.vector_store %arg10[%swap3A_329, %swap3A_330, %swap3A_331], %swap3A_334 {strides = array<i32>} : memref<12x512x64xbf16, #tpu.memory_space<vmem>>, vector<1x512x32xbf16>,
    %slice3A_335 = vector.extract_strided_slice %convert_element_type3A_215 {offsets = [0, 256], sizes = [512, 32], strides = [1, 1]} : vector<512x384xbf16> to vector<512x32xbf16>
    %swap3A_336 = arith.constant 8 : index
    %swap3A_337 = arith.constant 0 : index
    %swap3A_338 = arith.constant 32 : index
    %swap3A_339 = vector.load %arg10[%swap3A_336, %swap3A_337, %swap3A_338] : memref<12x512x64xbf16, #tpu.memory_space<vmem>>, vector<1x512x32xbf16>
    %swap3A_340 = vector.shape_cast %swap3A_339 : vector<1x512x32xbf16> to vector<512x32xbf16>
    %swap3A_341 = vector.shape_cast %slice3A_335 : vector<512x32xbf16> to vector<1x512x32xbf16>
    tpu.vector_store %arg10[%swap3A_336, %swap3A_337, %swap3A_338], %swap3A_341 {strides = array<i32>} : memref<12x512x64xbf16, #tpu.memory_space<vmem>>, vector<1x512x32xbf16>,
    %slice3A_342 = vector.extract_strided_slice %convert_element_type3A_211 {offsets = [0, 288], sizes = [512, 32], strides = [1, 1]} : vector<512x384xbf16> to vector<512x32xbf16>
    %swap3A_343 = arith.constant 9 : index
    %swap3A_344 = arith.constant 0 : index
    %swap3A_345 = arith.constant 0 : index
    %swap3A_346 = vector.load %arg10[%swap3A_343, %swap3A_344, %swap3A_345] : memref<12x512x64xbf16, #tpu.memory_space<vmem>>, vector<1x512x32xbf16>
    %swap3A_347 = vector.shape_cast %swap3A_346 : vector<1x512x32xbf16> to vector<512x32xbf16>
    %swap3A_348 = vector.shape_cast %slice3A_342 : vector<512x32xbf16> to vector<1x512x32xbf16>
    tpu.vector_store %arg10[%swap3A_343, %swap3A_344, %swap3A_345], %swap3A_348 {strides = array<i32>} : memref<12x512x64xbf16, #tpu.memory_space<vmem>>, vector<1x512x32xbf16>,
    %slice3A_349 = vector.extract_strided_slice %convert_element_type3A_215 {offsets = [0, 288], sizes = [512, 32], strides = [1, 1]} : vector<512x384xbf16> to vector<512x32xbf16>
    %swap3A_350 = arith.constant 9 : index
    %swap3A_351 = arith.constant 0 : index
    %swap3A_352 = arith.constant 32 : index
    %swap3A_353 = vector.load %arg10[%swap3A_350, %swap3A_351, %swap3A_352] : memref<12x512x64xbf16, #tpu.memory_space<vmem>>, vector<1x512x32xbf16>
    %swap3A_354 = vector.shape_cast %swap3A_353 : vector<1x512x32xbf16> to vector<512x32xbf16>
    %swap3A_355 = vector.shape_cast %slice3A_349 : vector<512x32xbf16> to vector<1x512x32xbf16>
    tpu.vector_store %arg10[%swap3A_350, %swap3A_351, %swap3A_352], %swap3A_355 {strides = array<i32>} : memref<12x512x64xbf16, #tpu.memory_space<vmem>>, vector<1x512x32xbf16>,
    %slice3A_356 = vector.extract_strided_slice %convert_element_type3A_211 {offsets = [0, 320], sizes = [512, 32], strides = [1, 1]} : vector<512x384xbf16> to vector<512x32xbf16>
    %swap3A_357 = arith.constant 10 : index
    %swap3A_358 = arith.constant 0 : index
    %swap3A_359 = arith.constant 0 : index
    %swap3A_360 = vector.load %arg10[%swap3A_357, %swap3A_358, %swap3A_359] : memref<12x512x64xbf16, #tpu.memory_space<vmem>>, vector<1x512x32xbf16>
    %swap3A_361 = vector.shape_cast %swap3A_360 : vector<1x512x32xbf16> to vector<512x32xbf16>
    %swap3A_362 = vector.shape_cast %slice3A_356 : vector<512x32xbf16> to vector<1x512x32xbf16>
    tpu.vector_store %arg10[%swap3A_357, %swap3A_358, %swap3A_359], %swap3A_362 {strides = array<i32>} : memref<12x512x64xbf16, #tpu.memory_space<vmem>>, vector<1x512x32xbf16>,
    %slice3A_363 = vector.extract_strided_slice %convert_element_type3A_215 {offsets = [0, 320], sizes = [512, 32], strides = [1, 1]} : vector<512x384xbf16> to vector<512x32xbf16>
    %swap3A_364 = arith.constant 10 : index
    %swap3A_365 = arith.constant 0 : index
    %swap3A_366 = arith.constant 32 : index
    %swap3A_367 = vector.load %arg10[%swap3A_364, %swap3A_365, %swap3A_366] : memref<12x512x64xbf16, #tpu.memory_space<vmem>>, vector<1x512x32xbf16>
    %swap3A_368 = vector.shape_cast %swap3A_367 : vector<1x512x32xbf16> to vector<512x32xbf16>
    %swap3A_369 = vector.shape_cast %slice3A_363 : vector<512x32xbf16> to vector<1x512x32xbf16>
    tpu.vector_store %arg10[%swap3A_364, %swap3A_365, %swap3A_366], %swap3A_369 {strides = array<i32>} : memref<12x512x64xbf16, #tpu.memory_space<vmem>>, vector<1x512x32xbf16>,
    %slice3A_370 = vector.extract_strided_slice %convert_element_type3A_211 {offsets = [0, 352], sizes = [512, 32], strides = [1, 1]} : vector<512x384xbf16> to vector<512x32xbf16>
    %swap3A_371 = arith.constant 11 : index
    %swap3A_372 = arith.constant 0 : index
    %swap3A_373 = arith.constant 0 : index
    %swap3A_374 = vector.load %arg10[%swap3A_371, %swap3A_372, %swap3A_373] : memref<12x512x64xbf16, #tpu.memory_space<vmem>>, vector<1x512x32xbf16>
    %swap3A_375 = vector.shape_cast %swap3A_374 : vector<1x512x32xbf16> to vector<512x32xbf16>
    %swap3A_376 = vector.shape_cast %slice3A_370 : vector<512x32xbf16> to vector<1x512x32xbf16>
    tpu.vector_store %arg10[%swap3A_371, %swap3A_372, %swap3A_373], %swap3A_376 {strides = array<i32>} : memref<12x512x64xbf16, #tpu.memory_space<vmem>>, vector<1x512x32xbf16>,
    %slice3A_377 = vector.extract_strided_slice %convert_element_type3A_215 {offsets = [0, 352], sizes = [512, 32], strides = [1, 1]} : vector<512x384xbf16> to vector<512x32xbf16>
    %swap3A_378 = arith.constant 11 : index
    %swap3A_379 = arith.constant 0 : index
    %swap3A_380 = arith.constant 32 : index
    %swap3A_381 = vector.load %arg10[%swap3A_378, %swap3A_379, %swap3A_380] : memref<12x512x64xbf16, #tpu.memory_space<vmem>>, vector<1x512x32xbf16>
    %swap3A_382 = vector.shape_cast %swap3A_381 : vector<1x512x32xbf16> to vector<512x32xbf16>
    %swap3A_383 = vector.shape_cast %slice3A_377 : vector<512x32xbf16> to vector<1x512x32xbf16>
    tpu.vector_store %arg10[%swap3A_378, %swap3A_379, %swap3A_380], %swap3A_383 {strides = array<i32>} : memref<12x512x64xbf16, #tpu.memory_space<vmem>>, vector<1x512x32xbf16>,
    %get3A_384 = arith.constant 0 : index
    %get3A_385 = arith.constant 0 : index
    %get3A_386 = vector.load %arg7[%get3A_384, %get3A_385] : memref<768x768xf32, #tpu.memory_space<vmem>>, vector<768x768xf32>
    %dot_general3A_387 = arith.constant dense<0.000000e+00> : vector<512x768xf32>
    %dot_general3A_388 = tpu.matmul %mul3A_13, %get3A_386, %dot_general3A_387 {dimension_numbers = #tpu.dot_dimension_numbers<[1], [0], [0], [1], [0, 0, 1, 1], [], []>, transpose_lhs_hint = false} : vector<512x768xf32>, vector<768x768xf32>, vector<512x768xf32> -> vector<512x768xf32>
    %convert_element_type3A_389 = arith.truncf %dot_general3A_388 : vector<512x768xf32> to vector<512x768xbf16>
    %slice3A_390 = vector.extract_strided_slice %convert_element_type3A_389 {offsets = [0, 0], sizes = [512, 64], strides = [1, 1]} : vector<512x768xbf16> to vector<512x64xbf16>
    %swap3A_391 = arith.constant 0 : index
    %swap3A_392 = arith.constant 0 : index
    %swap3A_393 = arith.constant 0 : index
    %swap3A_394 = vector.load %arg11[%swap3A_391, %swap3A_392, %swap3A_393] : memref<12x512x64xbf16, #tpu.memory_space<vmem>>, vector<1x512x64xbf16>
    %swap3A_395 = vector.shape_cast %swap3A_394 : vector<1x512x64xbf16> to vector<512x64xbf16>
    %swap3A_396 = vector.shape_cast %slice3A_390 : vector<512x64xbf16> to vector<1x512x64xbf16>
    tpu.vector_store %arg11[%swap3A_391, %swap3A_392, %swap3A_393], %swap3A_396 {strides = array<i32>} : memref<12x512x64xbf16, #tpu.memory_space<vmem>>, vector<1x512x64xbf16>,
    %slice3A_397 = vector.extract_strided_slice %convert_element_type3A_389 {offsets = [0, 64], sizes = [512, 64], strides = [1, 1]} : vector<512x768xbf16> to vector<512x64xbf16>
    %swap3A_398 = arith.constant 1 : index
    %swap3A_399 = arith.constant 0 : index
    %swap3A_400 = arith.constant 0 : index
    %swap3A_401 = vector.load %arg11[%swap3A_398, %swap3A_399, %swap3A_400] : memref<12x512x64xbf16, #tpu.memory_space<vmem>>, vector<1x512x64xbf16>
    %swap3A_402 = vector.shape_cast %swap3A_401 : vector<1x512x64xbf16> to vector<512x64xbf16>
    %swap3A_403 = vector.shape_cast %slice3A_397 : vector<512x64xbf16> to vector<1x512x64xbf16>
    tpu.vector_store %arg11[%swap3A_398, %swap3A_399, %swap3A_400], %swap3A_403 {strides = array<i32>} : memref<12x512x64xbf16, #tpu.memory_space<vmem>>, vector<1x512x64xbf16>,
    %slice3A_404 = vector.extract_strided_slice %convert_element_type3A_389 {offsets = [0, 128], sizes = [512, 64], strides = [1, 1]} : vector<512x768xbf16> to vector<512x64xbf16>
    %swap3A_405 = arith.constant 2 : index
    %swap3A_406 = arith.constant 0 : index
    %swap3A_407 = arith.constant 0 : index
    %swap3A_408 = vector.load %arg11[%swap3A_405, %swap3A_406, %swap3A_407] : memref<12x512x64xbf16, #tpu.memory_space<vmem>>, vector<1x512x64xbf16>
    %swap3A_409 = vector.shape_cast %swap3A_408 : vector<1x512x64xbf16> to vector<512x64xbf16>
    %swap3A_410 = vector.shape_cast %slice3A_404 : vector<512x64xbf16> to vector<1x512x64xbf16>
    tpu.vector_store %arg11[%swap3A_405, %swap3A_406, %swap3A_407], %swap3A_410 {strides = array<i32>} : memref<12x512x64xbf16, #tpu.memory_space<vmem>>, vector<1x512x64xbf16>,
    %slice3A_411 = vector.extract_strided_slice %convert_element_type3A_389 {offsets = [0, 192], sizes = [512, 64], strides = [1, 1]} : vector<512x768xbf16> to vector<512x64xbf16>
    %swap3A_412 = arith.constant 3 : index
    %swap3A_413 = arith.constant 0 : index
    %swap3A_414 = arith.constant 0 : index
    %swap3A_415 = vector.load %arg11[%swap3A_412, %swap3A_413, %swap3A_414] : memref<12x512x64xbf16, #tpu.memory_space<vmem>>, vector<1x512x64xbf16>
    %swap3A_416 = vector.shape_cast %swap3A_415 : vector<1x512x64xbf16> to vector<512x64xbf16>
    %swap3A_417 = vector.shape_cast %slice3A_411 : vector<512x64xbf16> to vector<1x512x64xbf16>
    tpu.vector_store %arg11[%swap3A_412, %swap3A_413, %swap3A_414], %swap3A_417 {strides = array<i32>} : memref<12x512x64xbf16, #tpu.memory_space<vmem>>, vector<1x512x64xbf16>,
    %slice3A_418 = vector.extract_strided_slice %convert_element_type3A_389 {offsets = [0, 256], sizes = [512, 64], strides = [1, 1]} : vector<512x768xbf16> to vector<512x64xbf16>
    %swap3A_419 = arith.constant 4 : index
    %swap3A_420 = arith.constant 0 : index
    %swap3A_421 = arith.constant 0 : index
    %swap3A_422 = vector.load %arg11[%swap3A_419, %swap3A_420, %swap3A_421] : memref<12x512x64xbf16, #tpu.memory_space<vmem>>, vector<1x512x64xbf16>
    %swap3A_423 = vector.shape_cast %swap3A_422 : vector<1x512x64xbf16> to vector<512x64xbf16>
    %swap3A_424 = vector.shape_cast %slice3A_418 : vector<512x64xbf16> to vector<1x512x64xbf16>
    tpu.vector_store %arg11[%swap3A_419, %swap3A_420, %swap3A_421], %swap3A_424 {strides = array<i32>} : memref<12x512x64xbf16, #tpu.memory_space<vmem>>, vector<1x512x64xbf16>,
    %slice3A_425 = vector.extract_strided_slice %convert_element_type3A_389 {offsets = [0, 320], sizes = [512, 64], strides = [1, 1]} : vector<512x768xbf16> to vector<512x64xbf16>
    %swap3A_426 = arith.constant 5 : index
    %swap3A_427 = arith.constant 0 : index
    %swap3A_428 = arith.constant 0 : index
    %swap3A_429 = vector.load %arg11[%swap3A_426, %swap3A_427, %swap3A_428] : memref<12x512x64xbf16, #tpu.memory_space<vmem>>, vector<1x512x64xbf16>
    %swap3A_430 = vector.shape_cast %swap3A_429 : vector<1x512x64xbf16> to vector<512x64xbf16>
    %swap3A_431 = vector.shape_cast %slice3A_425 : vector<512x64xbf16> to vector<1x512x64xbf16>
    tpu.vector_store %arg11[%swap3A_426, %swap3A_427, %swap3A_428], %swap3A_431 {strides = array<i32>} : memref<12x512x64xbf16, #tpu.memory_space<vmem>>, vector<1x512x64xbf16>,
    %slice3A_432 = vector.extract_strided_slice %convert_element_type3A_389 {offsets = [0, 384], sizes = [512, 64], strides = [1, 1]} : vector<512x768xbf16> to vector<512x64xbf16>
    %swap3A_433 = arith.constant 6 : index
    %swap3A_434 = arith.constant 0 : index
    %swap3A_435 = arith.constant 0 : index
    %swap3A_436 = vector.load %arg11[%swap3A_433, %swap3A_434, %swap3A_435] : memref<12x512x64xbf16, #tpu.memory_space<vmem>>, vector<1x512x64xbf16>
    %swap3A_437 = vector.shape_cast %swap3A_436 : vector<1x512x64xbf16> to vector<512x64xbf16>
    %swap3A_438 = vector.shape_cast %slice3A_432 : vector<512x64xbf16> to vector<1x512x64xbf16>
    tpu.vector_store %arg11[%swap3A_433, %swap3A_434, %swap3A_435], %swap3A_438 {strides = array<i32>} : memref<12x512x64xbf16, #tpu.memory_space<vmem>>, vector<1x512x64xbf16>,
    %slice3A_439 = vector.extract_strided_slice %convert_element_type3A_389 {offsets = [0, 448], sizes = [512, 64], strides = [1, 1]} : vector<512x768xbf16> to vector<512x64xbf16>
    %swap3A_440 = arith.constant 7 : index
    %swap3A_441 = arith.constant 0 : index
    %swap3A_442 = arith.constant 0 : index
    %swap3A_443 = vector.load %arg11[%swap3A_440, %swap3A_441, %swap3A_442] : memref<12x512x64xbf16, #tpu.memory_space<vmem>>, vector<1x512x64xbf16>
    %swap3A_444 = vector.shape_cast %swap3A_443 : vector<1x512x64xbf16> to vector<512x64xbf16>
    %swap3A_445 = vector.shape_cast %slice3A_439 : vector<512x64xbf16> to vector<1x512x64xbf16>
    tpu.vector_store %arg11[%swap3A_440, %swap3A_441, %swap3A_442], %swap3A_445 {strides = array<i32>} : memref<12x512x64xbf16, #tpu.memory_space<vmem>>, vector<1x512x64xbf16>,
    %slice3A_446 = vector.extract_strided_slice %convert_element_type3A_389 {offsets = [0, 512], sizes = [512, 64], strides = [1, 1]} : vector<512x768xbf16> to vector<512x64xbf16>
    %swap3A_447 = arith.constant 8 : index
    %swap3A_448 = arith.constant 0 : index
    %swap3A_449 = arith.constant 0 : index
    %swap3A_450 = vector.load %arg11[%swap3A_447, %swap3A_448, %swap3A_449] : memref<12x512x64xbf16, #tpu.memory_space<vmem>>, vector<1x512x64xbf16>
    %swap3A_451 = vector.shape_cast %swap3A_450 : vector<1x512x64xbf16> to vector<512x64xbf16>
    %swap3A_452 = vector.shape_cast %slice3A_446 : vector<512x64xbf16> to vector<1x512x64xbf16>
    tpu.vector_store %arg11[%swap3A_447, %swap3A_448, %swap3A_449], %swap3A_452 {strides = array<i32>} : memref<12x512x64xbf16, #tpu.memory_space<vmem>>, vector<1x512x64xbf16>,
    %slice3A_453 = vector.extract_strided_slice %convert_element_type3A_389 {offsets = [0, 576], sizes = [512, 64], strides = [1, 1]} : vector<512x768xbf16> to vector<512x64xbf16>
    %swap3A_454 = arith.constant 9 : index
    %swap3A_455 = arith.constant 0 : index
    %swap3A_456 = arith.constant 0 : index
    %swap3A_457 = vector.load %arg11[%swap3A_454, %swap3A_455, %swap3A_456] : memref<12x512x64xbf16, #tpu.memory_space<vmem>>, vector<1x512x64xbf16>
    %swap3A_458 = vector.shape_cast %swap3A_457 : vector<1x512x64xbf16> to vector<512x64xbf16>
    %swap3A_459 = vector.shape_cast %slice3A_453 : vector<512x64xbf16> to vector<1x512x64xbf16>
    tpu.vector_store %arg11[%swap3A_454, %swap3A_455, %swap3A_456], %swap3A_459 {strides = array<i32>} : memref<12x512x64xbf16, #tpu.memory_space<vmem>>, vector<1x512x64xbf16>,
    %slice3A_460 = vector.extract_strided_slice %convert_element_type3A_389 {offsets = [0, 640], sizes = [512, 64], strides = [1, 1]} : vector<512x768xbf16> to vector<512x64xbf16>
    %swap3A_461 = arith.constant 10 : index
    %swap3A_462 = arith.constant 0 : index
    %swap3A_463 = arith.constant 0 : index
    %swap3A_464 = vector.load %arg11[%swap3A_461, %swap3A_462, %swap3A_463] : memref<12x512x64xbf16, #tpu.memory_space<vmem>>, vector<1x512x64xbf16>
    %swap3A_465 = vector.shape_cast %swap3A_464 : vector<1x512x64xbf16> to vector<512x64xbf16>
    %swap3A_466 = vector.shape_cast %slice3A_460 : vector<512x64xbf16> to vector<1x512x64xbf16>
    tpu.vector_store %arg11[%swap3A_461, %swap3A_462, %swap3A_463], %swap3A_466 {strides = array<i32>} : memref<12x512x64xbf16, #tpu.memory_space<vmem>>, vector<1x512x64xbf16>,
    %slice3A_467 = vector.extract_strided_slice %convert_element_type3A_389 {offsets = [0, 704], sizes = [512, 64], strides = [1, 1]} : vector<512x768xbf16> to vector<512x64xbf16>
    %swap3A_468 = arith.constant 11 : index
    %swap3A_469 = arith.constant 0 : index
    %swap3A_470 = arith.constant 0 : index
    %swap3A_471 = vector.load %arg11[%swap3A_468, %swap3A_469, %swap3A_470] : memref<12x512x64xbf16, #tpu.memory_space<vmem>>, vector<1x512x64xbf16>
    %swap3A_472 = vector.shape_cast %swap3A_471 : vector<1x512x64xbf16> to vector<512x64xbf16>
    %swap3A_473 = vector.shape_cast %slice3A_467 : vector<512x64xbf16> to vector<1x512x64xbf16>
    tpu.vector_store %arg11[%swap3A_468, %swap3A_469, %swap3A_470], %swap3A_473 {strides = array<i32>} : memref<12x512x64xbf16, #tpu.memory_space<vmem>>, vector<1x512x64xbf16>,
    return
  }
  func.func @transform_0(%arg0: i32) -> (i32, i32) {
    %c0_i32 = arith.constant 0 : i32
    %c0_i32_0 = arith.constant 0 : i32
    return %arg0, %c0_i32 : i32, i32
  }
  func.func @transform_1(%arg0: i32) -> (i32, i32) {
    %c0_i32 = arith.constant 0 : i32
    %c0_i32_0 = arith.constant 0 : i32
    %c0_i32_1 = arith.constant 0 : i32
    return %c0_i32, %c0_i32_0 : i32, i32
  }
  func.func @transform_2(%arg0: i32) -> (i32, i32) {
    %c0_i32 = arith.constant 0 : i32
    %c0_i32_0 = arith.constant 0 : i32
    return %arg0, %c0_i32 : i32, i32
  }
  func.func @transform_3(%arg0: i32) -> (i32, i32) {
    %c0_i32 = arith.constant 0 : i32
    %c0_i32_0 = arith.constant 0 : i32
    return %arg0, %c0_i32 : i32, i32
  }
  func.func @transform_4(%arg0: i32) -> (i32, i32) {
    %c0_i32 = arith.constant 0 : i32
    %c0_i32_0 = arith.constant 0 : i32
    %c0_i32_1 = arith.constant 0 : i32
    return %c0_i32, %c0_i32_0 : i32, i32
  }
  func.func @transform_5(%arg0: i32) -> (i32, i32) {
    %c0_i32 = arith.constant 0 : i32
    %c0_i32_0 = arith.constant 0 : i32
    %c0_i32_1 = arith.constant 0 : i32
    return %c0_i32, %c0_i32_0 : i32, i32
  }
  func.func @transform_6(%arg0: i32) -> (i32, i32) {
    %c0_i32 = arith.constant 0 : i32
    %c0_i32_0 = arith.constant 0 : i32
    %c0_i32_1 = arith.constant 0 : i32
    return %c0_i32, %c0_i32_0 : i32, i32
  }
  func.func @transform_7(%arg0: i32) -> (i32, i32) {
    %c0_i32 = arith.constant 0 : i32
    %c0_i32_0 = arith.constant 0 : i32
    return %arg0, %c0_i32 : i32, i32
  }
  func.func @transform_8(%arg0: i32) -> (i32, i32, i32) {
    %c0_i32 = arith.constant 0 : i32
    %c0_i32_0 = arith.constant 0 : i32
    %c0_i32_1 = arith.constant 0 : i32
    return %c0_i32, %arg0, %c0_i32_0 : i32, i32, i32
  }
  func.func @transform_9(%arg0: i32) -> (i32, i32, i32) {
    %c0_i32 = arith.constant 0 : i32
    %c0_i32_0 = arith.constant 0 : i32
    %c0_i32_1 = arith.constant 0 : i32
    return %c0_i32, %arg0, %c0_i32_0 : i32, i32, i32
  }
  func.func @transform_10(%arg0: i32) -> (i32, i32, i32) {
    %c0_i32 = arith.constant 0 : i32
    %c0_i32_0 = arith.constant 0 : i32
    %c0_i32_1 = arith.constant 0 : i32
    return %c0_i32, %arg0, %c0_i32_0 : i32, i32, i32
  }
}

module attributes {stable_mosaic.version = 14 : i64} {
  func.func @_flash_body(%arg0: i32, %arg1: i32, %arg2: memref<2x1024x64xbf16, #tpu.memory_space<vmem>>, %arg3: memref<2x2048x64xbf16, #tpu.memory_space<vmem>>, %arg4: memref<2x2048x64xbf16, #tpu.memory_space<vmem>>, %arg5: memref<1024x128xf32, #tpu.memory_space<vmem>>) attributes {dimension_semantics = [#tpu.dimension_semantics<arbitrary>, #tpu.dimension_semantics<arbitrary>], iteration_bounds = array<i64: 6, 2>, scalar_prefetch = 0 : i64, scratch_operands = 0 : i64, tpu.core_type = #tpu.core_type<tc>, window_params = [{transform_indices = @transform_0, window_bounds = array<i64: 2, 1024, 64>}, {transform_indices = @transform_1, window_bounds = array<i64: 2, 2048, 64>}, {transform_indices = @transform_2, window_bounds = array<i64: 2, 2048, 64>}, {transform_indices = @transform_3, window_bounds = array<i64: 1024, 128>}]} {
    %get3A = arith.constant 0 : index
    %get3A_0 = arith.constant 0 : index
    %get3A_1 = arith.constant 0 : index
    %get3A_2 = vector.load %arg2[%get3A, %get3A_0, %get3A_1] : memref<2x1024x64xbf16, #tpu.memory_space<vmem>>, vector<1x1024x64xbf16>
    %get3A_3 = vector.shape_cast %get3A_2 : vector<1x1024x64xbf16> to vector<1024x64xbf16>
    %broadcast_in_dim3A = arith.constant -1.000000e+30 : f32
    %broadcast_in_dim3A_4 = vector.broadcast %broadcast_in_dim3A : f32 to vector<1024x1xf32>
    %broadcast_in_dim3A_5 = arith.constant 0.000000e+00 : f32
    %broadcast_in_dim3A_6 = vector.broadcast %broadcast_in_dim3A_5 : f32 to vector<1024x1xf32>
    %broadcast_in_dim3A_7 = arith.constant 0.000000e+00 : f32
    %broadcast_in_dim3A_8 = vector.broadcast %broadcast_in_dim3A_7 : f32 to vector<1024x64xf32>
    %mul3A = arith.constant 1 : i32
    %mul3A_9 = arith.muli %mul3A, %arg1 : i32
    %while3A = arith.constant 0 : i32
    %while3A_10 = arith.subi %mul3A_9, %while3A : i32
    %while3A_11 = arith.addi %while3A, %while3A_10 : i32
    %while3A_12 = arith.constant 1 : i32
    %while3A_13 = arith.divsi %while3A_10, %while3A_12 : i32
    %while3A_14 = arith.muli %while3A_13, %while3A_12 : i32
    %while3A_15 = arith.addi %while3A, %while3A_14 : i32
    %while3A_16 = arith.constant 1 : i32
    %while3A_17:3 = scf.for %while3A_138 = %while3A to %while3A_15 step %while3A_16 iter_args(%while3A_139 = %broadcast_in_dim3A_4, %while3A_140 = %broadcast_in_dim3A_6, %while3A_141 = %broadcast_in_dim3A_8) -> (vector<1024x1xf32>, vector<1024x1xf32>, vector<1024x64xf32>)  : i32 {
      %mul3A_142 = arith.constant 1024 : i32
      %mul3A_143 = arith.muli %while3A_138, %mul3A_142 : i32
      %get3A_144 = arith.constant 0 : index
      %get3A_145 = arith.index_cast %mul3A_143 : i32 to index
      %get3A_146 = arith.constant 0 : index
      %get3A_147 = vector.load %arg3[%get3A_144, %get3A_145, %get3A_146] : memref<2x2048x64xbf16, #tpu.memory_space<vmem>>, vector<1x1024x64xbf16>
      %get3A_148 = vector.shape_cast %get3A_147 : vector<1x1024x64xbf16> to vector<1024x64xbf16>
      %mul3A_149 = arith.constant 1024 : i32
      %mul3A_150 = arith.muli %while3A_138, %mul3A_149 : i32
      %get3A_151 = arith.constant 0 : index
      %get3A_152 = arith.index_cast %mul3A_150 : i32 to index
      %get3A_153 = arith.constant 0 : index
      %get3A_154 = vector.load %arg4[%get3A_151, %get3A_152, %get3A_153] : memref<2x2048x64xbf16, #tpu.memory_space<vmem>>, vector<1x1024x64xbf16>
      %get3A_155 = vector.shape_cast %get3A_154 : vector<1x1024x64xbf16> to vector<1024x64xbf16>
      %dot_general3A_156 = arith.constant dense<0.000000e+00> : vector<1024x1024xf32>
      %dot_general3A_157 = tpu.matmul %get3A_3, %get3A_148, %dot_general3A_156 {dimension_numbers = #tpu.dot_dimension_numbers<[1], [1], [0], [0], [0, 0, 1, 0], [], []>, transpose_lhs_hint = false} : vector<1024x64xbf16>, vector<1024x64xbf16>, vector<1024x1024xf32> -> vector<1024x1024xf32>
      %reduce_max3A_158 = arith.constant dense<0xFF800000> : vector<1024xf32>
      %reduce_max3A_159 = vector.multi_reduction <maximumf>, %dot_general3A_157, %reduce_max3A_158 [1] : vector<1024x1024xf32> to vector<1024xf32>
      %broadcast_in_dim3A_160 = vector.shape_cast %reduce_max3A_159 : vector<1024xf32> to vector<1024x1xf32>
      %max3A_161 = arith.maximumf %while3A_139, %broadcast_in_dim3A_160 : vector<1024x1xf32>
      %sub3A_162 = vector.broadcast %max3A_161 : vector<1024x1xf32> to vector<1024x1024xf32>
      %sub3A_163 = arith.subf %dot_general3A_157, %sub3A_162 : vector<1024x1024xf32>
      %exp3A_164 = math.exp %sub3A_163 : vector<1024x1024xf32>
      %sub3A_165 = arith.subf %while3A_139, %max3A_161 : vector<1024x1xf32>
      %exp3A_166 = math.exp %sub3A_165 : vector<1024x1xf32>
      %mul3A_167 = arith.mulf %while3A_140, %exp3A_166 : vector<1024x1xf32>
      %reduce_sum3A_168 = arith.constant dense<0.000000e+00> : vector<1024xf32>
      %reduce_sum3A_169 = vector.multi_reduction <add>, %exp3A_164, %reduce_sum3A_168 [1] : vector<1024x1024xf32> to vector<1024xf32>
      %broadcast_in_dim3A_170 = vector.shape_cast %reduce_sum3A_169 : vector<1024xf32> to vector<1024x1xf32>
      %add3A_171 = arith.addf %mul3A_167, %broadcast_in_dim3A_170 : vector<1024x1xf32>
      %mul3A_172 = vector.broadcast %exp3A_166 : vector<1024x1xf32> to vector<1024x64xf32>
      %mul3A_173 = arith.mulf %while3A_141, %mul3A_172 : vector<1024x64xf32>
      %convert_element_type3A_174 = arith.truncf %exp3A_164 : vector<1024x1024xf32> to vector<1024x1024xbf16>
      %dot_general3A_175 = arith.constant dense<0.000000e+00> : vector<1024x64xf32>
      %dot_general3A_176 = tpu.matmul %convert_element_type3A_174, %get3A_155, %dot_general3A_175 {dimension_numbers = #tpu.dot_dimension_numbers<[1], [0], [0], [1], [0, 0, 1, 1], [], []>, transpose_lhs_hint = false} : vector<1024x1024xbf16>, vector<1024x64xbf16>, vector<1024x64xf32> -> vector<1024x64xf32>
      %add3A_177 = arith.addf %mul3A_173, %dot_general3A_176 : vector<1024x64xf32>
      scf.yield %max3A_161, %add3A_171, %add3A_177 : vector<1024x1xf32>, vector<1024x1xf32>, vector<1024x64xf32>
    }
    %while3A_18 = arith.constant 1 : i32
    %while3A_19:3 = scf.for %while3A_138 = %while3A_15 to %while3A_11 step %while3A_18 iter_args(%while3A_139 = %while3A_17#0, %while3A_140 = %while3A_17#1, %while3A_141 = %while3A_17#2) -> (vector<1024x1xf32>, vector<1024x1xf32>, vector<1024x64xf32>)  : i32 {
      %mul3A_142 = arith.constant 1024 : i32
      %mul3A_143 = arith.muli %while3A_138, %mul3A_142 : i32
      %get3A_144 = arith.constant 0 : index
      %get3A_145 = arith.index_cast %mul3A_143 : i32 to index
      %get3A_146 = arith.constant 0 : index
      %get3A_147 = vector.load %arg3[%get3A_144, %get3A_145, %get3A_146] : memref<2x2048x64xbf16, #tpu.memory_space<vmem>>, vector<1x1024x64xbf16>
      %get3A_148 = vector.shape_cast %get3A_147 : vector<1x1024x64xbf16> to vector<1024x64xbf16>
      %mul3A_149 = arith.constant 1024 : i32
      %mul3A_150 = arith.muli %while3A_138, %mul3A_149 : i32
      %get3A_151 = arith.constant 0 : index
      %get3A_152 = arith.index_cast %mul3A_150 : i32 to index
      %get3A_153 = arith.constant 0 : index
      %get3A_154 = vector.load %arg4[%get3A_151, %get3A_152, %get3A_153] : memref<2x2048x64xbf16, #tpu.memory_space<vmem>>, vector<1x1024x64xbf16>
      %get3A_155 = vector.shape_cast %get3A_154 : vector<1x1024x64xbf16> to vector<1024x64xbf16>
      %dot_general3A_156 = arith.constant dense<0.000000e+00> : vector<1024x1024xf32>
      %dot_general3A_157 = tpu.matmul %get3A_3, %get3A_148, %dot_general3A_156 {dimension_numbers = #tpu.dot_dimension_numbers<[1], [1], [0], [0], [0, 0, 1, 0], [], []>, transpose_lhs_hint = false} : vector<1024x64xbf16>, vector<1024x64xbf16>, vector<1024x1024xf32> -> vector<1024x1024xf32>
      %reduce_max3A_158 = arith.constant dense<0xFF800000> : vector<1024xf32>
      %reduce_max3A_159 = vector.multi_reduction <maximumf>, %dot_general3A_157, %reduce_max3A_158 [1] : vector<1024x1024xf32> to vector<1024xf32>
      %broadcast_in_dim3A_160 = vector.shape_cast %reduce_max3A_159 : vector<1024xf32> to vector<1024x1xf32>
      %max3A_161 = arith.maximumf %while3A_139, %broadcast_in_dim3A_160 : vector<1024x1xf32>
      %sub3A_162 = vector.broadcast %max3A_161 : vector<1024x1xf32> to vector<1024x1024xf32>
      %sub3A_163 = arith.subf %dot_general3A_157, %sub3A_162 : vector<1024x1024xf32>
      %exp3A_164 = math.exp %sub3A_163 : vector<1024x1024xf32>
      %sub3A_165 = arith.subf %while3A_139, %max3A_161 : vector<1024x1xf32>
      %exp3A_166 = math.exp %sub3A_165 : vector<1024x1xf32>
      %mul3A_167 = arith.mulf %while3A_140, %exp3A_166 : vector<1024x1xf32>
      %reduce_sum3A_168 = arith.constant dense<0.000000e+00> : vector<1024xf32>
      %reduce_sum3A_169 = vector.multi_reduction <add>, %exp3A_164, %reduce_sum3A_168 [1] : vector<1024x1024xf32> to vector<1024xf32>
      %broadcast_in_dim3A_170 = vector.shape_cast %reduce_sum3A_169 : vector<1024xf32> to vector<1024x1xf32>
      %add3A_171 = arith.addf %mul3A_167, %broadcast_in_dim3A_170 : vector<1024x1xf32>
      %mul3A_172 = vector.broadcast %exp3A_166 : vector<1024x1xf32> to vector<1024x64xf32>
      %mul3A_173 = arith.mulf %while3A_141, %mul3A_172 : vector<1024x64xf32>
      %convert_element_type3A_174 = arith.truncf %exp3A_164 : vector<1024x1024xf32> to vector<1024x1024xbf16>
      %dot_general3A_175 = arith.constant dense<0.000000e+00> : vector<1024x64xf32>
      %dot_general3A_176 = tpu.matmul %convert_element_type3A_174, %get3A_155, %dot_general3A_175 {dimension_numbers = #tpu.dot_dimension_numbers<[1], [0], [0], [1], [0, 0, 1, 1], [], []>, transpose_lhs_hint = false} : vector<1024x1024xbf16>, vector<1024x64xbf16>, vector<1024x64xf32> -> vector<1024x64xf32>
      %add3A_177 = arith.addf %mul3A_173, %dot_general3A_176 : vector<1024x64xf32>
      scf.yield %max3A_161, %add3A_171, %add3A_177 : vector<1024x1xf32>, vector<1024x1xf32>, vector<1024x64xf32>
    }
    %mul3A_20 = arith.constant 1 : i32
    %mul3A_21 = arith.muli %mul3A_20, %arg1 : i32
    %add3A = arith.constant 0 : i32
    %add3A_22 = arith.addi %mul3A_21, %add3A : i32
    %mul3A_23 = arith.constant 1024 : i32
    %mul3A_24 = arith.muli %add3A_22, %mul3A_23 : i32
    %get3A_25 = arith.constant 0 : index
    %get3A_26 = arith.index_cast %mul3A_24 : i32 to index
    %get3A_27 = arith.constant 0 : index
    %get3A_28 = vector.load %arg3[%get3A_25, %get3A_26, %get3A_27] : memref<2x2048x64xbf16, #tpu.memory_space<vmem>>, vector<1x1024x64xbf16>
    %get3A_29 = vector.shape_cast %get3A_28 : vector<1x1024x64xbf16> to vector<1024x64xbf16>
    %mul3A_30 = arith.constant 1024 : i32
    %mul3A_31 = arith.muli %add3A_22, %mul3A_30 : i32
    %get3A_32 = arith.constant 0 : index
    %get3A_33 = arith.index_cast %mul3A_31 : i32 to index
    %get3A_34 = arith.constant 0 : index
    %get3A_35 = vector.load %arg4[%get3A_32, %get3A_33, %get3A_34] : memref<2x2048x64xbf16, #tpu.memory_space<vmem>>, vector<1x1024x64xbf16>
    %get3A_36 = vector.shape_cast %get3A_35 : vector<1x1024x64xbf16> to vector<1024x64xbf16>
    %dot_general3A = arith.constant dense<0.000000e+00> : vector<1024x1024xf32>
    %dot_general3A_37 = tpu.matmul %get3A_3, %get3A_29, %dot_general3A {dimension_numbers = #tpu.dot_dimension_numbers<[1], [1], [0], [0], [0, 0, 1, 0], [], []>, transpose_lhs_hint = false} : vector<1024x64xbf16>, vector<1024x64xbf16>, vector<1024x1024xf32> -> vector<1024x1024xf32>
    %iota3A = tpu.iota {dimensions = array<i32: 0>} : vector<1024x1024xi32>
    %iota3A_38 = tpu.iota {dimensions = array<i32: 1>} : vector<1024x1024xi32>
    %add3A_39 = arith.constant 0 : i32
    %add3A_40 = vector.broadcast %add3A_39 : i32 to vector<1024x1024xi32>
    %add3A_41 = arith.addi %add3A_40, %iota3A_38 : vector<1024x1024xi32>
    %ge3A = arith.cmpi sge, %iota3A, %add3A_41 : vector<1024x1024xi32>
    %jit3A = arith.constant -1.000000e+30 : f32
    %broadcast_in_dim3A_42 = vector.broadcast %jit3A : f32 to vector<1024x1024xf32>
    %select_n3A = arith.select %ge3A, %dot_general3A_37, %broadcast_in_dim3A_42 : vector<1024x1024xi1>, vector<1024x1024xf32>
    %reduce_max3A = arith.constant dense<0xFF800000> : vector<1024xf32>
    %reduce_max3A_43 = vector.multi_reduction <maximumf>, %select_n3A, %reduce_max3A [1] : vector<1024x1024xf32> to vector<1024xf32>
    %broadcast_in_dim3A_44 = vector.shape_cast %reduce_max3A_43 : vector<1024xf32> to vector<1024x1xf32>
    %max3A = arith.maximumf %while3A_19#0, %broadcast_in_dim3A_44 : vector<1024x1xf32>
    %sub3A = vector.broadcast %max3A : vector<1024x1xf32> to vector<1024x1024xf32>
    %sub3A_45 = arith.subf %select_n3A, %sub3A : vector<1024x1024xf32>
    %exp3A = math.exp %sub3A_45 : vector<1024x1024xf32>
    %sub3A_46 = arith.subf %while3A_19#0, %max3A : vector<1024x1xf32>
    %exp3A_47 = math.exp %sub3A_46 : vector<1024x1xf32>
    %mul3A_48 = arith.mulf %while3A_19#1, %exp3A_47 : vector<1024x1xf32>
    %reduce_sum3A = arith.constant dense<0.000000e+00> : vector<1024xf32>
    %reduce_sum3A_49 = vector.multi_reduction <add>, %exp3A, %reduce_sum3A [1] : vector<1024x1024xf32> to vector<1024xf32>
    %broadcast_in_dim3A_50 = vector.shape_cast %reduce_sum3A_49 : vector<1024xf32> to vector<1024x1xf32>
    %add3A_51 = arith.addf %mul3A_48, %broadcast_in_dim3A_50 : vector<1024x1xf32>
    %mul3A_52 = vector.broadcast %exp3A_47 : vector<1024x1xf32> to vector<1024x64xf32>
    %mul3A_53 = arith.mulf %while3A_19#2, %mul3A_52 : vector<1024x64xf32>
    %convert_element_type3A = arith.truncf %exp3A : vector<1024x1024xf32> to vector<1024x1024xbf16>
    %dot_general3A_54 = arith.constant dense<0.000000e+00> : vector<1024x64xf32>
    %dot_general3A_55 = tpu.matmul %convert_element_type3A, %get3A_36, %dot_general3A_54 {dimension_numbers = #tpu.dot_dimension_numbers<[1], [0], [0], [1], [0, 0, 1, 1], [], []>, transpose_lhs_hint = false} : vector<1024x1024xbf16>, vector<1024x64xbf16>, vector<1024x64xf32> -> vector<1024x64xf32>
    %add3A_56 = arith.addf %mul3A_53, %dot_general3A_55 : vector<1024x64xf32>
    %div3A = vector.broadcast %add3A_51 : vector<1024x1xf32> to vector<1024x64xf32>
    %div3A_57 = arith.divf %add3A_56, %div3A : vector<1024x64xf32>
    %swap3A = arith.constant 0 : index
    %swap3A_58 = arith.constant 0 : index
    %swap3A_59 = vector.load %arg5[%swap3A, %swap3A_58] : memref<1024x128xf32, #tpu.memory_space<vmem>>, vector<1024x64xf32>
    tpu.vector_store %arg5[%swap3A, %swap3A_58], %div3A_57 {strides = array<i32>} : memref<1024x128xf32, #tpu.memory_space<vmem>>, vector<1024x64xf32>,
    %get3A_60 = arith.constant 1 : index
    %get3A_61 = arith.constant 0 : index
    %get3A_62 = arith.constant 0 : index
    %get3A_63 = vector.load %arg2[%get3A_60, %get3A_61, %get3A_62] : memref<2x1024x64xbf16, #tpu.memory_space<vmem>>, vector<1x1024x64xbf16>
    %get3A_64 = vector.shape_cast %get3A_63 : vector<1x1024x64xbf16> to vector<1024x64xbf16>
    %broadcast_in_dim3A_65 = arith.constant -1.000000e+30 : f32
    %broadcast_in_dim3A_66 = vector.broadcast %broadcast_in_dim3A_65 : f32 to vector<1024x1xf32>
    %broadcast_in_dim3A_67 = arith.constant 0.000000e+00 : f32
    %broadcast_in_dim3A_68 = vector.broadcast %broadcast_in_dim3A_67 : f32 to vector<1024x1xf32>
    %broadcast_in_dim3A_69 = arith.constant 0.000000e+00 : f32
    %broadcast_in_dim3A_70 = vector.broadcast %broadcast_in_dim3A_69 : f32 to vector<1024x64xf32>
    %mul3A_71 = arith.constant 1 : i32
    %mul3A_72 = arith.muli %mul3A_71, %arg1 : i32
    %while3A_73 = arith.constant 0 : i32
    %while3A_74 = arith.subi %mul3A_72, %while3A_73 : i32
    %while3A_75 = arith.addi %while3A_73, %while3A_74 : i32
    %while3A_76 = arith.constant 1 : i32
    %while3A_77 = arith.divsi %while3A_74, %while3A_76 : i32
    %while3A_78 = arith.muli %while3A_77, %while3A_76 : i32
    %while3A_79 = arith.addi %while3A_73, %while3A_78 : i32
    %while3A_80 = arith.constant 1 : i32
    %while3A_81:3 = scf.for %while3A_138 = %while3A_73 to %while3A_79 step %while3A_80 iter_args(%while3A_139 = %broadcast_in_dim3A_66, %while3A_140 = %broadcast_in_dim3A_68, %while3A_141 = %broadcast_in_dim3A_70) -> (vector<1024x1xf32>, vector<1024x1xf32>, vector<1024x64xf32>)  : i32 {
      %mul3A_142 = arith.constant 1024 : i32
      %mul3A_143 = arith.muli %while3A_138, %mul3A_142 : i32
      %get3A_144 = arith.constant 1 : index
      %get3A_145 = arith.index_cast %mul3A_143 : i32 to index
      %get3A_146 = arith.constant 0 : index
      %get3A_147 = vector.load %arg3[%get3A_144, %get3A_145, %get3A_146] : memref<2x2048x64xbf16, #tpu.memory_space<vmem>>, vector<1x1024x64xbf16>
      %get3A_148 = vector.shape_cast %get3A_147 : vector<1x1024x64xbf16> to vector<1024x64xbf16>
      %mul3A_149 = arith.constant 1024 : i32
      %mul3A_150 = arith.muli %while3A_138, %mul3A_149 : i32
      %get3A_151 = arith.constant 1 : index
      %get3A_152 = arith.index_cast %mul3A_150 : i32 to index
      %get3A_153 = arith.constant 0 : index
      %get3A_154 = vector.load %arg4[%get3A_151, %get3A_152, %get3A_153] : memref<2x2048x64xbf16, #tpu.memory_space<vmem>>, vector<1x1024x64xbf16>
      %get3A_155 = vector.shape_cast %get3A_154 : vector<1x1024x64xbf16> to vector<1024x64xbf16>
      %dot_general3A_156 = arith.constant dense<0.000000e+00> : vector<1024x1024xf32>
      %dot_general3A_157 = tpu.matmul %get3A_64, %get3A_148, %dot_general3A_156 {dimension_numbers = #tpu.dot_dimension_numbers<[1], [1], [0], [0], [0, 0, 1, 0], [], []>, transpose_lhs_hint = false} : vector<1024x64xbf16>, vector<1024x64xbf16>, vector<1024x1024xf32> -> vector<1024x1024xf32>
      %reduce_max3A_158 = arith.constant dense<0xFF800000> : vector<1024xf32>
      %reduce_max3A_159 = vector.multi_reduction <maximumf>, %dot_general3A_157, %reduce_max3A_158 [1] : vector<1024x1024xf32> to vector<1024xf32>
      %broadcast_in_dim3A_160 = vector.shape_cast %reduce_max3A_159 : vector<1024xf32> to vector<1024x1xf32>
      %max3A_161 = arith.maximumf %while3A_139, %broadcast_in_dim3A_160 : vector<1024x1xf32>
      %sub3A_162 = vector.broadcast %max3A_161 : vector<1024x1xf32> to vector<1024x1024xf32>
      %sub3A_163 = arith.subf %dot_general3A_157, %sub3A_162 : vector<1024x1024xf32>
      %exp3A_164 = math.exp %sub3A_163 : vector<1024x1024xf32>
      %sub3A_165 = arith.subf %while3A_139, %max3A_161 : vector<1024x1xf32>
      %exp3A_166 = math.exp %sub3A_165 : vector<1024x1xf32>
      %mul3A_167 = arith.mulf %while3A_140, %exp3A_166 : vector<1024x1xf32>
      %reduce_sum3A_168 = arith.constant dense<0.000000e+00> : vector<1024xf32>
      %reduce_sum3A_169 = vector.multi_reduction <add>, %exp3A_164, %reduce_sum3A_168 [1] : vector<1024x1024xf32> to vector<1024xf32>
      %broadcast_in_dim3A_170 = vector.shape_cast %reduce_sum3A_169 : vector<1024xf32> to vector<1024x1xf32>
      %add3A_171 = arith.addf %mul3A_167, %broadcast_in_dim3A_170 : vector<1024x1xf32>
      %mul3A_172 = vector.broadcast %exp3A_166 : vector<1024x1xf32> to vector<1024x64xf32>
      %mul3A_173 = arith.mulf %while3A_141, %mul3A_172 : vector<1024x64xf32>
      %convert_element_type3A_174 = arith.truncf %exp3A_164 : vector<1024x1024xf32> to vector<1024x1024xbf16>
      %dot_general3A_175 = arith.constant dense<0.000000e+00> : vector<1024x64xf32>
      %dot_general3A_176 = tpu.matmul %convert_element_type3A_174, %get3A_155, %dot_general3A_175 {dimension_numbers = #tpu.dot_dimension_numbers<[1], [0], [0], [1], [0, 0, 1, 1], [], []>, transpose_lhs_hint = false} : vector<1024x1024xbf16>, vector<1024x64xbf16>, vector<1024x64xf32> -> vector<1024x64xf32>
      %add3A_177 = arith.addf %mul3A_173, %dot_general3A_176 : vector<1024x64xf32>
      scf.yield %max3A_161, %add3A_171, %add3A_177 : vector<1024x1xf32>, vector<1024x1xf32>, vector<1024x64xf32>
    }
    %while3A_82 = arith.constant 1 : i32
    %while3A_83:3 = scf.for %while3A_138 = %while3A_79 to %while3A_75 step %while3A_82 iter_args(%while3A_139 = %while3A_81#0, %while3A_140 = %while3A_81#1, %while3A_141 = %while3A_81#2) -> (vector<1024x1xf32>, vector<1024x1xf32>, vector<1024x64xf32>)  : i32 {
      %mul3A_142 = arith.constant 1024 : i32
      %mul3A_143 = arith.muli %while3A_138, %mul3A_142 : i32
      %get3A_144 = arith.constant 1 : index
      %get3A_145 = arith.index_cast %mul3A_143 : i32 to index
      %get3A_146 = arith.constant 0 : index
      %get3A_147 = vector.load %arg3[%get3A_144, %get3A_145, %get3A_146] : memref<2x2048x64xbf16, #tpu.memory_space<vmem>>, vector<1x1024x64xbf16>
      %get3A_148 = vector.shape_cast %get3A_147 : vector<1x1024x64xbf16> to vector<1024x64xbf16>
      %mul3A_149 = arith.constant 1024 : i32
      %mul3A_150 = arith.muli %while3A_138, %mul3A_149 : i32
      %get3A_151 = arith.constant 1 : index
      %get3A_152 = arith.index_cast %mul3A_150 : i32 to index
      %get3A_153 = arith.constant 0 : index
      %get3A_154 = vector.load %arg4[%get3A_151, %get3A_152, %get3A_153] : memref<2x2048x64xbf16, #tpu.memory_space<vmem>>, vector<1x1024x64xbf16>
      %get3A_155 = vector.shape_cast %get3A_154 : vector<1x1024x64xbf16> to vector<1024x64xbf16>
      %dot_general3A_156 = arith.constant dense<0.000000e+00> : vector<1024x1024xf32>
      %dot_general3A_157 = tpu.matmul %get3A_64, %get3A_148, %dot_general3A_156 {dimension_numbers = #tpu.dot_dimension_numbers<[1], [1], [0], [0], [0, 0, 1, 0], [], []>, transpose_lhs_hint = false} : vector<1024x64xbf16>, vector<1024x64xbf16>, vector<1024x1024xf32> -> vector<1024x1024xf32>
      %reduce_max3A_158 = arith.constant dense<0xFF800000> : vector<1024xf32>
      %reduce_max3A_159 = vector.multi_reduction <maximumf>, %dot_general3A_157, %reduce_max3A_158 [1] : vector<1024x1024xf32> to vector<1024xf32>
      %broadcast_in_dim3A_160 = vector.shape_cast %reduce_max3A_159 : vector<1024xf32> to vector<1024x1xf32>
      %max3A_161 = arith.maximumf %while3A_139, %broadcast_in_dim3A_160 : vector<1024x1xf32>
      %sub3A_162 = vector.broadcast %max3A_161 : vector<1024x1xf32> to vector<1024x1024xf32>
      %sub3A_163 = arith.subf %dot_general3A_157, %sub3A_162 : vector<1024x1024xf32>
      %exp3A_164 = math.exp %sub3A_163 : vector<1024x1024xf32>
      %sub3A_165 = arith.subf %while3A_139, %max3A_161 : vector<1024x1xf32>
      %exp3A_166 = math.exp %sub3A_165 : vector<1024x1xf32>
      %mul3A_167 = arith.mulf %while3A_140, %exp3A_166 : vector<1024x1xf32>
      %reduce_sum3A_168 = arith.constant dense<0.000000e+00> : vector<1024xf32>
      %reduce_sum3A_169 = vector.multi_reduction <add>, %exp3A_164, %reduce_sum3A_168 [1] : vector<1024x1024xf32> to vector<1024xf32>
      %broadcast_in_dim3A_170 = vector.shape_cast %reduce_sum3A_169 : vector<1024xf32> to vector<1024x1xf32>
      %add3A_171 = arith.addf %mul3A_167, %broadcast_in_dim3A_170 : vector<1024x1xf32>
      %mul3A_172 = vector.broadcast %exp3A_166 : vector<1024x1xf32> to vector<1024x64xf32>
      %mul3A_173 = arith.mulf %while3A_141, %mul3A_172 : vector<1024x64xf32>
      %convert_element_type3A_174 = arith.truncf %exp3A_164 : vector<1024x1024xf32> to vector<1024x1024xbf16>
      %dot_general3A_175 = arith.constant dense<0.000000e+00> : vector<1024x64xf32>
      %dot_general3A_176 = tpu.matmul %convert_element_type3A_174, %get3A_155, %dot_general3A_175 {dimension_numbers = #tpu.dot_dimension_numbers<[1], [0], [0], [1], [0, 0, 1, 1], [], []>, transpose_lhs_hint = false} : vector<1024x1024xbf16>, vector<1024x64xbf16>, vector<1024x64xf32> -> vector<1024x64xf32>
      %add3A_177 = arith.addf %mul3A_173, %dot_general3A_176 : vector<1024x64xf32>
      scf.yield %max3A_161, %add3A_171, %add3A_177 : vector<1024x1xf32>, vector<1024x1xf32>, vector<1024x64xf32>
    }
    %mul3A_84 = arith.constant 1 : i32
    %mul3A_85 = arith.muli %mul3A_84, %arg1 : i32
    %add3A_86 = arith.constant 0 : i32
    %add3A_87 = arith.addi %mul3A_85, %add3A_86 : i32
    %mul3A_88 = arith.constant 1024 : i32
    %mul3A_89 = arith.muli %add3A_87, %mul3A_88 : i32
    %get3A_90 = arith.constant 1 : index
    %get3A_91 = arith.index_cast %mul3A_89 : i32 to index
    %get3A_92 = arith.constant 0 : index
    %get3A_93 = vector.load %arg3[%get3A_90, %get3A_91, %get3A_92] : memref<2x2048x64xbf16, #tpu.memory_space<vmem>>, vector<1x1024x64xbf16>
    %get3A_94 = vector.shape_cast %get3A_93 : vector<1x1024x64xbf16> to vector<1024x64xbf16>
    %mul3A_95 = arith.constant 1024 : i32
    %mul3A_96 = arith.muli %add3A_87, %mul3A_95 : i32
    %get3A_97 = arith.constant 1 : index
    %get3A_98 = arith.index_cast %mul3A_96 : i32 to index
    %get3A_99 = arith.constant 0 : index
    %get3A_100 = vector.load %arg4[%get3A_97, %get3A_98, %get3A_99] : memref<2x2048x64xbf16, #tpu.memory_space<vmem>>, vector<1x1024x64xbf16>
    %get3A_101 = vector.shape_cast %get3A_100 : vector<1x1024x64xbf16> to vector<1024x64xbf16>
    %dot_general3A_102 = arith.constant dense<0.000000e+00> : vector<1024x1024xf32>
    %dot_general3A_103 = tpu.matmul %get3A_64, %get3A_94, %dot_general3A_102 {dimension_numbers = #tpu.dot_dimension_numbers<[1], [1], [0], [0], [0, 0, 1, 0], [], []>, transpose_lhs_hint = false} : vector<1024x64xbf16>, vector<1024x64xbf16>, vector<1024x1024xf32> -> vector<1024x1024xf32>
    %iota3A_104 = tpu.iota {dimensions = array<i32: 0>} : vector<1024x1024xi32>
    %iota3A_105 = tpu.iota {dimensions = array<i32: 1>} : vector<1024x1024xi32>
    %add3A_106 = arith.constant 0 : i32
    %add3A_107 = vector.broadcast %add3A_106 : i32 to vector<1024x1024xi32>
    %add3A_108 = arith.addi %add3A_107, %iota3A_105 : vector<1024x1024xi32>
    %ge3A_109 = arith.cmpi sge, %iota3A_104, %add3A_108 : vector<1024x1024xi32>
    %jit3A_110 = arith.constant -1.000000e+30 : f32
    %broadcast_in_dim3A_111 = vector.broadcast %jit3A_110 : f32 to vector<1024x1024xf32>
    %select_n3A_112 = arith.select %ge3A_109, %dot_general3A_103, %broadcast_in_dim3A_111 : vector<1024x1024xi1>, vector<1024x1024xf32>
    %reduce_max3A_113 = arith.constant dense<0xFF800000> : vector<1024xf32>
    %reduce_max3A_114 = vector.multi_reduction <maximumf>, %select_n3A_112, %reduce_max3A_113 [1] : vector<1024x1024xf32> to vector<1024xf32>
    %broadcast_in_dim3A_115 = vector.shape_cast %reduce_max3A_114 : vector<1024xf32> to vector<1024x1xf32>
    %max3A_116 = arith.maximumf %while3A_83#0, %broadcast_in_dim3A_115 : vector<1024x1xf32>
    %sub3A_117 = vector.broadcast %max3A_116 : vector<1024x1xf32> to vector<1024x1024xf32>
    %sub3A_118 = arith.subf %select_n3A_112, %sub3A_117 : vector<1024x1024xf32>
    %exp3A_119 = math.exp %sub3A_118 : vector<1024x1024xf32>
    %sub3A_120 = arith.subf %while3A_83#0, %max3A_116 : vector<1024x1xf32>
    %exp3A_121 = math.exp %sub3A_120 : vector<1024x1xf32>
    %mul3A_122 = arith.mulf %while3A_83#1, %exp3A_121 : vector<1024x1xf32>
    %reduce_sum3A_123 = arith.constant dense<0.000000e+00> : vector<1024xf32>
    %reduce_sum3A_124 = vector.multi_reduction <add>, %exp3A_119, %reduce_sum3A_123 [1] : vector<1024x1024xf32> to vector<1024xf32>
    %broadcast_in_dim3A_125 = vector.shape_cast %reduce_sum3A_124 : vector<1024xf32> to vector<1024x1xf32>
    %add3A_126 = arith.addf %mul3A_122, %broadcast_in_dim3A_125 : vector<1024x1xf32>
    %mul3A_127 = vector.broadcast %exp3A_121 : vector<1024x1xf32> to vector<1024x64xf32>
    %mul3A_128 = arith.mulf %while3A_83#2, %mul3A_127 : vector<1024x64xf32>
    %convert_element_type3A_129 = arith.truncf %exp3A_119 : vector<1024x1024xf32> to vector<1024x1024xbf16>
    %dot_general3A_130 = arith.constant dense<0.000000e+00> : vector<1024x64xf32>
    %dot_general3A_131 = tpu.matmul %convert_element_type3A_129, %get3A_101, %dot_general3A_130 {dimension_numbers = #tpu.dot_dimension_numbers<[1], [0], [0], [1], [0, 0, 1, 1], [], []>, transpose_lhs_hint = false} : vector<1024x1024xbf16>, vector<1024x64xbf16>, vector<1024x64xf32> -> vector<1024x64xf32>
    %add3A_132 = arith.addf %mul3A_128, %dot_general3A_131 : vector<1024x64xf32>
    %div3A_133 = vector.broadcast %add3A_126 : vector<1024x1xf32> to vector<1024x64xf32>
    %div3A_134 = arith.divf %add3A_132, %div3A_133 : vector<1024x64xf32>
    %swap3A_135 = arith.constant 0 : index
    %swap3A_136 = arith.constant 64 : index
    %swap3A_137 = vector.load %arg5[%swap3A_135, %swap3A_136] : memref<1024x128xf32, #tpu.memory_space<vmem>>, vector<1024x64xf32>
    tpu.vector_store %arg5[%swap3A_135, %swap3A_136], %div3A_134 {strides = array<i32>} : memref<1024x128xf32, #tpu.memory_space<vmem>>, vector<1024x64xf32>,
    return
  }
  func.func @transform_0(%arg0: i32, %arg1: i32) -> (i32, i32, i32) {
    %c0_i32 = arith.constant 0 : i32
    %c0_i32_0 = arith.constant 0 : i32
    return %arg0, %arg1, %c0_i32 : i32, i32, i32
  }
  func.func @transform_1(%arg0: i32, %arg1: i32) -> (i32, i32, i32) {
    %c0_i32 = arith.constant 0 : i32
    %c0_i32_0 = arith.constant 0 : i32
    %c0_i32_1 = arith.constant 0 : i32
    return %arg0, %c0_i32, %c0_i32_0 : i32, i32, i32
  }
  func.func @transform_2(%arg0: i32, %arg1: i32) -> (i32, i32, i32) {
    %c0_i32 = arith.constant 0 : i32
    %c0_i32_0 = arith.constant 0 : i32
    %c0_i32_1 = arith.constant 0 : i32
    return %arg0, %c0_i32, %c0_i32_0 : i32, i32, i32
  }
  func.func @transform_3(%arg0: i32, %arg1: i32) -> (i32, i32) {
    %c0_i32 = arith.constant 0 : i32
    return %arg1, %arg0 : i32, i32
  }
}

module attributes {stable_mosaic.version = 14 : i64} {
  func.func @_post_attn_body(%arg0: i32, %arg1: memref<512x768xf32, #tpu.memory_space<vmem>>, %arg2: memref<512x768xf32, #tpu.memory_space<vmem>>, %arg3: memref<768x768xf32, #tpu.memory_space<vmem>>, %arg4: memref<1x768xf32, #tpu.memory_space<vmem>>, %arg5: memref<768x128xf32, #tpu.memory_space<vmem>>, %arg6: memref<1x128xf32, #tpu.memory_space<vmem>>, %arg7: memref<512x768xf32, #tpu.memory_space<vmem>>, %arg8: memref<512x768xf32, #tpu.memory_space<vmem>>, %arg9: memref<512x128xf32, #tpu.memory_space<vmem>>, %arg10: memref<512x128xf32, #tpu.memory_space<vmem>>) attributes {dimension_semantics = [#tpu.dimension_semantics<arbitrary>], iteration_bounds = array<i64: 4>, scalar_prefetch = 0 : i64, scratch_operands = 0 : i64, tpu.core_type = #tpu.core_type<tc>, window_params = [{transform_indices = @transform_0, window_bounds = array<i64: 512, 768>}, {transform_indices = @transform_1, window_bounds = array<i64: 512, 768>}, {pipeline_mode = #tpu.pipeline_mode<synchronous>, transform_indices = @transform_2, window_bounds = array<i64: 768, 768>}, {pipeline_mode = #tpu.pipeline_mode<synchronous>, transform_indices = @transform_3, window_bounds = array<i64: 1, 768>}, {pipeline_mode = #tpu.pipeline_mode<synchronous>, transform_indices = @transform_4, window_bounds = array<i64: 768, 128>}, {pipeline_mode = #tpu.pipeline_mode<synchronous>, transform_indices = @transform_5, window_bounds = array<i64: 1, 128>}, {transform_indices = @transform_6, window_bounds = array<i64: 512, 768>}, {transform_indices = @transform_7, window_bounds = array<i64: 512, 768>}, {transform_indices = @transform_8, window_bounds = array<i64: 512, 128>}, {transform_indices = @transform_9, window_bounds = array<i64: 512, 128>}]} {
    %get3A = arith.constant 0 : index
    %get3A_0 = arith.constant 0 : index
    %get3A_1 = vector.load %arg1[%get3A, %get3A_0] : memref<512x768xf32, #tpu.memory_space<vmem>>, vector<512x768xf32>
    %get3A_2 = arith.constant 0 : index
    %get3A_3 = arith.constant 0 : index
    %get3A_4 = vector.load %arg2[%get3A_2, %get3A_3] : memref<512x768xf32, #tpu.memory_space<vmem>>, vector<512x768xf32>
    %get3A_5 = arith.constant 0 : index
    %get3A_6 = arith.constant 0 : index
    %get3A_7 = vector.load %arg3[%get3A_5, %get3A_6] : memref<768x768xf32, #tpu.memory_space<vmem>>, vector<768x768xf32>
    %dot_general3A = arith.constant dense<0.000000e+00> : vector<512x768xf32>
    %dot_general3A_8 = tpu.matmul %get3A_1, %get3A_7, %dot_general3A {dimension_numbers = #tpu.dot_dimension_numbers<[1], [0], [0], [1], [0, 0, 1, 1], [], []>, transpose_lhs_hint = false} : vector<512x768xf32>, vector<768x768xf32>, vector<512x768xf32> -> vector<512x768xf32>
    %add3A = arith.addf %get3A_4, %dot_general3A_8 : vector<512x768xf32>
    %swap3A = arith.constant 0 : index
    %swap3A_9 = arith.constant 0 : index
    %swap3A_10 = vector.load %arg7[%swap3A, %swap3A_9] : memref<512x768xf32, #tpu.memory_space<vmem>>, vector<512x768xf32>
    tpu.vector_store %arg7[%swap3A, %swap3A_9], %add3A {strides = array<i32>} : memref<512x768xf32, #tpu.memory_space<vmem>>, vector<512x768xf32>,
    %mul3A = arith.mulf %add3A, %add3A : vector<512x768xf32>
    %reduce_sum3A = arith.constant dense<0.000000e+00> : vector<512xf32>
    %reduce_sum3A_11 = vector.multi_reduction <add>, %mul3A, %reduce_sum3A [1] : vector<512x768xf32> to vector<512xf32>
    %broadcast_in_dim3A = vector.shape_cast %reduce_sum3A_11 : vector<512xf32> to vector<512x1xf32>
    %div3A = arith.constant 7.680000e+02 : f32
    %div3A_12 = vector.broadcast %div3A : f32 to vector<512x1xf32>
    %div3A_13 = arith.divf %broadcast_in_dim3A, %div3A_12 : vector<512x1xf32>
    %add3A_14 = arith.constant 9.99999997E-7 : f32
    %add3A_15 = vector.broadcast %add3A_14 : f32 to vector<512x1xf32>
    %add3A_16 = arith.addf %div3A_13, %add3A_15 : vector<512x1xf32>
    %rsqrt3A = math.rsqrt %add3A_16 : vector<512x1xf32>
    %mul3A_17 = vector.broadcast %rsqrt3A : vector<512x1xf32> to vector<512x768xf32>
    %mul3A_18 = arith.mulf %add3A, %mul3A_17 : vector<512x768xf32>
    %get3A_19 = arith.constant 0 : index
    %get3A_20 = arith.constant 0 : index
    %get3A_21 = vector.load %arg4[%get3A_19, %get3A_20] : memref<1x768xf32, #tpu.memory_space<vmem>>, vector<1x768xf32>
    %mul3A_22 = vector.broadcast %get3A_21 : vector<1x768xf32> to vector<512x768xf32>
    %mul3A_23 = arith.mulf %mul3A_18, %mul3A_22 : vector<512x768xf32>
    %swap3A_24 = arith.constant 0 : index
    %swap3A_25 = arith.constant 0 : index
    %swap3A_26 = vector.load %arg8[%swap3A_24, %swap3A_25] : memref<512x768xf32, #tpu.memory_space<vmem>>, vector<512x768xf32>
    tpu.vector_store %arg8[%swap3A_24, %swap3A_25], %mul3A_23 {strides = array<i32>} : memref<512x768xf32, #tpu.memory_space<vmem>>, vector<512x768xf32>,
    %get3A_27 = arith.constant 0 : index
    %get3A_28 = arith.constant 0 : index
    %get3A_29 = vector.load %arg5[%get3A_27, %get3A_28] : memref<768x128xf32, #tpu.memory_space<vmem>>, vector<768x128xf32>
    %dot_general3A_30 = arith.constant dense<0.000000e+00> : vector<512x128xf32>
    %dot_general3A_31 = tpu.matmul %mul3A_23, %get3A_29, %dot_general3A_30 {dimension_numbers = #tpu.dot_dimension_numbers<[1], [0], [0], [1], [0, 0, 1, 1], [], []>, transpose_lhs_hint = false} : vector<512x768xf32>, vector<768x128xf32>, vector<512x128xf32> -> vector<512x128xf32>
    %get3A_32 = arith.constant 0 : index
    %get3A_33 = arith.constant 0 : index
    %get3A_34 = vector.load %arg6[%get3A_32, %get3A_33] : memref<1x128xf32, #tpu.memory_space<vmem>>, vector<1x128xf32>
    %add3A_35 = vector.broadcast %get3A_34 : vector<1x128xf32> to vector<512x128xf32>
    %add3A_36 = arith.addf %dot_general3A_31, %add3A_35 : vector<512x128xf32>
    %iota3A = tpu.iota {dimensions = array<i32: 1>} : vector<512x128xi32>
    %reduce_max3A = arith.constant dense<0xFF800000> : vector<512xf32>
    %reduce_max3A_37 = vector.multi_reduction <maximumf>, %add3A_36, %reduce_max3A [1] : vector<512x128xf32> to vector<512xf32>
    %broadcast_in_dim3A_38 = vector.shape_cast %reduce_max3A_37 : vector<512xf32> to vector<512x1xf32>
    %eq3A = vector.broadcast %broadcast_in_dim3A_38 : vector<512x1xf32> to vector<512x128xf32>
    %eq3A_39 = arith.cmpf oeq, %add3A_36, %eq3A : vector<512x128xf32>
    %jit3A = arith.constant 128 : i32
    %broadcast_in_dim3A_40 = vector.broadcast %jit3A : i32 to vector<512x128xi32>
    %select_n3A = arith.select %eq3A_39, %iota3A, %broadcast_in_dim3A_40 : vector<512x128xi1>, vector<512x128xi32>
    %reduce_min3A = arith.constant dense<2147483647> : vector<512xi32>
    %reduce_min3A_41 = vector.multi_reduction <minsi>, %select_n3A, %reduce_min3A [1] : vector<512x128xi32> to vector<512xi32>
    %broadcast_in_dim3A_42 = vector.shape_cast %reduce_min3A_41 : vector<512xi32> to vector<512x1xi32>
    %eq3A_43 = vector.broadcast %broadcast_in_dim3A_42 : vector<512x1xi32> to vector<512x128xi32>
    %eq3A_44 = arith.cmpi eq, %iota3A, %eq3A_43 : vector<512x128xi32>
    %jit3A_45 = arith.constant -1.000000e+30 : f32
    %broadcast_in_dim3A_46 = vector.broadcast %jit3A_45 : f32 to vector<512x128xf32>
    %select_n3A_47 = arith.select %eq3A_44, %broadcast_in_dim3A_46, %add3A_36 : vector<512x128xi1>, vector<512x128xf32>
    %reduce_max3A_48 = arith.constant dense<0xFF800000> : vector<512xf32>
    %reduce_max3A_49 = vector.multi_reduction <maximumf>, %select_n3A_47, %reduce_max3A_48 [1] : vector<512x128xf32> to vector<512xf32>
    %broadcast_in_dim3A_50 = vector.shape_cast %reduce_max3A_49 : vector<512xf32> to vector<512x1xf32>
    %eq3A_51 = vector.broadcast %broadcast_in_dim3A_50 : vector<512x1xf32> to vector<512x128xf32>
    %eq3A_52 = arith.cmpf oeq, %select_n3A_47, %eq3A_51 : vector<512x128xf32>
    %jit3A_53 = arith.constant 128 : i32
    %broadcast_in_dim3A_54 = vector.broadcast %jit3A_53 : i32 to vector<512x128xi32>
    %select_n3A_55 = arith.select %eq3A_52, %iota3A, %broadcast_in_dim3A_54 : vector<512x128xi1>, vector<512x128xi32>
    %reduce_min3A_56 = arith.constant dense<2147483647> : vector<512xi32>
    %reduce_min3A_57 = vector.multi_reduction <minsi>, %select_n3A_55, %reduce_min3A_56 [1] : vector<512x128xi32> to vector<512xi32>
    %broadcast_in_dim3A_58 = vector.shape_cast %reduce_min3A_57 : vector<512xi32> to vector<512x1xi32>
    %sub3A = arith.subf %broadcast_in_dim3A_50, %broadcast_in_dim3A_38 : vector<512x1xf32>
    %exp3A = math.exp %sub3A : vector<512x1xf32>
    %add3A_59 = arith.constant 1.000000e+00 : f32
    %add3A_60 = vector.broadcast %add3A_59 : f32 to vector<512x1xf32>
    %add3A_61 = arith.addf %add3A_60, %exp3A : vector<512x1xf32>
    %div3A_62 = arith.constant 1.000000e+00 : f32
    %div3A_63 = vector.broadcast %div3A_62 : f32 to vector<512x1xf32>
    %div3A_64 = arith.divf %div3A_63, %add3A_61 : vector<512x1xf32>
    %sub3A_65 = arith.constant 1.000000e+00 : f32
    %sub3A_66 = vector.broadcast %sub3A_65 : f32 to vector<512x1xf32>
    %sub3A_67 = arith.subf %sub3A_66, %div3A_64 : vector<512x1xf32>
    %eq3A_68 = arith.constant 0 : i32
    %eq3A_69 = vector.broadcast %eq3A_68 : i32 to vector<512x128xi32>
    %eq3A_70 = arith.cmpi eq, %iota3A, %eq3A_69 : vector<512x128xi32>
    %convert_element_type3A = arith.sitofp %broadcast_in_dim3A_42 : vector<512x1xi32> to vector<512x1xf32>
    %eq3A_71 = arith.constant 1 : i32
    %eq3A_72 = vector.broadcast %eq3A_71 : i32 to vector<512x128xi32>
    %eq3A_73 = arith.cmpi eq, %iota3A, %eq3A_72 : vector<512x128xi32>
    %convert_element_type3A_74 = arith.sitofp %broadcast_in_dim3A_58 : vector<512x1xi32> to vector<512x1xf32>
    %jit3A_75 = arith.constant 0.000000e+00 : f32
    %broadcast_in_dim3A_76 = vector.shape_cast %convert_element_type3A_74 : vector<512x1xf32> to vector<512x1xf32>
    %broadcast_in_dim3A_77 = vector.broadcast %broadcast_in_dim3A_76 : vector<512x1xf32> to vector<512x128xf32>
    %broadcast_in_dim3A_78 = vector.broadcast %jit3A_75 : f32 to vector<512x128xf32>
    %select_n3A_79 = arith.select %eq3A_73, %broadcast_in_dim3A_77, %broadcast_in_dim3A_78 : vector<512x128xi1>, vector<512x128xf32>
    %broadcast_in_dim3A_80 = vector.shape_cast %convert_element_type3A : vector<512x1xf32> to vector<512x1xf32>
    %broadcast_in_dim3A_81 = vector.broadcast %broadcast_in_dim3A_80 : vector<512x1xf32> to vector<512x128xf32>
    %select_n3A_82 = arith.select %eq3A_70, %broadcast_in_dim3A_81, %select_n3A_79 : vector<512x128xi1>, vector<512x128xf32>
    %swap3A_83 = arith.constant 0 : index
    %swap3A_84 = arith.constant 0 : index
    %swap3A_85 = vector.load %arg9[%swap3A_83, %swap3A_84] : memref<512x128xf32, #tpu.memory_space<vmem>>, vector<512x128xf32>
    tpu.vector_store %arg9[%swap3A_83, %swap3A_84], %select_n3A_82 {strides = array<i32>} : memref<512x128xf32, #tpu.memory_space<vmem>>, vector<512x128xf32>,
    %eq3A_86 = arith.constant 0 : i32
    %eq3A_87 = vector.broadcast %eq3A_86 : i32 to vector<512x128xi32>
    %eq3A_88 = arith.cmpi eq, %iota3A, %eq3A_87 : vector<512x128xi32>
    %eq3A_89 = arith.constant 1 : i32
    %eq3A_90 = vector.broadcast %eq3A_89 : i32 to vector<512x128xi32>
    %eq3A_91 = arith.cmpi eq, %iota3A, %eq3A_90 : vector<512x128xi32>
    %jit3A_92 = arith.constant 0.000000e+00 : f32
    %broadcast_in_dim3A_93 = vector.shape_cast %sub3A_67 : vector<512x1xf32> to vector<512x1xf32>
    %broadcast_in_dim3A_94 = vector.broadcast %broadcast_in_dim3A_93 : vector<512x1xf32> to vector<512x128xf32>
    %broadcast_in_dim3A_95 = vector.broadcast %jit3A_92 : f32 to vector<512x128xf32>
    %select_n3A_96 = arith.select %eq3A_91, %broadcast_in_dim3A_94, %broadcast_in_dim3A_95 : vector<512x128xi1>, vector<512x128xf32>
    %broadcast_in_dim3A_97 = vector.shape_cast %div3A_64 : vector<512x1xf32> to vector<512x1xf32>
    %broadcast_in_dim3A_98 = vector.broadcast %broadcast_in_dim3A_97 : vector<512x1xf32> to vector<512x128xf32>
    %select_n3A_99 = arith.select %eq3A_88, %broadcast_in_dim3A_98, %select_n3A_96 : vector<512x128xi1>, vector<512x128xf32>
    %swap3A_100 = arith.constant 0 : index
    %swap3A_101 = arith.constant 0 : index
    %swap3A_102 = vector.load %arg10[%swap3A_100, %swap3A_101] : memref<512x128xf32, #tpu.memory_space<vmem>>, vector<512x128xf32>
    tpu.vector_store %arg10[%swap3A_100, %swap3A_101], %select_n3A_99 {strides = array<i32>} : memref<512x128xf32, #tpu.memory_space<vmem>>, vector<512x128xf32>,
    return
  }
  func.func @transform_0(%arg0: i32) -> (i32, i32) {
    %c0_i32 = arith.constant 0 : i32
    %c0_i32_0 = arith.constant 0 : i32
    return %arg0, %c0_i32 : i32, i32
  }
  func.func @transform_1(%arg0: i32) -> (i32, i32) {
    %c0_i32 = arith.constant 0 : i32
    %c0_i32_0 = arith.constant 0 : i32
    return %arg0, %c0_i32 : i32, i32
  }
  func.func @transform_2(%arg0: i32) -> (i32, i32) {
    %c0_i32 = arith.constant 0 : i32
    %c0_i32_0 = arith.constant 0 : i32
    %c0_i32_1 = arith.constant 0 : i32
    return %c0_i32, %c0_i32_0 : i32, i32
  }
  func.func @transform_3(%arg0: i32) -> (i32, i32) {
    %c0_i32 = arith.constant 0 : i32
    %c0_i32_0 = arith.constant 0 : i32
    %c0_i32_1 = arith.constant 0 : i32
    return %c0_i32, %c0_i32_0 : i32, i32
  }
  func.func @transform_4(%arg0: i32) -> (i32, i32) {
    %c0_i32 = arith.constant 0 : i32
    %c0_i32_0 = arith.constant 0 : i32
    %c0_i32_1 = arith.constant 0 : i32
    return %c0_i32, %c0_i32_0 : i32, i32
  }
  func.func @transform_5(%arg0: i32) -> (i32, i32) {
    %c0_i32 = arith.constant 0 : i32
    %c0_i32_0 = arith.constant 0 : i32
    %c0_i32_1 = arith.constant 0 : i32
    return %c0_i32, %c0_i32_0 : i32, i32
  }
  func.func @transform_6(%arg0: i32) -> (i32, i32) {
    %c0_i32 = arith.constant 0 : i32
    %c0_i32_0 = arith.constant 0 : i32
    return %arg0, %c0_i32 : i32, i32
  }
  func.func @transform_7(%arg0: i32) -> (i32, i32) {
    %c0_i32 = arith.constant 0 : i32
    %c0_i32_0 = arith.constant 0 : i32
    return %arg0, %c0_i32 : i32, i32
  }
  func.func @transform_8(%arg0: i32) -> (i32, i32) {
    %c0_i32 = arith.constant 0 : i32
    %c0_i32_0 = arith.constant 0 : i32
    return %arg0, %c0_i32 : i32, i32
  }
  func.func @transform_9(%arg0: i32) -> (i32, i32) {
    %c0_i32 = arith.constant 0 : i32
    %c0_i32_0 = arith.constant 0 : i32
    return %arg0, %c0_i32 : i32, i32
  }
}

module attributes {stable_mosaic.version = 14 : i64} {
  func.func @_grouped_body(%arg0: i32, %arg1: memref<24xi32, #tpu.memory_space<smem>>, %arg2: memref<256x768xf32, #tpu.memory_space<vmem>>, %arg3: memref<1x768x1024xf32, #tpu.memory_space<vmem>>, %arg4: memref<1x1024x768xf32, #tpu.memory_space<vmem>>, %arg5: memref<1x768x1024xf32, #tpu.memory_space<vmem>>, %arg6: memref<256x768xf32, #tpu.memory_space<vmem>>) attributes {dimension_semantics = [#tpu.dimension_semantics<arbitrary>], iteration_bounds = array<i64: -9223372036854775808>, scalar_prefetch = 1 : i64, scratch_operands = 0 : i64, tpu.core_type = #tpu.core_type<tc>, window_params = [{transform_indices = @transform_0, window_bounds = array<i64: 256, 768>}, {transform_indices = @transform_1, window_bounds = array<i64: 1, 768, 1024>}, {transform_indices = @transform_2, window_bounds = array<i64: 1, 1024, 768>}, {transform_indices = @transform_3, window_bounds = array<i64: 1, 768, 1024>}, {transform_indices = @transform_4, window_bounds = array<i64: 256, 768>}]} {
    %get3A = arith.constant 0 : index
    %get3A_0 = arith.constant 0 : index
    %get3A_1 = vector.load %arg2[%get3A, %get3A_0] : memref<256x768xf32, #tpu.memory_space<vmem>>, vector<256x768xf32>
    %get3A_2 = arith.constant 0 : index
    %get3A_3 = arith.constant 0 : index
    %get3A_4 = arith.constant 0 : index
    %get3A_5 = vector.load %arg3[%get3A_2, %get3A_3, %get3A_4] : memref<1x768x1024xf32, #tpu.memory_space<vmem>>, vector<1x768x1024xf32>
    %get3A_6 = vector.shape_cast %get3A_5 : vector<1x768x1024xf32> to vector<768x1024xf32>
    %dot_general3A = arith.constant dense<0.000000e+00> : vector<256x1024xf32>
    %dot_general3A_7 = tpu.matmul %get3A_1, %get3A_6, %dot_general3A {dimension_numbers = #tpu.dot_dimension_numbers<[1], [0], [0], [1], [0, 0, 1, 1], [], []>, transpose_lhs_hint = false} : vector<256x768xf32>, vector<768x1024xf32>, vector<256x1024xf32> -> vector<256x1024xf32>
    %get3A_8 = arith.constant 0 : index
    %get3A_9 = arith.constant 0 : index
    %get3A_10 = arith.constant 0 : index
    %get3A_11 = vector.load %arg5[%get3A_8, %get3A_9, %get3A_10] : memref<1x768x1024xf32, #tpu.memory_space<vmem>>, vector<1x768x1024xf32>
    %get3A_12 = vector.shape_cast %get3A_11 : vector<1x768x1024xf32> to vector<768x1024xf32>
    %dot_general3A_13 = arith.constant dense<0.000000e+00> : vector<256x1024xf32>
    %dot_general3A_14 = tpu.matmul %get3A_1, %get3A_12, %dot_general3A_13 {dimension_numbers = #tpu.dot_dimension_numbers<[1], [0], [0], [1], [0, 0, 1, 1], [], []>, transpose_lhs_hint = false} : vector<256x768xf32>, vector<768x1024xf32>, vector<256x1024xf32> -> vector<256x1024xf32>
    %logistic3A = arith.negf %dot_general3A_7 : vector<256x1024xf32>
    %logistic3A_15 = math.exp %logistic3A : vector<256x1024xf32>
    %logistic3A_16 = arith.constant 1.000000e+00 : f32
    %logistic3A_17 = vector.broadcast %logistic3A_16 : f32 to vector<256x1024xf32>
    %logistic3A_18 = arith.addf %logistic3A_17, %logistic3A_15 : vector<256x1024xf32>
    %logistic3A_19 = arith.divf %logistic3A_17, %logistic3A_18 : vector<256x1024xf32>
    %mul3A = arith.mulf %dot_general3A_7, %logistic3A_19 : vector<256x1024xf32>
    %mul3A_20 = arith.mulf %mul3A, %dot_general3A_14 : vector<256x1024xf32>
    %get3A_21 = arith.constant 0 : index
    %get3A_22 = arith.constant 0 : index
    %get3A_23 = arith.constant 0 : index
    %get3A_24 = vector.load %arg4[%get3A_21, %get3A_22, %get3A_23] : memref<1x1024x768xf32, #tpu.memory_space<vmem>>, vector<1x1024x768xf32>
    %get3A_25 = vector.shape_cast %get3A_24 : vector<1x1024x768xf32> to vector<1024x768xf32>
    %dot_general3A_26 = arith.constant dense<0.000000e+00> : vector<256x768xf32>
    %dot_general3A_27 = tpu.matmul %mul3A_20, %get3A_25, %dot_general3A_26 {dimension_numbers = #tpu.dot_dimension_numbers<[1], [0], [0], [1], [0, 0, 1, 1], [], []>, transpose_lhs_hint = false} : vector<256x1024xf32>, vector<1024x768xf32>, vector<256x768xf32> -> vector<256x768xf32>
    %swap3A = arith.constant 0 : index
    %swap3A_28 = arith.constant 0 : index
    %swap3A_29 = vector.load %arg6[%swap3A, %swap3A_28] : memref<256x768xf32, #tpu.memory_space<vmem>>, vector<256x768xf32>
    tpu.vector_store %arg6[%swap3A, %swap3A_28], %dot_general3A_27 {strides = array<i32>} : memref<256x768xf32, #tpu.memory_space<vmem>>, vector<256x768xf32>,
    return
  }
  func.func @transform_0(%arg0: i32, %arg1: memref<24xi32, #tpu.memory_space<smem>>) -> (i32, i32) {
    %c0_i32 = arith.constant 0 : i32
    %c0_i32_0 = arith.constant 0 : i32
    return %arg0, %c0_i32 : i32, i32
  }
  func.func @transform_1(%arg0: i32, %arg1: memref<24xi32, #tpu.memory_space<smem>>) -> (i32, i32, i32) {
    %get3A = arith.index_cast %arg0 : i32 to index
    %get3A_0 = memref.load %arg1[%get3A] : memref<24xi32, #tpu.memory_space<smem>>
    %c0_i32 = arith.constant 0 : i32
    %c0_i32_1 = arith.constant 0 : i32
    %c0_i32_2 = arith.constant 0 : i32
    return %get3A_0, %c0_i32, %c0_i32_1 : i32, i32, i32
  }
  func.func @transform_2(%arg0: i32, %arg1: memref<24xi32, #tpu.memory_space<smem>>) -> (i32, i32, i32) {
    %get3A = arith.index_cast %arg0 : i32 to index
    %get3A_0 = memref.load %arg1[%get3A] : memref<24xi32, #tpu.memory_space<smem>>
    %c0_i32 = arith.constant 0 : i32
    %c0_i32_1 = arith.constant 0 : i32
    %c0_i32_2 = arith.constant 0 : i32
    return %get3A_0, %c0_i32, %c0_i32_1 : i32, i32, i32
  }
  func.func @transform_3(%arg0: i32, %arg1: memref<24xi32, #tpu.memory_space<smem>>) -> (i32, i32, i32) {
    %get3A = arith.index_cast %arg0 : i32 to index
    %get3A_0 = memref.load %arg1[%get3A] : memref<24xi32, #tpu.memory_space<smem>>
    %c0_i32 = arith.constant 0 : i32
    %c0_i32_1 = arith.constant 0 : i32
    %c0_i32_2 = arith.constant 0 : i32
    return %get3A_0, %c0_i32, %c0_i32_1 : i32, i32, i32
  }
  func.func @transform_4(%arg0: i32, %arg1: memref<24xi32, #tpu.memory_space<smem>>) -> (i32, i32) {
    %c0_i32 = arith.constant 0 : i32
    %c0_i32_0 = arith.constant 0 : i32
    return %arg0, %c0_i32 : i32, i32
  }
}

module attributes {stable_mosaic.version = 14 : i64} {
  func.func @_combine_body(%arg0: i32, %arg1: memref<512x768xf32, #tpu.memory_space<vmem>>, %arg2: memref<512x768xf32, #tpu.memory_space<vmem>>, %arg3: memref<512x768xf32, #tpu.memory_space<vmem>>, %arg4: memref<512x128xf32, #tpu.memory_space<vmem>>, %arg5: memref<512x768xf32, #tpu.memory_space<vmem>>) attributes {dimension_semantics = [#tpu.dimension_semantics<arbitrary>], iteration_bounds = array<i64: 4>, scalar_prefetch = 0 : i64, scratch_operands = 0 : i64, tpu.core_type = #tpu.core_type<tc>, window_params = [{transform_indices = @transform_0, window_bounds = array<i64: 512, 768>}, {transform_indices = @transform_1, window_bounds = array<i64: 512, 768>}, {transform_indices = @transform_2, window_bounds = array<i64: 512, 768>}, {transform_indices = @transform_3, window_bounds = array<i64: 512, 128>}, {transform_indices = @transform_4, window_bounds = array<i64: 512, 768>}]} {
    %iota3A = tpu.iota {dimensions = array<i32: 1>} : vector<512x128xi32>
    %get3A = arith.constant 0 : index
    %get3A_0 = arith.constant 0 : index
    %get3A_1 = vector.load %arg4[%get3A, %get3A_0] : memref<512x128xf32, #tpu.memory_space<vmem>>, vector<512x128xf32>
    %eq3A = arith.constant 0 : i32
    %eq3A_2 = vector.broadcast %eq3A : i32 to vector<512x128xi32>
    %eq3A_3 = arith.cmpi eq, %iota3A, %eq3A_2 : vector<512x128xi32>
    %jit3A = arith.constant 0.000000e+00 : f32
    %broadcast_in_dim3A = vector.broadcast %jit3A : f32 to vector<512x128xf32>
    %select_n3A = arith.select %eq3A_3, %get3A_1, %broadcast_in_dim3A : vector<512x128xi1>, vector<512x128xf32>
    %reduce_sum3A = arith.constant dense<0.000000e+00> : vector<512xf32>
    %reduce_sum3A_4 = vector.multi_reduction <add>, %select_n3A, %reduce_sum3A [1] : vector<512x128xf32> to vector<512xf32>
    %broadcast_in_dim3A_5 = vector.shape_cast %reduce_sum3A_4 : vector<512xf32> to vector<512x1xf32>
    %eq3A_6 = arith.constant 1 : i32
    %eq3A_7 = vector.broadcast %eq3A_6 : i32 to vector<512x128xi32>
    %eq3A_8 = arith.cmpi eq, %iota3A, %eq3A_7 : vector<512x128xi32>
    %jit3A_9 = arith.constant 0.000000e+00 : f32
    %broadcast_in_dim3A_10 = vector.broadcast %jit3A_9 : f32 to vector<512x128xf32>
    %select_n3A_11 = arith.select %eq3A_8, %get3A_1, %broadcast_in_dim3A_10 : vector<512x128xi1>, vector<512x128xf32>
    %reduce_sum3A_12 = arith.constant dense<0.000000e+00> : vector<512xf32>
    %reduce_sum3A_13 = vector.multi_reduction <add>, %select_n3A_11, %reduce_sum3A_12 [1] : vector<512x128xf32> to vector<512xf32>
    %broadcast_in_dim3A_14 = vector.shape_cast %reduce_sum3A_13 : vector<512xf32> to vector<512x1xf32>
    %get3A_15 = arith.constant 0 : index
    %get3A_16 = arith.constant 0 : index
    %get3A_17 = vector.load %arg1[%get3A_15, %get3A_16] : memref<512x768xf32, #tpu.memory_space<vmem>>, vector<512x768xf32>
    %get3A_18 = arith.constant 0 : index
    %get3A_19 = arith.constant 0 : index
    %get3A_20 = vector.load %arg2[%get3A_18, %get3A_19] : memref<512x768xf32, #tpu.memory_space<vmem>>, vector<512x768xf32>
    %mul3A = vector.broadcast %broadcast_in_dim3A_5 : vector<512x1xf32> to vector<512x768xf32>
    %mul3A_21 = arith.mulf %mul3A, %get3A_20 : vector<512x768xf32>
    %add3A = arith.addf %get3A_17, %mul3A_21 : vector<512x768xf32>
    %get3A_22 = arith.constant 0 : index
    %get3A_23 = arith.constant 0 : index
    %get3A_24 = vector.load %arg3[%get3A_22, %get3A_23] : memref<512x768xf32, #tpu.memory_space<vmem>>, vector<512x768xf32>
    %mul3A_25 = vector.broadcast %broadcast_in_dim3A_14 : vector<512x1xf32> to vector<512x768xf32>
    %mul3A_26 = arith.mulf %mul3A_25, %get3A_24 : vector<512x768xf32>
    %add3A_27 = arith.addf %add3A, %mul3A_26 : vector<512x768xf32>
    %swap3A = arith.constant 0 : index
    %swap3A_28 = arith.constant 0 : index
    %swap3A_29 = vector.load %arg5[%swap3A, %swap3A_28] : memref<512x768xf32, #tpu.memory_space<vmem>>, vector<512x768xf32>
    tpu.vector_store %arg5[%swap3A, %swap3A_28], %add3A_27 {strides = array<i32>} : memref<512x768xf32, #tpu.memory_space<vmem>>, vector<512x768xf32>,
    return
  }
  func.func @transform_0(%arg0: i32) -> (i32, i32) {
    %c0_i32 = arith.constant 0 : i32
    %c0_i32_0 = arith.constant 0 : i32
    return %arg0, %c0_i32 : i32, i32
  }
  func.func @transform_1(%arg0: i32) -> (i32, i32) {
    %c0_i32 = arith.constant 0 : i32
    %c0_i32_0 = arith.constant 0 : i32
    return %arg0, %c0_i32 : i32, i32
  }
  func.func @transform_2(%arg0: i32) -> (i32, i32) {
    %add3A = arith.constant 4 : i32
    %add3A_0 = arith.addi %arg0, %add3A : i32
    %c0_i32 = arith.constant 0 : i32
    %c0_i32_1 = arith.constant 0 : i32
    return %add3A_0, %c0_i32 : i32, i32
  }
  func.func @transform_3(%arg0: i32) -> (i32, i32) {
    %c0_i32 = arith.constant 0 : i32
    %c0_i32_0 = arith.constant 0 : i32
    return %arg0, %c0_i32 : i32, i32
  }
  func.func @transform_4(%arg0: i32) -> (i32, i32) {
    %c0_i32 = arith.constant 0 : i32
    %c0_i32_0 = arith.constant 0 : i32
    return %arg0, %c0_i32 : i32, i32
  }
}

</mosaic_0001>

<sc_bundles>
// kernel: kernel.12.cloned.1.call-start
scs
__scs_entry_jumppad:
0x0: {  	(pc) =	sbr.rel $0x88, $3  }
0x1: {  	(tag) =	ssettag $0x0;
	lr =	simm.s32 $0x1  }
0x2: {  	[smem:$0x3F94] =	sst lr;
	_ =	strace $0xD0000000  }
0x3: {  	_ = 	snop  }
0x4: {  	_ = 	snop  }
0x5: {  	_ = 	snop  }
0x6: {  	_ = 	snop  }
0x7: {  	_ = 	snop  }
__scs_overlays_trampoline_lowered:
0x8: {  	[smem:$0x3FA3] =	sst s0  }
0x9: {  	[smem:$0x3FA4] =	sst s1  }
0xa: {  	[smem:$0x3FA5] =	sst s2  }
0xb: {  	[smem:$0x3FA6] =	sst s3  }
0xc: {  	[smem:$0x3FA7] =	sst s4  }
0xd: {  	[smem:$0x3FA8] =	sst s5  }
0xe: {  	[smem:$0x3FA9] =	sst s6  }
0xf: {  	[smem:$0x3FAA] =	sst s7  }
0x10: {  	[smem:$0x3FAB] =	sst s8  }
0x11: {  	[smem:$0x3FAC] =	sst s9;
	s0 =	simm.s32 @!p0 $0x0  }
0x12: {  	s1 =	sld [smem:$0x3F92];
	s0 =	simm.s32 @p0 $0x1  }
0x13: {  	[smem:$0x3FAD] =	sst s0;
	s0 =	simm.s32 @!p1 $0x0  }
0x14: {  	s2 =	sld [smem:$0x3F91];
	s0 =	simm.s32 @p1 $0x1  }
0x15: {  	[smem:$0x3FAE] =	sst s0;
	s0 =	simm.s32 @!p2 $0x0  }
0x16: {  	s3 =	sld [smem:$0x3FDB];
	s0 =	simm.s32 @p2 $0x1  }
0x17: {  	s4 =	simm.s32 $0x1BF5;
	[smem:$0x3FB0] =	sst s0  }
0x18: {  	s0 =	sld [smem:$0x3F93];
	_ =	swait.ge [sflag:s4], $0x0  }
0x19: {  	s7 =	sld [smem:$0x3F94]  }
0x1a: {  	s8 =	sadd.s32 $0xFFFFE003, lr  }
0x1b: {  	s9 =	sadd.s32 $0xFFFFFEF7, lr;
	s5 =	simm.s32 $0xFFFFFFFF;
	p2 =	slt.u32 s8, $0xFFFFF086  }
0x1c: {  	p1 =	slt.u32 s9, $0xF7A;
	s5 =	simm.s32 @!p2 $0x0  }
0x1d: {  	s5 =	simm.s32 @p1 $0x1;
	p0 =	seq.s32 s7, s2  }
0x1e: {  	s7 =	smul.u32 @!p0 $0xF7A, s2;
	p2 =	seq.s32 @!p0 s5, $0x0  }
0x1f: {  	s9 =	smul.u32 $0xF7A, s1;
	s8 =	simm.s32 @!p0 $0x1BF5;
	p2 =	por !p2, p0  }
0x20: {  	[sflag:s8] =	ssyncset.s32 @!p0 $0xFFFFF086;
	s6 =	sadd.s32 @!p0 s3, s7;
	s7 =	simm.s32 @!p0 $0x108  }
0x21: {  	s3 =	sadd.s32 s3, s9;
	s6 =	sadd.s32 @!p0 $0x88, s6;
	s7 =	simm.s32 @p2 $0x1082  }
0x22: {  	[simem:s7], [sflag:s8] =	dma.local @!p0 [hbm:s6], $0xF7A  }
0x23: {  	s9 =	sor.u32 $0xD0000000, s2;
	s6 =	simm.s32 $0x108;
	_ =	swait.ge @!p0 [sflag:s8], $0x0  }
0x24: {  	s3 =	sadd.s32 $0x88, s3;
	s6 =	simm.s32 @!p1 $0x1082;
	[sflag:s4] =	ssyncset.s32 $0xFFFFF086  }
0x25: {  	[simem:s6], [sflag:s4] =	dma.local [hbm:s3], $0xF7A  }
0x26: {  	[smem:$0x3F94] =	sst s1;
	(tag) =	ssettag s2;
	_ =	strace s9  }
0x27: {  	s1 =	sld [smem:$0x3FA4]  }
0x28: {  	s2 =	sld [smem:$0x3FA5]  }
0x29: {  	s4 =	sld [smem:$0x3FA7]  }
0x2a: {  	p0 =	seq.s32 s5, $0x0;
	s5 =	sld [smem:$0x3FA8]  }
0x2b: {  	s6 =	sld [smem:$0x3FA9]  }
0x2c: {  	s7 =	sld [smem:$0x3FAA]  }
0x2d: {  	s3 =	simm.s32 $0x108;
	s8 =	sld [smem:$0x3FAB]  }
0x2e: {  	s3 =	simm.s32 @!p0 $0x1082;
	s9 =	sld [smem:$0x3FAC]  }
0x2f: {  	lr =	sadd.s32 s0, s3;
	s0 =	sld [smem:$0x3FA3]  }
0x30: {  	s3 =	sld [smem:$0x3FA6]  }
0x31: {  	[smem:$0x3FAF] =	sst s10  }
0x32: {  	s10 =	sld [smem:$0x3FAD];
	_ =	sdelay $0x3  }
0x33: {  	p0 =	seq.s32 s10, $0x1;
	s10 =	sld [smem:$0x3FAF];
	_ =	sdelay $0x3  }
0x34: {  	[smem:$0x3FAF] =	sst s10  }
0x35: {  	s10 =	sld [smem:$0x3FAE];
	_ =	sdelay $0x3  }
0x36: {  	p1 =	seq.s32 s10, $0x1;
	s10 =	sld [smem:$0x3FAF];
	_ =	sdelay $0x3  }
0x37: {  	[smem:$0x3FAF] =	sst s10  }
0x38: {  	s10 =	sld [smem:$0x3FB0]  }
0x39: {  	_ = 	snop;
	(pc) =	sbr.ind lr, $3  }
0x3a: {  	_ = 	snop  }
0x3b: {  	_ = 	snop  }
0x3c: {  	p2 =	seq.s32 s10, $0x1;
	s10 =	sld [smem:$0x3FAF]  }
0x3d: {  	_ =	shalt  }
0x3e: {  	_ =	shalt  }
0x3f: {  	_ =	shalt  }
0x40: {  	_ =	shalt  }
0x41: {  	_ =	shalt  }
0x42: {  	_ =	shalt  }
0x43: {  	_ =	shalt  }
0x44: {  	_ =	shalt  }
0x45: {  	_ =	shalt  }
0x46: {  	_ =	shalt  }
0x47: {  	_ =	shalt  }
0x48: {  	_ =	shalt  }
0x49: {  	_ =	shalt  }
0x4a: {  	_ =	shalt  }
0x4b: {  	_ =	shalt  }
0x4c: {  	_ =	shalt  }
0x4d: {  	_ =	shalt  }
0x4e: {  	_ =	shalt  }
0x4f: {  	_ =	shalt  }
0x50: {  	_ =	shalt  }
0x51: {  	_ =	shalt  }
0x52: {  	_ =	shalt  }
0x53: {  	_ =	shalt  }
0x54: {  	_ =	shalt  }
0x55: {  	_ =	shalt  }
0x56: {  	_ =	shalt  }
0x57: {  	_ =	shalt  }
0x58: {  	_ =	shalt  }
0x59: {  	_ =	shalt  }
0x5a: {  	_ =	shalt  }
0x5b: {  	_ =	shalt  }
0x5c: {  	_ =	shalt  }
0x5d: {  	_ =	shalt  }
0x5e: {  	_ =	shalt  }
0x5f: {  	_ =	shalt  }
0x60: {  	_ =	shalt  }
0x61: {  	_ =	shalt  }
0x62: {  	_ =	shalt  }
0x63: {  	_ =	shalt  }
0x64: {  	_ =	shalt  }
0x65: {  	_ =	shalt  }
0x66: {  	_ =	shalt  }
0x67: {  	_ =	shalt  }
0x68: {  	_ =	shalt  }
0x69: {  	_ =	shalt  }
0x6a: {  	_ =	shalt  }
0x6b: {  	_ =	shalt  }
0x6c: {  	_ =	shalt  }
0x6d: {  	_ =	shalt  }
0x6e: {  	_ =	shalt  }
0x6f: {  	_ =	shalt  }
0x70: {  	_ =	shalt  }
0x71: {  	_ =	shalt  }
0x72: {  	_ =	shalt  }
0x73: {  	_ =	shalt  }
0x74: {  	_ =	shalt  }
0x75: {  	_ =	shalt  }
0x76: {  	_ =	shalt  }
0x77: {  	_ =	shalt  }
0x78: {  	_ =	shalt  }
0x79: {  	_ =	shalt  }
0x7a: {  	_ =	shalt  }
0x7b: {  	_ =	shalt  }
0x7c: {  	_ =	shalt  }
0x7d: {  	_ =	shalt  }
0x7e: {  	_ =	shalt  }
0x7f: {  	_ =	shalt  }
0x80: {  	_ =	shalt  }
0x81: {  	_ =	shalt  }
0x82: {  	_ =	shalt  }
0x83: {  	_ =	shalt  }
0x84: {  	_ =	shalt  }
0x85: {  	_ =	shalt  }
0x86: {  	_ =	shalt  }
0x87: {  	_ =	shalt  }
.Lfunc_end0:
.L_simem_size_0:
called_computation.1_lowered:
.L_overlay_start_0:
0x88: {  	s2 =	sld [smem:$0x3FD9]  }
0x89: {  	s3 =	sld [smem:$0x3FFE];
	_ =	sdelay $0x1  }
0x8a: {  	s1 =	srdreg.scid  }
0x8b: {  	s0 =	sand.u32 $0x1, s1  }
0x8c: {  	s16 =	sshll.u32 s0, $0xA;
	s2 =	sadd.s32 s3, s2  }
0x8d: {  	s2 =	sadd.s32 s2, s16  }
0x8e: {  	[smem:$0x3FBB] =	sst s2  }
0x8f: {  	_ = 	snop  }
0x90: {  	(tm) =	ssettm $0x1  }
0x91: {  	s17 =	sld [smem:$0x3FFB];
	_ =	sdelay $0x3  }
0x92: {  	_ =	strace s17  }
0x93: {  	s2 =	sld [smem:$0x3FFC];
	_ =	sdelay $0x3  }
0x94: {  	_ =	strace s2  }
0x95: {  	s2 =	sld [smem:$0x3FFD];
	_ =	sdelay $0x3  }
0x96: {  	_ =	strace s2  }
0x97: {  	_ =	strace $0x8FFFFFFF  }
0x98: {  	s18 =	sld [smem:$0x3FDB];
	_ =	sdelay $0x1  }
0x99: {  	s19 =	simm.s32 $_scs_section_size  }
0x9a: {  	s4 =	simm.s32 $_size__tile_overlayer_lowered;
	s5 =	simm.s32 $_tile_overlayer_lowered  }
0x9b: {  	s22 =	simm.s32 $0x1BFF;
	s21 =	sshll.u32 s5, $0x1;
	s2 =	sadd.s32 s19, s18  }
0x9c: {  	s6 =	simm.s32 $0x0;
	s20 =	sshll.u32 s4, $0x1;
	s4 =	sadd.s32 s21, s2  }
0x9d: {  	[timem:s6], [sflag:s22] =	dma.local [hbm:s4], s20  }
0x9e: {  	_ =	swait.ge [sflag:s22], s20  }
0x9f: {  	s3 =	ssub.s32 $0x0, s20;
	[sflag:s22] =	ssyncset.done $0x0  }
0xa0: {  	[sflag:s22] =	ssyncadd.s32 s3;
	_ =	sdelay $0x1  }
0xa1: {  	s23 =	simm.s32 $0x1B8B  }
0xa2: {  	_ =	swait.ge [sflag:s23], $0x1  }
0xa3: {  	[sflag:s23] =	ssyncset.done $0x0  }
0xa4: {  	s25 =	simm.s32 $0x1B8E;
	s24 =	sld [smem:$0x3FFE];
	[sflag:s23] =	ssyncadd.s32 $0xFFFFFFFF  }
0xa5: {  	s26 =	simm.s32 $execute0_lowered;
	[smem:$0x3FD2] =	sst s25  }
0xa6: {  	s4 =	sshll.u32 s26, $0x1;
	_ =	strace $0x80000049;
	[dreg:$0x1] =	wrdreg $0xFFFFFFFF  }
0xa7: {  	s28 =	simm.s32 $_size_execute0_lowered;
	s2 =	sadd.s32 s2, s4;
	[dreg:$0x0] =	wrdreg $0x0  }
0xa8: {  	s4 =	sshll.u32 s28, $0x1;
	[dreg:$0x2] =	wrdreg s2  }
0xa9: {  	[dreg:$0x3] =	wrdreg s4  }
0xaa: {  	[dreg:$0x4] =	wrdreg $0xC0  }
0xab: {  	_ =	task [dreg:s6], $0x5FFFF  }
0xac: {  	[dreg:$0x1] =	wrdreg $0xFFFFFFFF  }
0xad: {  	[dreg:$0x0] =	wrdreg $0x60  }
0xae: {  	[dreg:$0x2] =	wrdreg s24  }
0xaf: {  	[dreg:$0x3] =	wrdreg $0x9  }
0xb0: {  	_ =	task.clear_ibuf [dreg:s6], $0x4FFFF;
	_ =	strace $0x90000049  }
0xb1: {  	s29 =	simm.s32 $0x9;
	_ =	strace $0x8000004B  }
0xb2: {  	_ =	swait.ge [sflag:s29], $0x1  }
0xb3: {  	[sflag:s29] =	ssyncadd.s32 $0xFFFFFFFF  }
0xb4: {  	_ =	strace $0x9000004B  }
0xb5: {  	_ =	sfence  }
0xb6: {  	s30 =	sld [smem:$0x0];
	_ =	sdelay $0x2  }
0xb7: {  	s31 =	sshll.u32 s1, $0xD;
	s1 =	sshrl.u32 s1, $0x2  }
0xb8: {  	s3 =	sand.u32 $0x4000, s31;
	s1 =	sadd.s32 s1, s30  }
0xb9: {  	s0 =	sor.u32 s3, s0;
	s1 =	sshll.u32 s1, $0x11  }
0xba: {  	s0 =	sor.u32 s1, s0  }
0xbb: {  	s0 =	sadd.s32 $0x8F2B, s0  }
0xbc: {  	[sflag:s0] =	ssyncadd.remote.s32 $0x1  }
0xbd: {  	_ =	sfence.sel $0xFFFF  }
0xbe: {  	[dreg:$0x0] =	wrdreg $0xFFFFFFFF;
	(pc) =	sbr.abs _section_cstart, $3  }
0xbf: {  	[dreg:$0x1] =	wrdreg $0xFFFFFFFF  }
0xc0: {  	_ =	task.clear_ibuf [dreg:s6], $0x2FFFF;
	_ =	strace $0x9FFFFFFF  }
0xc1: {  	(tm) =	ssettm $0x7FFFFFFF  }
tec
execute0_lowered:
.L_overlay_start_1:
0x0: {  	(tag) =	ssettag $0x1  }
0x1: {  	s0 =	rddreg [dreg:$0x0];
	s2 =	simm.s32 $0x0  }
0x2: {  	s22 =	simm.s32 $0x80;
	[smem:$0x7FF] =	sst s2  }
0x3: {  	s23 =	simm.s32 $0x900;
	_ =	strace $0x8000004A;
	[dreg:$0x6] =	wrdreg s22  }
0x4: {  	s24 =	simm.s32 $0x1100;
	[dreg:$0x7] =	wrdreg s23  }
0x5: {  	s25 =	simm.s32 $0x1900;
	[dreg:$0x8] =	wrdreg s24  }
0x6: {  	s1 =	stileid.u32;
	s26 =	simm.s32 $0x2100;
	[dreg:$0x9] =	wrdreg s25  }
0x7: {  	s19 =	sshll.u32 s1, $0x5;
	s1 =	simm.s32 $0x2900;
	[dreg:$0xa] =	wrdreg s26  }
0x8: {  	s8 =	simm.s32 $0x4900;
	[dreg:$0xb] =	wrdreg s1  }
0x9: {  	s9 =	simm.s32 $0x5100;
	[dreg:$0xf] =	wrdreg s8  }
0xa: {  	s10 =	simm.s32 $0x5900;
	[dreg:$0x10] =	wrdreg s9  }
0xb: {  	s3 =	srdreg.scid;
	s11 =	simm.s32 $0x6100;
	[dreg:$0x11] =	wrdreg s10  }
0xc: {  	s12 =	simm.s32 $0x6900;
	s13 =	simm.s32 $0x7100;
	[dreg:$0x12] =	wrdreg s11  }
0xd: {  	s14 =	simm.s32 $0x7900;
	s15 =	simm.s32 $0x8100;
	[dreg:$0x13] =	wrdreg s12  }
0xe: {  	s16 =	simm.s32 $0x8900;
	s17 =	simm.s32 $0x9100;
	[dreg:$0x14] =	wrdreg s13  }
0xf: {  	s18 =	simm.s32 $0x9900;
	s28 =	simm.s32 $0x16900;
	[dreg:$0x15] =	wrdreg s14  }
0x10: {  	s29 =	simm.s32 $0x17100;
	s30 =	simm.s32 $0x17900;
	[dreg:$0x16] =	wrdreg s15  }
0x11: {  	s31 =	simm.s32 $0x1;
	s4 =	sand.u32 $0x1, s3;
	[dreg:$0x17] =	wrdreg s16  }
0x12: {  	s6 =	sadd.s32 $0x90200, s0;
	s5 =	sshll.u32 s4, $0x4;
	[dreg:$0x18] =	wrdreg s17  }
0x13: {  	s4 =	ssub.s32 $0x2, s4;
	[dreg:$0x19] =	wrdreg s18;
	s22 =	simm.s32 $0xB100  }
0x14: {  	s23 =	simm.s32 $0xB900;
	s24 =	simm.s32 $0xC900;
	s25 =	simm.s32 $0xD100  }
0x15: {  	s8 =	simm.s32 $0x100;
	s26 =	simm.s32 $0xD900;
	s9 =	simm.s32 $0xC100  }
0x16: {  	s11 =	simm.s32 $0xE900;
	s12 =	simm.s32 $0xF100;
	[dreg:$0x1c] =	wrdreg s22  }
0x17: {  	s13 =	simm.s32 $0xF900;
	s14 =	simm.s32 $0x10100;
	[dreg:$0x1d] =	wrdreg s23  }
0x18: {  	s15 =	simm.s32 $0x10900;
	s16 =	simm.s32 $0x11100;
	[dreg:$0x1e] =	wrdreg s24  }
0x19: {  	s17 =	simm.s32 $0x11900;
	s18 =	simm.s32 $0x12100;
	[dreg:$0x1f] =	wrdreg s25  }
0x1a: {  	s3 =	sor.u32 s5, s19;
	s19 =	sshrl.u32 s4, $0x1;
	[smem:$0x7FD] =	sst s26  }
0x1b: {  	s22 =	simm.s32 $0x14100;
	s5 =	sadd.s32 s0, s3;
	s7 =	sor.u32 $0x8, s3  }
0x1c: {  	s3 =	smul.u32 $0x300, s3;
	[dreg:$0x2] =	wrdreg s5;
	s20 =	sadd.s32 s0, s7  }
0x1d: {  	s23 =	simm.s32 $0x14900;
	s5 =	simm.s32 $0x3100;
	[dreg:$0x3] =	wrdreg s20  }
0x1e: {  	s7 =	smul.u32 $0x300, s7;
	s3 =	sadd.s32 s6, s3;
	[dreg:$0xc] =	wrdreg s5  }
0x1f: {  	s24 =	simm.s32 $0x15100;
	s20 =	simm.s32 $0xA100;
	[dreg:$0x4] =	wrdreg s3  }
0x20: {  	s25 =	simm.s32 $0x15900;
	s21 =	sadd.s32 s6, s7;
	[dreg:$0x1a] =	wrdreg s20  }
0x21: {  	s26 =	simm.s32 $0x16100;
	s6 =	simm.s32 $0x3900;
	[dreg:$0x5] =	wrdreg s21  }
0x22: {  	s5 =	sadd.s32 $0x400, s0;
	s7 =	simm.s32 $0x4100;
	[dreg:$0xd] =	wrdreg s6  }
0x23: {  	s3 =	sadd.s32 $0x200, s0;
	s20 =	simm.s32 $0x13100;
	[dreg:$0xe] =	wrdreg s7  }
0x24: {  	v2 =	vlaneseq.u32;
	s6 =	ssub.s32 s4, s19;
	s21 =	simm.s32 $0xA900;
	s4 =	sadd.s32 $0x300, s0  }
0x25: {  	vm0 =	vmmov $0xffff;
	v1 =	vshrl.u32 v2, $0x3;
	s7 =	simm.s32 $0x3;
	s19 =	simm.s32 $0x12900;
	s0 =	simm.s32 $0x2  }
0x26: {  	v0 =	vand.u32 $0x7, v2;
	v2 =	vor.u32 $0x8, v2;
	v1 =	vmul.u32 $0x8, v1;
	[dreg:$0x1b] =	wrdreg s21;
	s6 =	smax.u32 s6, $0x1;
	s21 =	simm.s32 $0x13900  }
.LBB2_1:
0x27: {  	s1 =	rddreg [dreg:$0x2]  }
0x28: {  	[tilespmem:s2], [sflag:$0x3] =	stream.linear.gather [hbm4b:s1+s2], $0x40, $0x38;
	[tilespmem:$0x18100] =	vst v63  }
0x29: {  	_ =	swait.ge [sflag:s7], $0x40  }
0x2a: {  	s1 =	rddreg [dreg:$0x3];
	[sflag:s7] =	ssyncset.done $0x0  }
0x2b: {  	s10 =	rddreg [dreg:$0x6];
	[sflag:s7] =	ssyncadd.s32 $0xFFFFFFC0  }
0x2c: {  	[tilespmem:s10], [sflag:$0x3] =	stream.linear.gather [hbm4b:s1+s2], $0x40, $0x38;
	[tilespmem:$0x18100] =	vst v63  }
0x2d: {  	_ =	swait.ge [sflag:s7], $0x40  }
0x2e: {  	[sflag:s7] =	ssyncset.done $0x0  }
0x2f: {  	[sflag:s7] =	ssyncadd.s32 $0xFFFFFFC0  }
0x30: {  	v3 =	vld [tilespmem:$0x0];
	_ =	sdelay $0x4  }
0x31: {  	v4 =	vshrl.u32 v3, $0x3  }
0x32: {  	v4 =	vmul.u32 $0x30, v4  }
0x33: {  	v3 =	vand.u32 $0x7, v3  }
0x34: {  	v3 =	vor.u32 v3, v4  }
0x35: {  	v4 =	vperm.xlane v3, v0;
	_ =	sdelay $0x1  }
0x36: {  	v4 =	vadd.s32 v1, v4;
	_ =	sdelay $0x3  }
0x37: {  	v3 =	vperm.xlane v3, v2  }
0x38: {  	[tilespmem:s8], [sflag:$0x1] =	stream.indirect_vreg.gather [hbm4b:s3+s2], $0x80, v4, vm0, $0xb8;
	[tilespmem:$0x18100] =	vst v63  }
0x39: {  	s1 =	rddreg [dreg:$0x7];
	v3 =	vadd.s32 v1, v3  }
0x3a: {  	[tilespmem:s1], [sflag:$0x1] =	stream.indirect_vreg.gather [hbm4b:s4+s2], $0x80, v4, vm0, $0xb8;
	[tilespmem:$0x18100] =	vst v63  }
0x3b: {  	s10 =	rddreg [dreg:$0x8]  }
0x3c: {  	[tilespmem:s10], [sflag:$0x1] =	stream.indirect_vreg.gather [hbm4b:s5+s2], $0x80, v4, vm0, $0xb8;
	[tilespmem:$0x18100] =	vst v63  }
0x3d: {  	s1 =	rddreg [dreg:$0x9]  }
0x3e: {  	[tilespmem:s1], [sflag:$0x1] =	stream.indirect_vreg.gather [hbm4b:s3+s2], $0x80, v3, vm0, $0xb8;
	[tilespmem:$0x18100] =	vst v63  }
0x3f: {  	s10 =	rddreg [dreg:$0xa]  }
0x40: {  	[tilespmem:s10], [sflag:$0x1] =	stream.indirect_vreg.gather [hbm4b:s4+s2], $0x80, v3, vm0, $0xb8;
	[tilespmem:$0x18100] =	vst v63  }
0x41: {  	s1 =	rddreg [dreg:$0xb]  }
0x42: {  	[tilespmem:s1], [sflag:$0x1] =	stream.indirect_vreg.gather [hbm4b:s5+s2], $0x80, v3, vm0, $0xb8;
	[tilespmem:$0x18100] =	vst v63  }
0x43: {  	v3 =	vld [tilespmem:$0x10];
	_ =	sdelay $0x4  }
0x44: {  	v57 =	vshrl.u32 v3, $0x3  }
0x45: {  	v4 =	vmul.u32 $0x30, v57  }
0x46: {  	v3 =	vand.u32 $0x7, v3  }
0x47: {  	v3 =	vor.u32 v3, v4  }
0x48: {  	v4 =	vperm.xlane v3, v0;
	_ =	sdelay $0x1  }
0x49: {  	v4 =	vadd.s32 v1, v4;
	_ =	sdelay $0x3  }
0x4a: {  	s1 =	rddreg [dreg:$0xc];
	v3 =	vperm.xlane v3, v2  }
0x4b: {  	[tilespmem:s1], [sflag:$0x1] =	stream.indirect_vreg.gather [hbm4b:s3+s2], $0x80, v4, vm0, $0xb8;
	[tilespmem:$0x18100] =	vst v63  }
0x4c: {  	s10 =	rddreg [dreg:$0xd];
	v3 =	vadd.s32 v1, v3  }
0x4d: {  	[tilespmem:s10], [sflag:$0x1] =	stream.indirect_vreg.gather [hbm4b:s4+s2], $0x80, v4, vm0, $0xb8;
	[tilespmem:$0x18100] =	vst v63  }
0x4e: {  	s1 =	rddreg [dreg:$0xe]  }
0x4f: {  	[tilespmem:s1], [sflag:$0x1] =	stream.indirect_vreg.gather [hbm4b:s5+s2], $0x80, v4, vm0, $0xb8;
	[tilespmem:$0x18100] =	vst v63  }
0x50: {  	s10 =	rddreg [dreg:$0xf]  }
0x51: {  	[tilespmem:s10], [sflag:$0x1] =	stream.indirect_vreg.gather [hbm4b:s3+s2], $0x80, v3, vm0, $0xb8;
	[tilespmem:$0x18100] =	vst v63  }
0x52: {  	s1 =	rddreg [dreg:$0x10]  }
0x53: {  	[tilespmem:s1], [sflag:$0x1] =	stream.indirect_vreg.gather [hbm4b:s4+s2], $0x80, v3, vm0, $0xb8;
	[tilespmem:$0x18100] =	vst v63  }
0x54: {  	s10 =	rddreg [dreg:$0x11]  }
0x55: {  	[tilespmem:s10], [sflag:$0x1] =	stream.indirect_vreg.gather [hbm4b:s5+s2], $0x80, v3, vm0, $0xb8;
	[tilespmem:$0x18100] =	vst v63  }
0x56: {  	v3 =	vld [tilespmem:$0x20];
	_ =	sdelay $0x4  }
0x57: {  	v58 =	vshrl.u32 v3, $0x3  }
0x58: {  	v4 =	vmul.u32 $0x30, v58  }
0x59: {  	v3 =	vand.u32 $0x7, v3  }
0x5a: {  	v3 =	vor.u32 v3, v4  }
0x5b: {  	v4 =	vperm.xlane v3, v0;
	_ =	sdelay $0x1  }
0x5c: {  	v4 =	vadd.s32 v1, v4;
	_ =	sdelay $0x3  }
0x5d: {  	s1 =	rddreg [dreg:$0x12];
	v3 =	vperm.xlane v3, v2  }
0x5e: {  	[tilespmem:s1], [sflag:$0x1] =	stream.indirect_vreg.gather [hbm4b:s3+s2], $0x80, v4, vm0, $0xb8;
	[tilespmem:$0x18100] =	vst v63  }
0x5f: {  	s10 =	rddreg [dreg:$0x13];
	v3 =	vadd.s32 v1, v3  }
0x60: {  	[tilespmem:s10], [sflag:$0x1] =	stream.indirect_vreg.gather [hbm4b:s4+s2], $0x80, v4, vm0, $0xb8;
	[tilespmem:$0x18100] =	vst v63  }
0x61: {  	s1 =	rddreg [dreg:$0x14]  }
0x62: {  	[tilespmem:s1], [sflag:$0x1] =	stream.indirect_vreg.gather [hbm4b:s5+s2], $0x80, v4, vm0, $0xb8;
	[tilespmem:$0x18100] =	vst v63  }
0x63: {  	s10 =	rddreg [dreg:$0x15]  }
0x64: {  	[tilespmem:s10], [sflag:$0x1] =	stream.indirect_vreg.gather [hbm4b:s3+s2], $0x80, v3, vm0, $0xb8;
	[tilespmem:$0x18100] =	vst v63  }
0x65: {  	s1 =	rddreg [dreg:$0x16]  }
0x66: {  	[tilespmem:s1], [sflag:$0x1] =	stream.indirect_vreg.gather [hbm4b:s4+s2], $0x80, v3, vm0, $0xb8;
	[tilespmem:$0x18100] =	vst v63  }
0x67: {  	s10 =	rddreg [dreg:$0x17]  }
0x68: {  	[tilespmem:s10], [sflag:$0x1] =	stream.indirect_vreg.gather [hbm4b:s5+s2], $0x80, v3, vm0, $0xb8;
	[tilespmem:$0x18100] =	vst v63  }
0x69: {  	v3 =	vld [tilespmem:$0x30];
	_ =	sdelay $0x4  }
0x6a: {  	v59 =	vshrl.u32 v3, $0x3  }
0x6b: {  	v4 =	vmul.u32 $0x30, v59  }
0x6c: {  	v3 =	vand.u32 $0x7, v3  }
0x6d: {  	v3 =	vor.u32 v3, v4  }
0x6e: {  	v4 =	vperm.xlane v3, v0;
	_ =	sdelay $0x1  }
0x6f: {  	v4 =	vadd.s32 v1, v4;
	_ =	sdelay $0x3  }
0x70: {  	s1 =	rddreg [dreg:$0x18];
	v3 =	vperm.xlane v3, v2  }
0x71: {  	[tilespmem:s1], [sflag:$0x1] =	stream.indirect_vreg.gather [hbm4b:s3+s2], $0x80, v4, vm0, $0xb8;
	[tilespmem:$0x18100] =	vst v63  }
0x72: {  	s10 =	rddreg [dreg:$0x19];
	v3 =	vadd.s32 v1, v3  }
0x73: {  	[tilespmem:s10], [sflag:$0x1] =	stream.indirect_vreg.gather [hbm4b:s4+s2], $0x80, v4, vm0, $0xb8;
	[tilespmem:$0x18100] =	vst v63  }
0x74: {  	s1 =	rddreg [dreg:$0x1a]  }
0x75: {  	[tilespmem:s1], [sflag:$0x1] =	stream.indirect_vreg.gather [hbm4b:s5+s2], $0x80, v4, vm0, $0xb8;
	[tilespmem:$0x18100] =	vst v63  }
0x76: {  	s10 =	rddreg [dreg:$0x1b]  }
0x77: {  	[tilespmem:s10], [sflag:$0x1] =	stream.indirect_vreg.gather [hbm4b:s3+s2], $0x80, v3, vm0, $0xb8;
	[tilespmem:$0x18100] =	vst v63  }
0x78: {  	s1 =	rddreg [dreg:$0x1c]  }
0x79: {  	[tilespmem:s1], [sflag:$0x1] =	stream.indirect_vreg.gather [hbm4b:s4+s2], $0x80, v3, vm0, $0xb8;
	[tilespmem:$0x18100] =	vst v63  }
0x7a: {  	s10 =	rddreg [dreg:$0x1d]  }
0x7b: {  	[tilespmem:s10], [sflag:$0x1] =	stream.indirect_vreg.gather [hbm4b:s5+s2], $0x80, v3, vm0, $0xb8;
	[tilespmem:$0x18100] =	vst v63  }
0x7c: {  	v3 =	vld [tilespmem:$0x80];
	_ =	sdelay $0x4  }
0x7d: {  	v60 =	vshrl.u32 v3, $0x3  }
0x7e: {  	v4 =	vmul.u32 $0x30, v60  }
0x7f: {  	v3 =	vand.u32 $0x7, v3  }
0x80: {  	v3 =	vor.u32 v3, v4  }
0x81: {  	v4 =	vperm.xlane v3, v0;
	_ =	sdelay $0x1  }
0x82: {  	v4 =	vadd.s32 v1, v4;
	_ =	sdelay $0x3  }
0x83: {  	s1 =	rddreg [dreg:$0x1e];
	v3 =	vperm.xlane v3, v2  }
0x84: {  	[tilespmem:s9], [sflag:$0x2] =	stream.indirect_vreg.gather [hbm4b:s3+s2], $0x80, v4, vm0, $0xb8;
	[tilespmem:$0x18100] =	vst v63  }
0x85: {  	s10 =	rddreg [dreg:$0x1f];
	v3 =	vadd.s32 v1, v3  }
0x86: {  	[tilespmem:s1], [sflag:$0x2] =	stream.indirect_vreg.gather [hbm4b:s4+s2], $0x80, v4, vm0, $0xb8;
	[tilespmem:$0x18100] =	vst v63  }
0x87: {  	s1 =	sld [smem:$0x7FD]  }
0x88: {  	[tilespmem:s10], [sflag:$0x2] =	stream.indirect_vreg.gather [hbm4b:s5+s2], $0x80, v4, vm0, $0xb8;
	[tilespmem:$0x18100] =	vst v63  }
0x89: {  	_ = 	snop  }
0x8a: {  	[tilespmem:s1], [sflag:$0x2] =	stream.indirect_vreg.gather [hbm4b:s3+s2], $0x80, v3, vm0, $0xb8;
	[tilespmem:$0x18100] =	vst v63  }
0x8b: {  	s10 =	simm.s32 $0xE100  }
0x8c: {  	[tilespmem:s10], [sflag:$0x2] =	stream.indirect_vreg.gather [hbm4b:s4+s2], $0x80, v3, vm0, $0xb8;
	[tilespmem:$0x18100] =	vst v63  }
0x8d: {  	_ = 	snop  }
0x8e: {  	[tilespmem:s11], [sflag:$0x2] =	stream.indirect_vreg.gather [hbm4b:s5+s2], $0x80, v3, vm0, $0xb8;
	[tilespmem:$0x18100] =	vst v63  }
0x8f: {  	v3 =	vld [tilespmem:$0x90];
	_ =	sdelay $0x4  }
0x90: {  	v61 =	vshrl.u32 v3, $0x3  }
0x91: {  	v4 =	vmul.u32 $0x30, v61  }
0x92: {  	v3 =	vand.u32 $0x7, v3  }
0x93: {  	v3 =	vor.u32 v3, v4  }
0x94: {  	v4 =	vperm.xlane v3, v0;
	_ =	sdelay $0x1  }
0x95: {  	v4 =	vadd.s32 v1, v4;
	_ =	sdelay $0x3  }
0x96: {  	v3 =	vperm.xlane v3, v2  }
0x97: {  	[tilespmem:s12], [sflag:$0x2] =	stream.indirect_vreg.gather [hbm4b:s3+s2], $0x80, v4, vm0, $0xb8;
	[tilespmem:$0x18100] =	vst v63  }
0x98: {  	v3 =	vadd.s32 v1, v3  }
0x99: {  	[tilespmem:s13], [sflag:$0x2] =	stream.indirect_vreg.gather [hbm4b:s4+s2], $0x80, v4, vm0, $0xb8;
	[tilespmem:$0x18100] =	vst v63  }
0x9a: {  	_ = 	snop  }
0x9b: {  	[tilespmem:s14], [sflag:$0x2] =	stream.indirect_vreg.gather [hbm4b:s5+s2], $0x80, v4, vm0, $0xb8;
	[tilespmem:$0x18100] =	vst v63  }
0x9c: {  	_ = 	snop  }
0x9d: {  	[tilespmem:s15], [sflag:$0x2] =	stream.indirect_vreg.gather [hbm4b:s3+s2], $0x80, v3, vm0, $0xb8;
	[tilespmem:$0x18100] =	vst v63  }
0x9e: {  	_ = 	snop  }
0x9f: {  	[tilespmem:s16], [sflag:$0x2] =	stream.indirect_vreg.gather [hbm4b:s4+s2], $0x80, v3, vm0, $0xb8;
	[tilespmem:$0x18100] =	vst v63  }
0xa0: {  	_ = 	snop  }
0xa1: {  	[tilespmem:s17], [sflag:$0x2] =	stream.indirect_vreg.gather [hbm4b:s5+s2], $0x80, v3, vm0, $0xb8;
	[tilespmem:$0x18100] =	vst v63  }
0xa2: {  	v3 =	vld [tilespmem:$0xA0];
	_ =	sdelay $0x4  }
0xa3: {  	v62 =	vshrl.u32 v3, $0x3  }
0xa4: {  	v4 =	vmul.u32 $0x30, v62  }
0xa5: {  	v3 =	vand.u32 $0x7, v3  }
0xa6: {  	v3 =	vor.u32 v3, v4  }
0xa7: {  	v4 =	vperm.xlane v3, v0;
	_ =	sdelay $0x1  }
0xa8: {  	v4 =	vadd.s32 v1, v4;
	_ =	sdelay $0x3  }
0xa9: {  	v3 =	vperm.xlane v3, v2  }
0xaa: {  	[tilespmem:s18], [sflag:$0x2] =	stream.indirect_vreg.gather [hbm4b:s3+s2], $0x80, v4, vm0, $0xb8;
	[tilespmem:$0x18100] =	vst v63  }
0xab: {  	v3 =	vadd.s32 v1, v3  }
0xac: {  	[tilespmem:s19], [sflag:$0x2] =	stream.indirect_vreg.gather [hbm4b:s4+s2], $0x80, v4, vm0, $0xb8;
	[tilespmem:$0x18100] =	vst v63  }
0xad: {  	_ = 	snop  }
0xae: {  	[tilespmem:s20], [sflag:$0x2] =	stream.indirect_vreg.gather [hbm4b:s5+s2], $0x80, v4, vm0, $0xb8;
	[tilespmem:$0x18100] =	vst v63  }
0xaf: {  	_ = 	snop  }
0xb0: {  	[tilespmem:s21], [sflag:$0x2] =	stream.indirect_vreg.gather [hbm4b:s3+s2], $0x80, v3, vm0, $0xb8;
	[tilespmem:$0x18100] =	vst v63  }
0xb1: {  	_ = 	snop  }
0xb2: {  	[tilespmem:s22], [sflag:$0x2] =	stream.indirect_vreg.gather [hbm4b:s4+s2], $0x80, v3, vm0, $0xb8;
	[tilespmem:$0x18100] =	vst v63  }
0xb3: {  	_ = 	snop  }
0xb4: {  	[tilespmem:s23], [sflag:$0x2] =	stream.indirect_vreg.gather [hbm4b:s5+s2], $0x80, v3, vm0, $0xb8;
	[tilespmem:$0x18100] =	vst v63  }
0xb5: {  	v3 =	vld [tilespmem:$0xB0];
	_ =	sdelay $0x4  }
0xb6: {  	v63 =	vshrl.u32 v3, $0x3  }
0xb7: {  	v4 =	vmul.u32 $0x30, v63  }
0xb8: {  	v3 =	vand.u32 $0x7, v3  }
0xb9: {  	v3 =	vor.u32 v3, v4  }
0xba: {  	v4 =	vperm.xlane v3, v0;
	_ =	sdelay $0x1  }
0xbb: {  	v4 =	vadd.s32 v1, v4;
	_ =	sdelay $0x3  }
0xbc: {  	v3 =	vperm.xlane v3, v2  }
0xbd: {  	[tilespmem:s24], [sflag:$0x2] =	stream.indirect_vreg.gather [hbm4b:s3+s2], $0x80, v4, vm0, $0xb8;
	[tilespmem:$0x18100] =	vst v63  }
0xbe: {  	v3 =	vadd.s32 v1, v3  }
0xbf: {  	[tilespmem:s25], [sflag:$0x2] =	stream.indirect_vreg.gather [hbm4b:s4+s2], $0x80, v4, vm0, $0xb8;
	[tilespmem:$0x18100] =	vst v63  }
0xc0: {  	_ = 	snop  }
0xc1: {  	[tilespmem:s26], [sflag:$0x2] =	stream.indirect_vreg.gather [hbm4b:s5+s2], $0x80, v4, vm0, $0xb8;
	[tilespmem:$0x18100] =	vst v63  }
0xc2: {  	_ = 	snop  }
0xc3: {  	[tilespmem:s28], [sflag:$0x2] =	stream.indirect_vreg.gather [hbm4b:s3+s2], $0x80, v3, vm0, $0xb8;
	[tilespmem:$0x18100] =	vst v63  }
0xc4: {  	_ = 	snop  }
0xc5: {  	[tilespmem:s29], [sflag:$0x2] =	stream.indirect_vreg.gather [hbm4b:s4+s2], $0x80, v3, vm0, $0xb8;
	[tilespmem:$0x18100] =	vst v63  }
0xc6: {  	_ = 	snop  }
0xc7: {  	[tilespmem:s30], [sflag:$0x2] =	stream.indirect_vreg.gather [hbm4b:s5+s2], $0x80, v3, vm0, $0xb8;
	[tilespmem:$0x18100] =	vst v63  }
0xc8: {  	_ =	swait.ge [sflag:s31], $0xC000  }
0xc9: {  	[sflag:s31] =	ssyncset.done $0x0  }
0xca: {  	s10 =	rddreg [dreg:$0x4];
	[sflag:s31] =	ssyncadd.s32 $0xFFFF4000  }
0xcb: {  	[hbm4b:s10+s2] =	stream.linear.scatter [tilespmem:s8], [sflag:$0x3], $0xC000, $0x38;
	[tilespmem:$0x18100] =	vst v63  }
0xcc: {  	_ =	swait.ge [sflag:s7], $0xC000  }
0xcd: {  	[sflag:s7] =	ssyncset.done $0x0  }
0xce: {  	[sflag:s7] =	ssyncadd.s32 $0xFFFF4000  }
0xcf: {  	_ =	swait.ge [sflag:s0], $0xC000  }
0xd0: {  	p0 =	sne.s32 s6, $0x1;
	[sflag:s0] =	ssyncset.done $0x0  }
.Ltmp0:
0xd1: {  	s10 =	rddreg [dreg:$0x5];
	[sflag:s0] =	ssyncadd.s32 $0xFFFF4000;
	(pc) =	sbr.rel @p0 .LBB2_1-.Ltmp0, $4  }
0xd2: {  	[hbm4b:s10+s2] =	stream.linear.scatter [tilespmem:s9], [sflag:$0x3], $0xC000, $0x38;
	[tilespmem:$0x18100] =	vst v63  }
0xd3: {  	_ =	swait.ge [sflag:s7], $0xC000  }
0xd4: {  	[sflag:s7] =	ssyncset.done $0x0  }
0xd5: {  	s6 =	sadd.s32 $0xFFFFFFFF, s6;
	[sflag:s7] =	ssyncadd.s32 $0xFFFF4000  }
0xd6: {  	_ =	sfence.sel $0x180000  }
0xd7: {  	[bflag:$0x0] =	sbarrier.arrive $0xFFFF  }
0xd8: {  	_ =	strace $0x9000004A  }
0xd9: {  	s0 =	stileid.u32;
	[bflag:$0x2] =	sbarrier.arrive $0xFFFF  }
0xda: {  	p0 =	sne.s32 s0, $0x0;
	s0 =	rddreg [dreg:$0x1]  }
0xdb: {  	s0 =	sadd.s32 @!p0 $0x100000, s0  }
0xdc: {  	[sflag:s0] =	ssyncadd.tile.s32 @!p0 $0x1;
	_ =	shalt  }
.Lfunc_end2:
_tile_overlayer_lowered:
.L_overlay_start_2:
0xdd: {  	(tag) =	ssettag $0x2  }
0xde: {  	s0 =	rddreg [dreg:$0x0];
	s2 =	stileid.u32  }
0xdf: {  	s1 =	rddreg [dreg:$0x1];
	p0 =	sne.s32 s2, $0x0  }
0xe0: {  	s3 =	rddreg [dreg:$0x2];
	[bflag:$0x3] =	sbarrier.arrive $0xFFFF;
	s2 =	simm.s32 @!p0 $0x1C03  }
0xe1: {  	[timem:s3], [sflag:s2] =	dma.local @!p0 [hbm:s0], s1  }
0xe2: {  	s0 =	simm.s32 @!p0 $0x3  }
0xe3: {  	_ =	swait.ge @!p0 [sflag:s0], s1  }
0xe4: {  	s1 =	ssub.s32 @!p0 $0x0, s1;
	[sflag:s0] =	ssyncset.done @!p0 $0x0  }
0xe5: {  	[sflag:s0] =	ssyncadd.s32 @!p0 s1  }
0xe6: {  	[bflag:$0x3] =	sbarrier.arrive $0xFFFF  }
0xe7: {  	_ =	shalt  }

// kernel: kernel.9.cloned.1.call-start
scs
__scs_entry_jumppad:
0x0: {  	(pc) =	sbr.rel $0x88, $3  }
0x1: {  	(tag) =	ssettag $0x0;
	lr =	simm.s32 $0x1  }
0x2: {  	[smem:$0x3F94] =	sst lr;
	_ =	strace $0xD0000000  }
0x3: {  	_ = 	snop  }
0x4: {  	_ = 	snop  }
0x5: {  	_ = 	snop  }
0x6: {  	_ = 	snop  }
0x7: {  	_ = 	snop  }
__scs_overlays_trampoline_lowered:
0x8: {  	[smem:$0x3FA3] =	sst s0  }
0x9: {  	[smem:$0x3FA4] =	sst s1  }
0xa: {  	[smem:$0x3FA5] =	sst s2  }
0xb: {  	[smem:$0x3FA6] =	sst s3  }
0xc: {  	[smem:$0x3FA7] =	sst s4  }
0xd: {  	[smem:$0x3FA8] =	sst s5  }
0xe: {  	[smem:$0x3FA9] =	sst s6  }
0xf: {  	[smem:$0x3FAA] =	sst s7  }
0x10: {  	[smem:$0x3FAB] =	sst s8  }
0x11: {  	[smem:$0x3FAC] =	sst s9;
	s0 =	simm.s32 @!p0 $0x0  }
0x12: {  	s1 =	sld [smem:$0x3F92];
	s0 =	simm.s32 @p0 $0x1  }
0x13: {  	[smem:$0x3FAD] =	sst s0;
	s0 =	simm.s32 @!p1 $0x0  }
0x14: {  	s2 =	sld [smem:$0x3F91];
	s0 =	simm.s32 @p1 $0x1  }
0x15: {  	[smem:$0x3FAE] =	sst s0;
	s0 =	simm.s32 @!p2 $0x0  }
0x16: {  	s3 =	sld [smem:$0x3FDB];
	s0 =	simm.s32 @p2 $0x1  }
0x17: {  	s4 =	simm.s32 $0x1BF5;
	[smem:$0x3FB0] =	sst s0  }
0x18: {  	s0 =	sld [smem:$0x3F93];
	_ =	swait.ge [sflag:s4], $0x0  }
0x19: {  	s7 =	sld [smem:$0x3F94]  }
0x1a: {  	s8 =	sadd.s32 $0xFFFFE003, lr  }
0x1b: {  	s9 =	sadd.s32 $0xFFFFFEF7, lr;
	s5 =	simm.s32 $0xFFFFFFFF;
	p2 =	slt.u32 s8, $0xFFFFF086  }
0x1c: {  	p1 =	slt.u32 s9, $0xF7A;
	s5 =	simm.s32 @!p2 $0x0  }
0x1d: {  	s5 =	simm.s32 @p1 $0x1;
	p0 =	seq.s32 s7, s2  }
0x1e: {  	s7 =	smul.u32 @!p0 $0xF7A, s2;
	p2 =	seq.s32 @!p0 s5, $0x0  }
0x1f: {  	s9 =	smul.u32 $0xF7A, s1;
	s8 =	simm.s32 @!p0 $0x1BF5;
	p2 =	por !p2, p0  }
0x20: {  	[sflag:s8] =	ssyncset.s32 @!p0 $0xFFFFF086;
	s6 =	sadd.s32 @!p0 s3, s7;
	s7 =	simm.s32 @!p0 $0x108  }
0x21: {  	s3 =	sadd.s32 s3, s9;
	s6 =	sadd.s32 @!p0 $0x88, s6;
	s7 =	simm.s32 @p2 $0x1082  }
0x22: {  	[simem:s7], [sflag:s8] =	dma.local @!p0 [hbm:s6], $0xF7A  }
0x23: {  	s9 =	sor.u32 $0xD0000000, s2;
	s6 =	simm.s32 $0x108;
	_ =	swait.ge @!p0 [sflag:s8], $0x0  }
0x24: {  	s3 =	sadd.s32 $0x88, s3;
	s6 =	simm.s32 @!p1 $0x1082;
	[sflag:s4] =	ssyncset.s32 $0xFFFFF086  }
0x25: {  	[simem:s6], [sflag:s4] =	dma.local [hbm:s3], $0xF7A  }
0x26: {  	[smem:$0x3F94] =	sst s1;
	(tag) =	ssettag s2;
	_ =	strace s9  }
0x27: {  	s1 =	sld [smem:$0x3FA4]  }
0x28: {  	s2 =	sld [smem:$0x3FA5]  }
0x29: {  	s4 =	sld [smem:$0x3FA7]  }
0x2a: {  	p0 =	seq.s32 s5, $0x0;
	s5 =	sld [smem:$0x3FA8]  }
0x2b: {  	s6 =	sld [smem:$0x3FA9]  }
0x2c: {  	s7 =	sld [smem:$0x3FAA]  }
0x2d: {  	s3 =	simm.s32 $0x108;
	s8 =	sld [smem:$0x3FAB]  }
0x2e: {  	s3 =	simm.s32 @!p0 $0x1082;
	s9 =	sld [smem:$0x3FAC]  }
0x2f: {  	lr =	sadd.s32 s0, s3;
	s0 =	sld [smem:$0x3FA3]  }
0x30: {  	s3 =	sld [smem:$0x3FA6]  }
0x31: {  	[smem:$0x3FAF] =	sst s10  }
0x32: {  	s10 =	sld [smem:$0x3FAD];
	_ =	sdelay $0x3  }
0x33: {  	p0 =	seq.s32 s10, $0x1;
	s10 =	sld [smem:$0x3FAF];
	_ =	sdelay $0x3  }
0x34: {  	[smem:$0x3FAF] =	sst s10  }
0x35: {  	s10 =	sld [smem:$0x3FAE];
	_ =	sdelay $0x3  }
0x36: {  	p1 =	seq.s32 s10, $0x1;
	s10 =	sld [smem:$0x3FAF];
	_ =	sdelay $0x3  }
0x37: {  	[smem:$0x3FAF] =	sst s10  }
0x38: {  	s10 =	sld [smem:$0x3FB0]  }
0x39: {  	_ = 	snop;
	(pc) =	sbr.ind lr, $3  }
0x3a: {  	_ = 	snop  }
0x3b: {  	_ = 	snop  }
0x3c: {  	p2 =	seq.s32 s10, $0x1;
	s10 =	sld [smem:$0x3FAF]  }
0x3d: {  	_ =	shalt  }
0x3e: {  	_ =	shalt  }
0x3f: {  	_ =	shalt  }
0x40: {  	_ =	shalt  }
0x41: {  	_ =	shalt  }
0x42: {  	_ =	shalt  }
0x43: {  	_ =	shalt  }
0x44: {  	_ =	shalt  }
0x45: {  	_ =	shalt  }
0x46: {  	_ =	shalt  }
0x47: {  	_ =	shalt  }
0x48: {  	_ =	shalt  }
0x49: {  	_ =	shalt  }
0x4a: {  	_ =	shalt  }
0x4b: {  	_ =	shalt  }
0x4c: {  	_ =	shalt  }
0x4d: {  	_ =	shalt  }
0x4e: {  	_ =	shalt  }
0x4f: {  	_ =	shalt  }
0x50: {  	_ =	shalt  }
0x51: {  	_ =	shalt  }
0x52: {  	_ =	shalt  }
0x53: {  	_ =	shalt  }
0x54: {  	_ =	shalt  }
0x55: {  	_ =	shalt  }
0x56: {  	_ =	shalt  }
0x57: {  	_ =	shalt  }
0x58: {  	_ =	shalt  }
0x59: {  	_ =	shalt  }
0x5a: {  	_ =	shalt  }
0x5b: {  	_ =	shalt  }
0x5c: {  	_ =	shalt  }
0x5d: {  	_ =	shalt  }
0x5e: {  	_ =	shalt  }
0x5f: {  	_ =	shalt  }
0x60: {  	_ =	shalt  }
0x61: {  	_ =	shalt  }
0x62: {  	_ =	shalt  }
0x63: {  	_ =	shalt  }
0x64: {  	_ =	shalt  }
0x65: {  	_ =	shalt  }
0x66: {  	_ =	shalt  }
0x67: {  	_ =	shalt  }
0x68: {  	_ =	shalt  }
0x69: {  	_ =	shalt  }
0x6a: {  	_ =	shalt  }
0x6b: {  	_ =	shalt  }
0x6c: {  	_ =	shalt  }
0x6d: {  	_ =	shalt  }
0x6e: {  	_ =	shalt  }
0x6f: {  	_ =	shalt  }
0x70: {  	_ =	shalt  }
0x71: {  	_ =	shalt  }
0x72: {  	_ =	shalt  }
0x73: {  	_ =	shalt  }
0x74: {  	_ =	shalt  }
0x75: {  	_ =	shalt  }
0x76: {  	_ =	shalt  }
0x77: {  	_ =	shalt  }
0x78: {  	_ =	shalt  }
0x79: {  	_ =	shalt  }
0x7a: {  	_ =	shalt  }
0x7b: {  	_ =	shalt  }
0x7c: {  	_ =	shalt  }
0x7d: {  	_ =	shalt  }
0x7e: {  	_ =	shalt  }
0x7f: {  	_ =	shalt  }
0x80: {  	_ =	shalt  }
0x81: {  	_ =	shalt  }
0x82: {  	_ =	shalt  }
0x83: {  	_ =	shalt  }
0x84: {  	_ =	shalt  }
0x85: {  	_ =	shalt  }
0x86: {  	_ =	shalt  }
0x87: {  	_ =	shalt  }
.Lfunc_end0:
.L_simem_size_0:
called_computation_lowered:
.L_overlay_start_0:
0x88: {  	s2 =	sld [smem:$0x3FD9]  }
0x89: {  	s3 =	sld [smem:$0x3FFE];
	_ =	sdelay $0x1  }
0x8a: {  	s1 =	srdreg.scid  }
0x8b: {  	s0 =	sand.u32 $0x1, s1  }
0x8c: {  	s17 =	sshll.u32 s0, $0xA;
	s2 =	sadd.s32 s3, s2  }
0x8d: {  	s2 =	sadd.s32 s2, s17  }
0x8e: {  	[smem:$0x3FBB] =	sst s2  }
0x8f: {  	_ = 	snop  }
0x90: {  	s2 =	sld [smem:$0x3FD0];
	(tm) =	ssettm $0x1  }
0x91: {  	s18 =	sld [smem:$0x3FFB];
	_ =	sdelay $0x3  }
0x92: {  	_ =	strace s18  }
0x93: {  	s3 =	sld [smem:$0x3FFC];
	_ =	sdelay $0x3  }
0x94: {  	_ =	strace s3  }
0x95: {  	s3 =	sld [smem:$0x3FFD];
	_ =	sdelay $0x3  }
0x96: {  	_ =	strace s3  }
0x97: {  	_ =	strace $0x8FFFFFFF  }
0x98: {  	s19 =	sld [smem:$0x3FDB];
	_ =	sdelay $0x1  }
0x99: {  	s4 =	simm.s32 $_scs_section_size  }
0x9a: {  	s5 =	simm.s32 $_size__tile_overlayer_lowered;
	s6 =	simm.s32 $_tile_overlayer_lowered  }
0x9b: {  	s22 =	simm.s32 $0x1BFF;
	s21 =	sshll.u32 s6, $0x1;
	s3 =	sadd.s32 s4, s19  }
0x9c: {  	s7 =	simm.s32 $0x0;
	s20 =	sshll.u32 s5, $0x1;
	s5 =	sadd.s32 s21, s3  }
0x9d: {  	[timem:s7], [sflag:s22] =	dma.local [hbm:s5], s20  }
0x9e: {  	_ =	swait.ge [sflag:s22], s20  }
0x9f: {  	s4 =	ssub.s32 $0x0, s20;
	[sflag:s22] =	ssyncset.done $0x0  }
0xa0: {  	[sflag:s22] =	ssyncadd.s32 s4;
	_ =	sdelay $0x1  }
0xa1: {  	s23 =	simm.s32 $0x1B8B  }
0xa2: {  	_ =	swait.ge [sflag:s23], $0x1  }
0xa3: {  	[sflag:s23] =	ssyncset.done $0x0  }
0xa4: {  	s25 =	simm.s32 $0x1B8E;
	s24 =	sld [smem:$0x3FFE];
	[sflag:s23] =	ssyncadd.s32 $0xFFFFFFFF  }
0xa5: {  	s26 =	simm.s32 $execute0_lowered;
	[smem:$0x3FD2] =	sst s25  }
0xa6: {  	s5 =	sshll.u32 s26, $0x1;
	_ =	strace $0x80000046;
	[dreg:$0x1] =	wrdreg $0xFFFFFFFF  }
0xa7: {  	s28 =	simm.s32 $_size_execute0_lowered;
	s3 =	sadd.s32 s3, s5;
	[dreg:$0x0] =	wrdreg $0x0  }
0xa8: {  	s5 =	sshll.u32 s28, $0x1;
	[dreg:$0x2] =	wrdreg s3  }
0xa9: {  	[dreg:$0x3] =	wrdreg s5  }
0xaa: {  	[dreg:$0x4] =	wrdreg $0xC0  }
0xab: {  	_ =	task [dreg:s7], $0x5FFFF  }
0xac: {  	[dreg:$0x1] =	wrdreg $0xFFFFFFFF  }
0xad: {  	[dreg:$0x0] =	wrdreg $0x60  }
0xae: {  	[dreg:$0x2] =	wrdreg s2  }
0xaf: {  	[dreg:$0x3] =	wrdreg s24  }
0xb0: {  	[dreg:$0x4] =	wrdreg $0x9  }
0xb1: {  	_ =	task.clear_ibuf [dreg:s7], $0x5FFFF;
	_ =	strace $0x90000046  }
0xb2: {  	s29 =	simm.s32 $0x9;
	_ =	strace $0x80000048  }
0xb3: {  	_ =	swait.ge [sflag:s29], $0x1  }
0xb4: {  	[sflag:s29] =	ssyncadd.s32 $0xFFFFFFFF  }
0xb5: {  	_ =	strace $0x90000048  }
0xb6: {  	_ =	sfence  }
0xb7: {  	s30 =	sld [smem:$0x0];
	_ =	sdelay $0x2  }
0xb8: {  	s31 =	sshll.u32 s1, $0xD;
	s1 =	sshrl.u32 s1, $0x2  }
0xb9: {  	s3 =	sand.u32 $0x4000, s31;
	s1 =	sadd.s32 s1, s30  }
0xba: {  	s0 =	sor.u32 s3, s0;
	s1 =	sshll.u32 s1, $0x11  }
0xbb: {  	s0 =	sor.u32 s1, s0  }
0xbc: {  	s0 =	sadd.s32 $0x8F2B, s0  }
0xbd: {  	[sflag:s0] =	ssyncadd.remote.s32 $0x1  }
0xbe: {  	_ =	sfence.sel $0xFFFF  }
0xbf: {  	[dreg:$0x0] =	wrdreg $0xFFFFFFFF;
	(pc) =	sbr.abs _section_cstart, $3  }
0xc0: {  	[dreg:$0x1] =	wrdreg $0xFFFFFFFF  }
0xc1: {  	_ =	task.clear_ibuf [dreg:s7], $0x2FFFF;
	_ =	strace $0x9FFFFFFF  }
0xc2: {  	(tm) =	ssettm $0x7FFFFFFF  }
0xc3: {  	_ =	shalt  }
tec
execute0_lowered:
.L_overlay_start_1:
0x0: {  	(tag) =	ssettag $0x1  }
0x1: {  	s2 =	rddreg [dreg:$0x0]  }
0x2: {  	s4 =	rddreg [dreg:$0x1];
	s3 =	simm.s32 $0x0  }
0x3: {  	s23 =	simm.s32 $0x80;
	[smem:$0x7FF] =	sst s3  }
0x4: {  	s24 =	simm.s32 $0x100;
	_ =	strace $0x80000047;
	[dreg:$0x9] =	wrdreg s23  }
0x5: {  	s25 =	simm.s32 $0xC980;
	[dreg:$0xa] =	wrdreg s24  }
0x6: {  	s7 =	simm.s32 $0xE180;
	[dreg:$0xb] =	wrdreg s25  }
0x7: {  	s0 =	srdreg.scid;
	s8 =	simm.s32 $0xE980;
	[dreg:$0xe] =	wrdreg s7  }
0x8: {  	s1 =	stileid.u32;
	s9 =	simm.s32 $0xF180;
	[dreg:$0xf] =	wrdreg s8  }
0x9: {  	s10 =	simm.s32 $0xF980;
	s11 =	simm.s32 $0x10180;
	[dreg:$0x10] =	wrdreg s9  }
0xa: {  	s12 =	simm.s32 $0x10980;
	s13 =	simm.s32 $0x11180;
	[dreg:$0x11] =	wrdreg s10  }
0xb: {  	s14 =	simm.s32 $0x11980;
	s15 =	simm.s32 $0x12180;
	[dreg:$0x12] =	wrdreg s11  }
0xc: {  	s16 =	simm.s32 $0x12980;
	s17 =	simm.s32 $0x13180;
	[dreg:$0x13] =	wrdreg s12  }
0xd: {  	s18 =	simm.s32 $0x13980;
	s28 =	simm.s32 $0x7980;
	[dreg:$0x14] =	wrdreg s13  }
0xe: {  	s29 =	simm.s32 $0x8180;
	s30 =	simm.s32 $0x8980;
	[dreg:$0x15] =	wrdreg s14  }
0xf: {  	s0 =	sand.u32 $0x1, s0;
	s1 =	sshll.u32 s1, $0x1;
	[dreg:$0x16] =	wrdreg s15  }
0x10: {  	s31 =	simm.s32 $0x9180;
	s1 =	sor.u32 s0, s1;
	[dreg:$0x17] =	wrdreg s16  }
0x11: {  	s0 =	ssub.s32 $0x2, s0;
	s7 =	simm.s32 $0x3;
	[dreg:$0x18] =	wrdreg s17  }
0x12: {  	[dreg:$0x19] =	wrdreg s18;
	s23 =	simm.s32 $0x16180;
	s24 =	simm.s32 $0x16980  }
0x13: {  	s25 =	simm.s32 $0x17180;
	s9 =	simm.s32 $0x1;
	s13 =	simm.s32 $0x980  }
0x14: {  	s14 =	simm.s32 $0x1180;
	s15 =	simm.s32 $0x1980;
	s16 =	simm.s32 $0x2180  }
0x15: {  	s17 =	simm.s32 $0x2980;
	s1 =	smul.u32 $0xC0, s1;
	[dreg:$0x1e] =	wrdreg s23  }
0x16: {  	s18 =	simm.s32 $0x3180;
	s10 =	simm.s32 $0xA980;
	[dreg:$0x1f] =	wrdreg s24  }
0x17: {  	s26 =	sshrl.u32 s0, $0x1;
	[smem:$0x7FC] =	sst s25;
	s1 =	sshrl.u32 s1, $0x3  }
0x18: {  	s0 =	ssub.s32 s0, s26;
	s26 =	simm.s32 $0x17980;
	s5 =	sadd.s32 s1, s4  }
0x19: {  	s23 =	simm.s32 $0x5980;
	[smem:$0x7FD] =	sst s26;
	s6 =	sadd.s32 $0x200, s5  }
0x1a: {  	s24 =	simm.s32 $0x6180;
	s19 =	sadd.s32 $0x208, s5;
	[dreg:$0x3] =	wrdreg s6  }
0x1b: {  	s25 =	simm.s32 $0x6980;
	s20 =	sadd.s32 $0x210, s5;
	[dreg:$0x4] =	wrdreg s19  }
0x1c: {  	s1 =	smul.u32 $0x300, s1;
	s5 =	simm.s32 $0xD180;
	[dreg:$0x5] =	wrdreg s20  }
0x1d: {  	s26 =	simm.s32 $0x7180;
	[dreg:$0xc] =	wrdreg s5;
	s6 =	simm.s32 $0xD980  }
0x1e: {  	s1 =	sadd.s32 s1, s4;
	s19 =	simm.s32 $0x14180;
	[dreg:$0xd] =	wrdreg s6  }
0x1f: {  	s4 =	sadd.s32 $0x100, s2;
	s20 =	simm.s32 $0x14980;
	[dreg:$0x1a] =	wrdreg s19  }
0x20: {  	s5 =	sadd.s32 $0x200, s2;
	s21 =	sadd.s32 $0x600, s1;
	[dreg:$0x1b] =	wrdreg s20  }
0x21: {  	s22 =	sadd.s32 $0x1E00, s1;
	s1 =	sadd.s32 $0x3600, s1;
	[dreg:$0x6] =	wrdreg s21  }
0x22: {  	s6 =	smax.u32 s0, $0x1;
	s0 =	simm.s32 $0x180;
	[dreg:$0x7] =	wrdreg s22  }
0x23: {  	v2 =	vlaneseq.u32;
	s19 =	simm.s32 $0x3980;
	[dreg:$0x8] =	wrdreg s1;
	s21 =	simm.s32 $0x15180  }
0x24: {  	vm0 =	vmmov $0xffff;
	v1 =	vshrl.u32 v2, $0x3;
	s20 =	simm.s32 $0x4180;
	s22 =	simm.s32 $0x15980;
	[dreg:$0x1c] =	wrdreg s21  }
0x25: {  	v0 =	vand.u32 $0x7, v2;
	v2 =	vor.u32 $0x8, v2;
	v1 =	vmul.u32 $0x8, v1;
	[dreg:$0x1d] =	wrdreg s22;
	s21 =	simm.s32 $0x4980;
	s22 =	simm.s32 $0x5180  }
.LBB2_1:
0x26: {  	s11 =	rddreg [dreg:$0x3]  }
0x27: {  	[tilespmem:s3], [sflag:$0x3] =	stream.linear.gather [hbm4b:s11+s3], $0x40, $0x38;
	[tilespmem:$0x18180] =	vst v63  }
0x28: {  	_ =	swait.ge [sflag:s7], $0x40  }
0x29: {  	s8 =	rddreg [dreg:$0x4];
	[sflag:s7] =	ssyncset.done $0x0  }
0x2a: {  	s12 =	rddreg [dreg:$0x9];
	[sflag:s7] =	ssyncadd.s32 $0xFFFFFFC0  }
0x2b: {  	[tilespmem:s12], [sflag:$0x3] =	stream.linear.gather [hbm4b:s8+s3], $0x40, $0x38;
	[tilespmem:$0x18180] =	vst v63  }
0x2c: {  	_ =	swait.ge [sflag:s7], $0x40  }
0x2d: {  	s12 =	rddreg [dreg:$0x5];
	[sflag:s7] =	ssyncset.done $0x0  }
0x2e: {  	s1 =	rddreg [dreg:$0xa];
	[sflag:s7] =	ssyncadd.s32 $0xFFFFFFC0  }
0x2f: {  	[tilespmem:s1], [sflag:$0x3] =	stream.linear.gather [hbm4b:s12+s3], $0x40, $0x38;
	[tilespmem:$0x18180] =	vst v63  }
0x30: {  	_ =	swait.ge [sflag:s7], $0x40  }
0x31: {  	[sflag:s7] =	ssyncset.done $0x0  }
0x32: {  	[sflag:s7] =	ssyncadd.s32 $0xFFFFFFC0  }
0x33: {  	v3 =	vld [tilespmem:$0x0];
	_ =	sdelay $0x4  }
0x34: {  	v4 =	vshrl.u32 v3, $0x3  }
0x35: {  	v4 =	vmul.u32 $0x30, v4  }
0x36: {  	v3 =	vand.u32 $0x7, v3  }
0x37: {  	v3 =	vor.u32 v3, v4  }
0x38: {  	v4 =	vperm.xlane v3, v0;
	_ =	sdelay $0x1  }
0x39: {  	v4 =	vadd.s32 v1, v4;
	_ =	sdelay $0x3  }
0x3a: {  	v3 =	vperm.xlane v3, v2  }
0x3b: {  	[tilespmem:s0], [sflag:$0x1] =	stream.indirect_vreg.gather [hbm4b:s2+s3], $0x80, v4, vm0, $0xb8;
	[tilespmem:$0x18180] =	vst v63  }
0x3c: {  	v3 =	vadd.s32 v1, v3  }
0x3d: {  	[tilespmem:s13], [sflag:$0x1] =	stream.indirect_vreg.gather [hbm4b:s4+s3], $0x80, v4, vm0, $0xb8;
	[tilespmem:$0x18180] =	vst v63  }
0x3e: {  	_ = 	snop  }
0x3f: {  	[tilespmem:s14], [sflag:$0x1] =	stream.indirect_vreg.gather [hbm4b:s5+s3], $0x80, v4, vm0, $0xb8;
	[tilespmem:$0x18180] =	vst v63  }
0x40: {  	_ = 	snop  }
0x41: {  	[tilespmem:s15], [sflag:$0x1] =	stream.indirect_vreg.gather [hbm4b:s2+s3], $0x80, v3, vm0, $0xb8;
	[tilespmem:$0x18180] =	vst v63  }
0x42: {  	_ = 	snop  }
0x43: {  	[tilespmem:s16], [sflag:$0x1] =	stream.indirect_vreg.gather [hbm4b:s4+s3], $0x80, v3, vm0, $0xb8;
	[tilespmem:$0x18180] =	vst v63  }
0x44: {  	_ = 	snop  }
0x45: {  	[tilespmem:s17], [sflag:$0x1] =	stream.indirect_vreg.gather [hbm4b:s5+s3], $0x80, v3, vm0, $0xb8;
	[tilespmem:$0x18180] =	vst v63  }
0x46: {  	v3 =	vld [tilespmem:$0x10];
	_ =	sdelay $0x4  }
0x47: {  	v53 =	vshrl.u32 v3, $0x3  }
0x48: {  	v4 =	vmul.u32 $0x30, v53  }
0x49: {  	v3 =	vand.u32 $0x7, v3  }
0x4a: {  	v3 =	vor.u32 v3, v4  }
0x4b: {  	v4 =	vperm.xlane v3, v0;
	_ =	sdelay $0x1  }
0x4c: {  	v4 =	vadd.s32 v1, v4;
	_ =	sdelay $0x3  }
0x4d: {  	v3 =	vperm.xlane v3, v2  }
0x4e: {  	[tilespmem:s18], [sflag:$0x1] =	stream.indirect_vreg.gather [hbm4b:s2+s3], $0x80, v4, vm0, $0xb8;
	[tilespmem:$0x18180] =	vst v63  }
0x4f: {  	v3 =	vadd.s32 v1, v3  }
0x50: {  	[tilespmem:s19], [sflag:$0x1] =	stream.indirect_vreg.gather [hbm4b:s4+s3], $0x80, v4, vm0, $0xb8;
	[tilespmem:$0x18180] =	vst v63  }
0x51: {  	_ = 	snop  }
0x52: {  	[tilespmem:s20], [sflag:$0x1] =	stream.indirect_vreg.gather [hbm4b:s5+s3], $0x80, v4, vm0, $0xb8;
	[tilespmem:$0x18180] =	vst v63  }
0x53: {  	_ = 	snop  }
0x54: {  	[tilespmem:s21], [sflag:$0x1] =	stream.indirect_vreg.gather [hbm4b:s2+s3], $0x80, v3, vm0, $0xb8;
	[tilespmem:$0x18180] =	vst v63  }
0x55: {  	_ = 	snop  }
0x56: {  	[tilespmem:s22], [sflag:$0x1] =	stream.indirect_vreg.gather [hbm4b:s4+s3], $0x80, v3, vm0, $0xb8;
	[tilespmem:$0x18180] =	vst v63  }
0x57: {  	_ = 	snop  }
0x58: {  	[tilespmem:s23], [sflag:$0x1] =	stream.indirect_vreg.gather [hbm4b:s5+s3], $0x80, v3, vm0, $0xb8;
	[tilespmem:$0x18180] =	vst v63  }
0x59: {  	v3 =	vld [tilespmem:$0x20];
	_ =	sdelay $0x4  }
0x5a: {  	v54 =	vshrl.u32 v3, $0x3  }
0x5b: {  	v4 =	vmul.u32 $0x30, v54  }
0x5c: {  	v3 =	vand.u32 $0x7, v3  }
0x5d: {  	v3 =	vor.u32 v3, v4  }
0x5e: {  	v4 =	vperm.xlane v3, v0;
	_ =	sdelay $0x1  }
0x5f: {  	v4 =	vadd.s32 v1, v4;
	_ =	sdelay $0x3  }
0x60: {  	v3 =	vperm.xlane v3, v2  }
0x61: {  	[tilespmem:s24], [sflag:$0x1] =	stream.indirect_vreg.gather [hbm4b:s2+s3], $0x80, v4, vm0, $0xb8;
	[tilespmem:$0x18180] =	vst v63  }
0x62: {  	v3 =	vadd.s32 v1, v3  }
0x63: {  	[tilespmem:s25], [sflag:$0x1] =	stream.indirect_vreg.gather [hbm4b:s4+s3], $0x80, v4, vm0, $0xb8;
	[tilespmem:$0x18180] =	vst v63  }
0x64: {  	_ = 	snop  }
0x65: {  	[tilespmem:s26], [sflag:$0x1] =	stream.indirect_vreg.gather [hbm4b:s5+s3], $0x80, v4, vm0, $0xb8;
	[tilespmem:$0x18180] =	vst v63  }
0x66: {  	_ = 	snop  }
0x67: {  	[tilespmem:s28], [sflag:$0x1] =	stream.indirect_vreg.gather [hbm4b:s2+s3], $0x80, v3, vm0, $0xb8;
	[tilespmem:$0x18180] =	vst v63  }
0x68: {  	_ = 	snop  }
0x69: {  	[tilespmem:s29], [sflag:$0x1] =	stream.indirect_vreg.gather [hbm4b:s4+s3], $0x80, v3, vm0, $0xb8;
	[tilespmem:$0x18180] =	vst v63  }
0x6a: {  	_ = 	snop  }
0x6b: {  	[tilespmem:s30], [sflag:$0x1] =	stream.indirect_vreg.gather [hbm4b:s5+s3], $0x80, v3, vm0, $0xb8;
	[tilespmem:$0x18180] =	vst v63  }
0x6c: {  	v3 =	vld [tilespmem:$0x30];
	_ =	sdelay $0x4  }
0x6d: {  	v55 =	vshrl.u32 v3, $0x3  }
0x6e: {  	v4 =	vmul.u32 $0x30, v55  }
0x6f: {  	v3 =	vand.u32 $0x7, v3  }
0x70: {  	v3 =	vor.u32 v3, v4  }
0x71: {  	v4 =	vperm.xlane v3, v0;
	_ =	sdelay $0x1  }
0x72: {  	v4 =	vadd.s32 v1, v4;
	_ =	sdelay $0x3  }
0x73: {  	v3 =	vperm.xlane v3, v2  }
0x74: {  	[tilespmem:s31], [sflag:$0x1] =	stream.indirect_vreg.gather [hbm4b:s2+s3], $0x80, v4, vm0, $0xb8;
	[tilespmem:$0x18180] =	vst v63  }
0x75: {  	s1 =	simm.s32 $0x9980;
	v3 =	vadd.s32 v1, v3  }
0x76: {  	[tilespmem:s1], [sflag:$0x1] =	stream.indirect_vreg.gather [hbm4b:s4+s3], $0x80, v4, vm0, $0xb8;
	[tilespmem:$0x18180] =	vst v63  }
0x77: {  	s8 =	simm.s32 $0xA180  }
0x78: {  	[tilespmem:s8], [sflag:$0x1] =	stream.indirect_vreg.gather [hbm4b:s5+s3], $0x80, v4, vm0, $0xb8;
	[tilespmem:$0x18180] =	vst v63  }
0x79: {  	_ = 	snop  }
0x7a: {  	[tilespmem:s10], [sflag:$0x1] =	stream.indirect_vreg.gather [hbm4b:s2+s3], $0x80, v3, vm0, $0xb8;
	[tilespmem:$0x18180] =	vst v63  }
0x7b: {  	s8 =	simm.s32 $0xB180  }
0x7c: {  	[tilespmem:s8], [sflag:$0x1] =	stream.indirect_vreg.gather [hbm4b:s4+s3], $0x80, v3, vm0, $0xb8;
	[tilespmem:$0x18180] =	vst v63  }
0x7d: {  	s11 =	simm.s32 $0xB980  }
0x7e: {  	[tilespmem:s11], [sflag:$0x1] =	stream.indirect_vreg.gather [hbm4b:s5+s3], $0x80, v3, vm0, $0xb8;
	[tilespmem:$0x18180] =	vst v63  }
0x7f: {  	v3 =	vld [tilespmem:$0x80];
	_ =	sdelay $0x4  }
0x80: {  	v56 =	vshrl.u32 v3, $0x3  }
0x81: {  	v4 =	vmul.u32 $0x30, v56  }
0x82: {  	v3 =	vand.u32 $0x7, v3  }
0x83: {  	v3 =	vor.u32 v3, v4  }
0x84: {  	v4 =	vperm.xlane v3, v0;
	_ =	sdelay $0x1  }
0x85: {  	v4 =	vadd.s32 v1, v4;
	_ =	sdelay $0x3  }
0x86: {  	s1 =	simm.s32 $0xC180;
	v3 =	vperm.xlane v3, v2  }
0x87: {  	[tilespmem:s1], [sflag:$0x2] =	stream.indirect_vreg.gather [hbm4b:s2+s3], $0x80, v4, vm0, $0xb8;
	[tilespmem:$0x18180] =	vst v63  }
0x88: {  	s11 =	rddreg [dreg:$0xb];
	v3 =	vadd.s32 v1, v3  }
0x89: {  	[tilespmem:s11], [sflag:$0x2] =	stream.indirect_vreg.gather [hbm4b:s4+s3], $0x80, v4, vm0, $0xb8;
	[tilespmem:$0x18180] =	vst v63  }
0x8a: {  	s12 =	rddreg [dreg:$0xc]  }
0x8b: {  	[tilespmem:s12], [sflag:$0x2] =	stream.indirect_vreg.gather [hbm4b:s5+s3], $0x80, v4, vm0, $0xb8;
	[tilespmem:$0x18180] =	vst v63  }
0x8c: {  	s11 =	rddreg [dreg:$0xd]  }
0x8d: {  	[tilespmem:s11], [sflag:$0x2] =	stream.indirect_vreg.gather [hbm4b:s2+s3], $0x80, v3, vm0, $0xb8;
	[tilespmem:$0x18180] =	vst v63  }
0x8e: {  	s12 =	rddreg [dreg:$0xe]  }
0x8f: {  	[tilespmem:s12], [sflag:$0x2] =	stream.indirect_vreg.gather [hbm4b:s4+s3], $0x80, v3, vm0, $0xb8;
	[tilespmem:$0x18180] =	vst v63  }
0x90: {  	s11 =	rddreg [dreg:$0xf]  }
0x91: {  	[tilespmem:s11], [sflag:$0x2] =	stream.indirect_vreg.gather [hbm4b:s5+s3], $0x80, v3, vm0, $0xb8;
	[tilespmem:$0x18180] =	vst v63  }
0x92: {  	v3 =	vld [tilespmem:$0x90];
	_ =	sdelay $0x4  }
0x93: {  	v57 =	vshrl.u32 v3, $0x3  }
0x94: {  	v4 =	vmul.u32 $0x30, v57  }
0x95: {  	v3 =	vand.u32 $0x7, v3  }
0x96: {  	v3 =	vor.u32 v3, v4  }
0x97: {  	v4 =	vperm.xlane v3, v0;
	_ =	sdelay $0x1  }
0x98: {  	v4 =	vadd.s32 v1, v4;
	_ =	sdelay $0x3  }
0x99: {  	s11 =	rddreg [dreg:$0x10];
	v3 =	vperm.xlane v3, v2  }
0x9a: {  	[tilespmem:s11], [sflag:$0x2] =	stream.indirect_vreg.gather [hbm4b:s2+s3], $0x80, v4, vm0, $0xb8;
	[tilespmem:$0x18180] =	vst v63  }
0x9b: {  	s12 =	rddreg [dreg:$0x11];
	v3 =	vadd.s32 v1, v3  }
0x9c: {  	[tilespmem:s12], [sflag:$0x2] =	stream.indirect_vreg.gather [hbm4b:s4+s3], $0x80, v4, vm0, $0xb8;
	[tilespmem:$0x18180] =	vst v63  }
0x9d: {  	s11 =	rddreg [dreg:$0x12]  }
0x9e: {  	[tilespmem:s11], [sflag:$0x2] =	stream.indirect_vreg.gather [hbm4b:s5+s3], $0x80, v4, vm0, $0xb8;
	[tilespmem:$0x18180] =	vst v63  }
0x9f: {  	s12 =	rddreg [dreg:$0x13]  }
0xa0: {  	[tilespmem:s12], [sflag:$0x2] =	stream.indirect_vreg.gather [hbm4b:s2+s3], $0x80, v3, vm0, $0xb8;
	[tilespmem:$0x18180] =	vst v63  }
0xa1: {  	s11 =	rddreg [dreg:$0x14]  }
0xa2: {  	[tilespmem:s11], [sflag:$0x2] =	stream.indirect_vreg.gather [hbm4b:s4+s3], $0x80, v3, vm0, $0xb8;
	[tilespmem:$0x18180] =	vst v63  }
0xa3: {  	s12 =	rddreg [dreg:$0x15]  }
0xa4: {  	[tilespmem:s12], [sflag:$0x2] =	stream.indirect_vreg.gather [hbm4b:s5+s3], $0x80, v3, vm0, $0xb8;
	[tilespmem:$0x18180] =	vst v63  }
0xa5: {  	v3 =	vld [tilespmem:$0xA0];
	_ =	sdelay $0x4  }
0xa6: {  	v58 =	vshrl.u32 v3, $0x3  }
0xa7: {  	v4 =	vmul.u32 $0x30, v58  }
0xa8: {  	v3 =	vand.u32 $0x7, v3  }
0xa9: {  	v3 =	vor.u32 v3, v4  }
0xaa: {  	v4 =	vperm.xlane v3, v0;
	_ =	sdelay $0x1  }
0xab: {  	v4 =	vadd.s32 v1, v4;
	_ =	sdelay $0x3  }
0xac: {  	s11 =	rddreg [dreg:$0x16];
	v3 =	vperm.xlane v3, v2  }
0xad: {  	[tilespmem:s11], [sflag:$0x2] =	stream.indirect_vreg.gather [hbm4b:s2+s3], $0x80, v4, vm0, $0xb8;
	[tilespmem:$0x18180] =	vst v63  }
0xae: {  	s12 =	rddreg [dreg:$0x17];
	v3 =	vadd.s32 v1, v3  }
0xaf: {  	[tilespmem:s12], [sflag:$0x2] =	stream.indirect_vreg.gather [hbm4b:s4+s3], $0x80, v4, vm0, $0xb8;
	[tilespmem:$0x18180] =	vst v63  }
0xb0: {  	s11 =	rddreg [dreg:$0x18]  }
0xb1: {  	[tilespmem:s11], [sflag:$0x2] =	stream.indirect_vreg.gather [hbm4b:s5+s3], $0x80, v4, vm0, $0xb8;
	[tilespmem:$0x18180] =	vst v63  }
0xb2: {  	s12 =	rddreg [dreg:$0x19]  }
0xb3: {  	[tilespmem:s12], [sflag:$0x2] =	stream.indirect_vreg.gather [hbm4b:s2+s3], $0x80, v3, vm0, $0xb8;
	[tilespmem:$0x18180] =	vst v63  }
0xb4: {  	s11 =	rddreg [dreg:$0x1a]  }
0xb5: {  	[tilespmem:s11], [sflag:$0x2] =	stream.indirect_vreg.gather [hbm4b:s4+s3], $0x80, v3, vm0, $0xb8;
	[tilespmem:$0x18180] =	vst v63  }
0xb6: {  	s12 =	rddreg [dreg:$0x1b]  }
0xb7: {  	[tilespmem:s12], [sflag:$0x2] =	stream.indirect_vreg.gather [hbm4b:s5+s3], $0x80, v3, vm0, $0xb8;
	[tilespmem:$0x18180] =	vst v63  }
0xb8: {  	v3 =	vld [tilespmem:$0xB0];
	_ =	sdelay $0x4  }
0xb9: {  	v59 =	vshrl.u32 v3, $0x3  }
0xba: {  	v4 =	vmul.u32 $0x30, v59  }
0xbb: {  	v3 =	vand.u32 $0x7, v3  }
0xbc: {  	v3 =	vor.u32 v3, v4  }
0xbd: {  	v4 =	vperm.xlane v3, v0;
	_ =	sdelay $0x1  }
0xbe: {  	v4 =	vadd.s32 v1, v4;
	_ =	sdelay $0x2  }
0xbf: {  	s11 =	rddreg [dreg:$0x1c]  }
0xc0: {  	s12 =	rddreg [dreg:$0x1d];
	v3 =	vperm.xlane v3, v2  }
0xc1: {  	[tilespmem:s11], [sflag:$0x2] =	stream.indirect_vreg.gather [hbm4b:s2+s3], $0x80, v4, vm0, $0xb8;
	[tilespmem:$0x18180] =	vst v63  }
0xc2: {  	v3 =	vadd.s32 v1, v3;
	s11 =	rddreg [dreg:$0x1e]  }
0xc3: {  	[tilespmem:s12], [sflag:$0x2] =	stream.indirect_vreg.gather [hbm4b:s4+s3], $0x80, v4, vm0, $0xb8;
	[tilespmem:$0x18180] =	vst v63  }
0xc4: {  	s12 =	rddreg [dreg:$0x1f]  }
0xc5: {  	[tilespmem:s11], [sflag:$0x2] =	stream.indirect_vreg.gather [hbm4b:s5+s3], $0x80, v4, vm0, $0xb8;
	[tilespmem:$0x18180] =	vst v63  }
0xc6: {  	s11 =	sld [smem:$0x7FC]  }
0xc7: {  	[tilespmem:s12], [sflag:$0x2] =	stream.indirect_vreg.gather [hbm4b:s2+s3], $0x80, v3, vm0, $0xb8;
	[tilespmem:$0x18180] =	vst v63  }
0xc8: {  	s12 =	sld [smem:$0x7FD]  }
0xc9: {  	[tilespmem:s11], [sflag:$0x2] =	stream.indirect_vreg.gather [hbm4b:s4+s3], $0x80, v3, vm0, $0xb8;
	[tilespmem:$0x18180] =	vst v63  }
0xca: {  	_ = 	snop  }
0xcb: {  	[tilespmem:s12], [sflag:$0x2] =	stream.indirect_vreg.gather [hbm4b:s5+s3], $0x80, v3, vm0, $0xb8;
	[tilespmem:$0x18180] =	vst v63  }
0xcc: {  	_ =	swait.ge [sflag:s9], $0xC000  }
0xcd: {  	[sflag:s9] =	ssyncset.done $0x0  }
0xce: {  	s12 =	rddreg [dreg:$0x6];
	[sflag:s9] =	ssyncadd.s32 $0xFFFF4000  }
0xcf: {  	[hbm4b:s12+s3] =	stream.linear.scatter [tilespmem:s0], [sflag:$0x3], $0xC000, $0x38;
	[tilespmem:$0x18180] =	vst v63  }
0xd0: {  	_ =	swait.ge [sflag:s7], $0xC000  }
0xd1: {  	[sflag:s7] =	ssyncset.done $0x0  }
0xd2: {  	[sflag:s7] =	ssyncadd.s32 $0xFFFF4000  }
0xd3: {  	v3 =	vld [tilespmem:$0x100];
	_ =	sdelay $0x4  }
0xd4: {  	v60 =	vshrl.u32 v3, $0x3  }
0xd5: {  	v4 =	vmul.u32 $0x30, v60  }
0xd6: {  	v3 =	vand.u32 $0x7, v3  }
0xd7: {  	v3 =	vor.u32 v3, v4  }
0xd8: {  	v4 =	vperm.xlane v3, v0;
	_ =	sdelay $0x1  }
0xd9: {  	v4 =	vadd.s32 v1, v4;
	_ =	sdelay $0x3  }
0xda: {  	v3 =	vperm.xlane v3, v2  }
0xdb: {  	[tilespmem:s0], [sflag:$0x1] =	stream.indirect_vreg.gather [hbm4b:s2+s3], $0x80, v4, vm0, $0xb8;
	[tilespmem:$0x18180] =	vst v63  }
0xdc: {  	v3 =	vadd.s32 v1, v3  }
0xdd: {  	[tilespmem:s13], [sflag:$0x1] =	stream.indirect_vreg.gather [hbm4b:s4+s3], $0x80, v4, vm0, $0xb8;
	[tilespmem:$0x18180] =	vst v63  }
0xde: {  	_ = 	snop  }
0xdf: {  	[tilespmem:s14], [sflag:$0x1] =	stream.indirect_vreg.gather [hbm4b:s5+s3], $0x80, v4, vm0, $0xb8;
	[tilespmem:$0x18180] =	vst v63  }
0xe0: {  	_ = 	snop  }
0xe1: {  	[tilespmem:s15], [sflag:$0x1] =	stream.indirect_vreg.gather [hbm4b:s2+s3], $0x80, v3, vm0, $0xb8;
	[tilespmem:$0x18180] =	vst v63  }
0xe2: {  	_ = 	snop  }
0xe3: {  	[tilespmem:s16], [sflag:$0x1] =	stream.indirect_vreg.gather [hbm4b:s4+s3], $0x80, v3, vm0, $0xb8;
	[tilespmem:$0x18180] =	vst v63  }
0xe4: {  	_ = 	snop  }
0xe5: {  	[tilespmem:s17], [sflag:$0x1] =	stream.indirect_vreg.gather [hbm4b:s5+s3], $0x80, v3, vm0, $0xb8;
	[tilespmem:$0x18180] =	vst v63  }
0xe6: {  	v3 =	vld [tilespmem:$0x110];
	_ =	sdelay $0x4  }
0xe7: {  	v61 =	vshrl.u32 v3, $0x3  }
0xe8: {  	v4 =	vmul.u32 $0x30, v61  }
0xe9: {  	v3 =	vand.u32 $0x7, v3  }
0xea: {  	v3 =	vor.u32 v3, v4  }
0xeb: {  	v4 =	vperm.xlane v3, v0;
	_ =	sdelay $0x1  }
0xec: {  	v4 =	vadd.s32 v1, v4;
	_ =	sdelay $0x3  }
0xed: {  	v3 =	vperm.xlane v3, v2  }
0xee: {  	[tilespmem:s18], [sflag:$0x1] =	stream.indirect_vreg.gather [hbm4b:s2+s3], $0x80, v4, vm0, $0xb8;
	[tilespmem:$0x18180] =	vst v63  }
0xef: {  	v3 =	vadd.s32 v1, v3  }
0xf0: {  	[tilespmem:s19], [sflag:$0x1] =	stream.indirect_vreg.gather [hbm4b:s4+s3], $0x80, v4, vm0, $0xb8;
	[tilespmem:$0x18180] =	vst v63  }
0xf1: {  	_ = 	snop  }
0xf2: {  	[tilespmem:s20], [sflag:$0x1] =	stream.indirect_vreg.gather [hbm4b:s5+s3], $0x80, v4, vm0, $0xb8;
	[tilespmem:$0x18180] =	vst v63  }
0xf3: {  	_ = 	snop  }
0xf4: {  	[tilespmem:s21], [sflag:$0x1] =	stream.indirect_vreg.gather [hbm4b:s2+s3], $0x80, v3, vm0, $0xb8;
	[tilespmem:$0x18180] =	vst v63  }
0xf5: {  	_ = 	snop  }
0xf6: {  	[tilespmem:s22], [sflag:$0x1] =	stream.indirect_vreg.gather [hbm4b:s4+s3], $0x80, v3, vm0, $0xb8;
	[tilespmem:$0x18180] =	vst v63  }
0xf7: {  	_ = 	snop  }
0xf8: {  	[tilespmem:s23], [sflag:$0x1] =	stream.indirect_vreg.gather [hbm4b:s5+s3], $0x80, v3, vm0, $0xb8;
	[tilespmem:$0x18180] =	vst v63  }
0xf9: {  	v3 =	vld [tilespmem:$0x120];
	_ =	sdelay $0x4  }
0xfa: {  	v62 =	vshrl.u32 v3, $0x3  }
0xfb: {  	v4 =	vmul.u32 $0x30, v62  }
0xfc: {  	v3 =	vand.u32 $0x7, v3  }
0xfd: {  	v3 =	vor.u32 v3, v4  }
0xfe: {  	v4 =	vperm.xlane v3, v0;
	_ =	sdelay $0x1  }
0xff: {  	v4 =	vadd.s32 v1, v4;
	_ =	sdelay $0x3  }
0x100: {  	v3 =	vperm.xlane v3, v2  }
0x101: {  	[tilespmem:s24], [sflag:$0x1] =	stream.indirect_vreg.gather [hbm4b:s2+s3], $0x80, v4, vm0, $0xb8;
	[tilespmem:$0x18180] =	vst v63  }
0x102: {  	v3 =	vadd.s32 v1, v3  }
0x103: {  	[tilespmem:s25], [sflag:$0x1] =	stream.indirect_vreg.gather [hbm4b:s4+s3], $0x80, v4, vm0, $0xb8;
	[tilespmem:$0x18180] =	vst v63  }
0x104: {  	_ = 	snop  }
0x105: {  	[tilespmem:s26], [sflag:$0x1] =	stream.indirect_vreg.gather [hbm4b:s5+s3], $0x80, v4, vm0, $0xb8;
	[tilespmem:$0x18180] =	vst v63  }
0x106: {  	_ = 	snop  }
0x107: {  	[tilespmem:s28], [sflag:$0x1] =	stream.indirect_vreg.gather [hbm4b:s2+s3], $0x80, v3, vm0, $0xb8;
	[tilespmem:$0x18180] =	vst v63  }
0x108: {  	_ = 	snop  }
0x109: {  	[tilespmem:s29], [sflag:$0x1] =	stream.indirect_vreg.gather [hbm4b:s4+s3], $0x80, v3, vm0, $0xb8;
	[tilespmem:$0x18180] =	vst v63  }
0x10a: {  	_ = 	snop  }
0x10b: {  	[tilespmem:s30], [sflag:$0x1] =	stream.indirect_vreg.gather [hbm4b:s5+s3], $0x80, v3, vm0, $0xb8;
	[tilespmem:$0x18180] =	vst v63  }
0x10c: {  	v3 =	vld [tilespmem:$0x130];
	_ =	sdelay $0x4  }
0x10d: {  	v63 =	vshrl.u32 v3, $0x3  }
0x10e: {  	v4 =	vmul.u32 $0x30, v63  }
0x10f: {  	v3 =	vand.u32 $0x7, v3  }
0x110: {  	v3 =	vor.u32 v3, v4  }
0x111: {  	v4 =	vperm.xlane v3, v0;
	_ =	sdelay $0x1  }
0x112: {  	v4 =	vadd.s32 v1, v4;
	_ =	sdelay $0x3  }
0x113: {  	v3 =	vperm.xlane v3, v2  }
0x114: {  	[tilespmem:s31], [sflag:$0x1] =	stream.indirect_vreg.gather [hbm4b:s2+s3], $0x80, v4, vm0, $0xb8;
	[tilespmem:$0x18180] =	vst v63  }
0x115: {  	s12 =	simm.s32 $0x9980;
	v3 =	vadd.s32 v1, v3  }
0x116: {  	[tilespmem:s12], [sflag:$0x1] =	stream.indirect_vreg.gather [hbm4b:s4+s3], $0x80, v4, vm0, $0xb8;
	[tilespmem:$0x18180] =	vst v63  }
0x117: {  	s12 =	simm.s32 $0xA180  }
0x118: {  	[tilespmem:s12], [sflag:$0x1] =	stream.indirect_vreg.gather [hbm4b:s5+s3], $0x80, v4, vm0, $0xb8;
	[tilespmem:$0x18180] =	vst v63  }
0x119: {  	_ = 	snop  }
0x11a: {  	[tilespmem:s10], [sflag:$0x1] =	stream.indirect_vreg.gather [hbm4b:s2+s3], $0x80, v3, vm0, $0xb8;
	[tilespmem:$0x18180] =	vst v63  }
0x11b: {  	_ = 	snop  }
0x11c: {  	[tilespmem:s8], [sflag:$0x1] =	stream.indirect_vreg.gather [hbm4b:s4+s3], $0x80, v3, vm0, $0xb8;
	[tilespmem:$0x18180] =	vst v63  }
0x11d: {  	s11 =	simm.s32 $0x2;
	s12 =	simm.s32 $0xB980  }
0x11e: {  	[tilespmem:s12], [sflag:$0x1] =	stream.indirect_vreg.gather [hbm4b:s5+s3], $0x80, v3, vm0, $0xb8;
	[tilespmem:$0x18180] =	vst v63  }
0x11f: {  	_ =	swait.ge [sflag:s11], $0xC000  }
0x120: {  	[sflag:s11] =	ssyncset.done $0x0  }
0x121: {  	s12 =	rddreg [dreg:$0x7];
	[sflag:s11] =	ssyncadd.s32 $0xFFFF4000  }
0x122: {  	[hbm4b:s12+s3] =	stream.linear.scatter [tilespmem:s1], [sflag:$0x3], $0xC000, $0x38;
	[tilespmem:$0x18180] =	vst v63  }
0x123: {  	_ =	swait.ge [sflag:s7], $0xC000  }
0x124: {  	[sflag:s7] =	ssyncset.done $0x0  }
0x125: {  	[sflag:s7] =	ssyncadd.s32 $0xFFFF4000  }
0x126: {  	_ =	swait.ge [sflag:s9], $0xC000  }
0x127: {  	p0 =	sne.s32 s6, $0x1;
	[sflag:s9] =	ssyncset.done $0x0  }
.Ltmp0:
0x128: {  	s12 =	rddreg [dreg:$0x8];
	[sflag:s9] =	ssyncadd.s32 $0xFFFF4000;
	(pc) =	sbr.rel @p0 .LBB2_1-.Ltmp0, $4  }
0x129: {  	[hbm4b:s12+s3] =	stream.linear.scatter [tilespmem:s0], [sflag:$0x3], $0xC000, $0x38;
	[tilespmem:$0x18180] =	vst v63  }
0x12a: {  	_ =	swait.ge [sflag:s7], $0xC000  }
0x12b: {  	[sflag:s7] =	ssyncset.done $0x0  }
0x12c: {  	s6 =	sadd.s32 $0xFFFFFFFF, s6;
	[sflag:s7] =	ssyncadd.s32 $0xFFFF4000  }
0x12d: {  	_ =	sfence.sel $0x180000  }
0x12e: {  	[bflag:$0x0] =	sbarrier.arrive $0xFFFF  }
0x12f: {  	_ =	strace $0x90000047  }
0x130: {  	s0 =	stileid.u32;
	[bflag:$0x2] =	sbarrier.arrive $0xFFFF  }
0x131: {  	p0 =	sne.s32 s0, $0x0;
	s0 =	rddreg [dreg:$0x2]  }
0x132: {  	s0 =	sadd.s32 @!p0 $0x100000, s0  }
0x133: {  	[sflag:s0] =	ssyncadd.tile.s32 @!p0 $0x1;
	_ =	shalt  }
.Lfunc_end2:
_tile_overlayer_lowered:
.L_overlay_start_2:
0x134: {  	(tag) =	ssettag $0x2  }
0x135: {  	s0 =	rddreg [dreg:$0x0];
	s2 =	stileid.u32  }
0x136: {  	s1 =	rddreg [dreg:$0x1];
	p0 =	sne.s32 s2, $0x0  }
0x137: {  	s3 =	rddreg [dreg:$0x2];
	[bflag:$0x3] =	sbarrier.arrive $0xFFFF;
	s2 =	simm.s32 @!p0 $0x1C03  }
0x138: {  	[timem:s3], [sflag:s2] =	dma.local @!p0 [hbm:s0], s1  }
0x139: {  	s0 =	simm.s32 @!p0 $0x3  }
0x13a: {  	_ =	swait.ge @!p0 [sflag:s0], s1  }
0x13b: {  	s1 =	ssub.s32 @!p0 $0x0, s1;
	[sflag:s0] =	ssyncset.done @!p0 $0x0  }
0x13c: {  	[sflag:s0] =	ssyncadd.s32 @!p0 s1  }
0x13d: {  	[bflag:$0x3] =	sbarrier.arrive $0xFFFF  }
0x13e: {  	_ =	shalt  }

</sc_bundles>
